<compile_context>
chip_gen: v7x
topology: tpu7x:2x2x1
jax: 0.10.2.dev20260603
libtpu: 0.0.44.dev20260713+nightly
codegen_flags: <defaults>
</compile_context>

<pallas_src>
import dataclasses
import functools

import jax
import jax.numpy as jnp
import numpy as np
from jax import lax
from jax.experimental import pallas as pl
from jax.experimental.pallas import tpu as pltpu
from jax.experimental.pallas import tpu_sc as plsc

EMBED_D = 32
LANES = 16
NUM_CORES = 2
NUM_SUBCORES = 16
NUM_WORKERS = NUM_CORES * NUM_SUBCORES
CHUNK = 1280
IDX_TILE = 128
GATHERS_PER_CHUNK = CHUNK // IDX_TILE

_MAGIC = 0x5F3759DF


def _rsqrt_scale(s):
    bits = plsc.bitcast(s, jnp.int32)
    y = plsc.bitcast(np.int32(_MAGIC) - (bits >> 1), jnp.float32)
    y = y * (1.5 - 0.5 * s * y * y)
    y = y * (1.5 - 0.5 * s * y * y)
    return jnp.where(s > 9.0, 3.0 * y, 1.0)


_SHUFFLE_DNUMS = lax.GatherDimensionNumbers(
    offset_dims=(), collapsed_slice_dims=(0,), start_index_map=(0,)
)


def _lane_shuffle(v, idx):
    return lax.gather(
        v,
        idx[:, None],
        dimension_numbers=_SHUFFLE_DNUMS,
        slice_sizes=(1,),
        mode=lax.GatherScatterMode.PROMISE_IN_BOUNDS,
    )


def _renorm_pair(rows, r):
    lane = lax.iota(jnp.int32, LANES)
    a0 = rows[r, pl.ds(0, LANES)]
    b0 = rows[r, pl.ds(LANES, LANES)]
    a1 = rows[r + 1, pl.ds(0, LANES)]
    b1 = rows[r + 1, pl.ds(LANES, LANES)]
    s0 = a0 * a0 + b0 * b0
    s1 = a1 * a1 + b1 * b1
    t0 = s0 + _lane_shuffle(s0, lane ^ 8)
    t1 = s1 + _lane_shuffle(s1, lane ^ 8)
    m = jnp.where(lane < 8, t0, t1)
    for p in (4, 2, 1):
        m = m + _lane_shuffle(m, lane ^ p)
    scale = _rsqrt_scale(m)
    sc0 = _lane_shuffle(scale, jnp.zeros((LANES,), jnp.int32))
    sc1 = _lane_shuffle(scale, jnp.full((LANES,), 8, jnp.int32))
    rows[r, pl.ds(0, LANES)] = a0 * sc0
    rows[r, pl.ds(LANES, LANES)] = b0 * sc0
    rows[r + 1, pl.ds(0, LANES)] = a1 * sc1
    rows[r + 1, pl.ds(LANES, LANES)] = b1 * sc1


def _renorm_chunk(rows):

    @plsc.parallel_loop(0, CHUNK, 4, unroll=2)
    def _(r):
        _renorm_pair(rows, r)
        _renorm_pair(rows, r + 2)


def _make_sc_lookup(n_rows):
    rows_per_w = n_rows // NUM_WORKERS
    n_chunks = rows_per_w // CHUNK
    idx_rows_per_w = rows_per_w // IDX_TILE
    assert rows_per_w % CHUNK == 0 and n_chunks % 2 == 0

    mesh = plsc.VectorSubcoreMesh(core_axis_name="c", subcore_axis_name="s")

    cp = pltpu.CompilerParams()
    if "needs_layout_passes" in pltpu.CompilerParams.__dataclass_fields__:
        cp = dataclasses.replace(cp, needs_layout_passes=False)
    if "use_tc_tiling_on_sc" in pltpu.CompilerParams.__dataclass_fields__:
        cp = dataclasses.replace(cp, use_tc_tiling_on_sc=False)
    if "disable_bounds_checks" in pltpu.CompilerParams.__dataclass_fields__:
        cp = dataclasses.replace(cp, disable_bounds_checks=True)

    @functools.partial(
        pl.kernel,
        out_type=jax.ShapeDtypeStruct((n_rows, EMBED_D), jnp.float32),
        mesh=mesh,
        compiler_params=cp,
        scratch_types=[
            pltpu.VMEM((idx_rows_per_w, IDX_TILE), jnp.int32),
            pltpu.VMEM((CHUNK, EMBED_D), jnp.float32),
            pltpu.VMEM((CHUNK, EMBED_D), jnp.float32),
            pltpu.SemaphoreType.DMA,
            pltpu.SemaphoreType.DMA,
            pltpu.SemaphoreType.DMA,
            pltpu.SemaphoreType.DMA,
        ],
    )
    def sc_lookup(
        idx_hbm, table_hbm, out_hbm, idx_all, rows0, rows1, gs0, gs1, os0, os1
    ):
        wid = lax.axis_index("s") * NUM_CORES + lax.axis_index("c")
        row_base = wid * rows_per_w
        irow_base = wid * idx_rows_per_w

        pltpu.sync_copy(idx_hbm.at[pl.ds(irow_base, idx_rows_per_w)], idx_all)

        def start_gather(rows_buf, sem, c):
            for k in range(GATHERS_PER_CHUNK):
                pltpu.async_copy(
                    table_hbm.at[idx_all.at[c * GATHERS_PER_CHUNK + k]],
                    rows_buf.at[pl.ds(k * IDX_TILE, IDX_TILE)],
                    sem,
                )

        def wait_gather(rows_buf, sem, c):
            for k in range(GATHERS_PER_CHUNK):
                pltpu.make_async_copy(
                    table_hbm.at[idx_all.at[c * GATHERS_PER_CHUNK + k]],
                    rows_buf.at[pl.ds(k * IDX_TILE, IDX_TILE)],
                    sem,
                ).wait()

        def start_out(rows_buf, sem, c):
            pltpu.async_copy(
                rows_buf, out_hbm.at[pl.ds(row_base + c * CHUNK, CHUNK)], sem
            )

        def wait_out(rows_buf, sem, c):
            pltpu.make_async_copy(
                rows_buf, out_hbm.at[pl.ds(row_base + c * CHUNK, CHUNK)], sem
            ).wait()

        start_gather(rows0, gs0, 0)

        @pl.loop(0, n_chunks, step=2)
        def _(c):
            @pl.when(c >= 1)
            def _():
                wait_out(rows1, os1, c - 1)

            start_gather(rows1, gs1, c + 1)
            wait_gather(rows0, gs0, c)
            _renorm_chunk(rows0)
            start_out(rows0, os0, c)

            @pl.when(c + 2 < n_chunks)
            def _():
                wait_out(rows0, os0, c)
                start_gather(rows0, gs0, c + 2)

            wait_gather(rows1, gs1, c + 1)
            _renorm_chunk(rows1)
            start_out(rows1, os1, c + 1)

        wait_out(rows0, os0, n_chunks - 2)
        wait_out(rows1, os1, n_chunks - 1)

    return sc_lookup


def kernel(nouns_idx_tensor, conceptnet_embeddings):
    b, l = nouns_idx_tensor.shape
    n_rows = b * l
    idx2d = nouns_idx_tensor.reshape(n_rows // IDX_TILE, IDX_TILE).astype(jnp.int32)
    out = _make_sc_lookup(n_rows)(idx2d, conceptnet_embeddings)
    return out.reshape(b, l, EMBED_D)

# --- scband reference (transcript-rebuilt; emitter-appended) ---
"""Pipeline reference for scband-ontological-encoder-67791763800599 (READ-ONLY COPY).

The authoritative reference and input builder live on the scoring server;
editing this copy changes nothing except your own understanding.
"""

import jax, jax.numpy as jnp
import numpy as np

VOCAB = 1000000
EMBED_DIM = 32
MAX_NORM = 3.0


def setup_inputs(seed: int = 0) -> dict:
    key = jax.random.key(seed)
    k_idx, k_tab = jax.random.split(key)
    nouns_idx_tensor = jax.random.randint(k_idx, (16384, 50), 0, VOCAB, dtype=jnp.int64)
    # pretrained ConceptNet-style embedding table (frozen)
    conceptnet_embeddings = jax.random.normal(k_tab, (VOCAB, EMBED_DIM), dtype=jnp.float32)
    return {"nouns_idx_tensor": nouns_idx_tensor, "conceptnet_embeddings": conceptnet_embeddings}


def reference(nouns_idx_tensor, conceptnet_embeddings):
    # nn.Embedding lookup with max_norm=3.0:
    # gather rows, then renormalize any row whose L2 norm exceeds max_norm.
    Hs = jnp.take(conceptnet_embeddings, nouns_idx_tensor, axis=0)  # [B, L, D]
    norms = jnp.linalg.norm(Hs, axis=-1, keepdims=True)
    scale = jnp.where(norms > MAX_NORM, MAX_NORM / jnp.maximum(norms, 1e-12), 1.0)
    Hs = Hs * scale
    return Hs

if __name__ == "__main__":
    import jax
    _d = setup_inputs()
    print(jax.jit(kernel)(*tuple(_d.values())))

</pallas_src>

<mosaic_0001>
#map = affine_map<(d0, d1) -> (0, 0)>
module attributes {stable_mosaic.version = 14 : i64} {
  func.func @sc_lookup(%arg0: i32, %arg1: i32, %arg2: memref<6400x128xi32, #tpu.memory_space<hbm>>, %arg3: memref<1000000x32xf32, #tpu.memory_space<hbm>>, %arg4: memref<819200x32xf32, #tpu.memory_space<hbm>>, %arg5: memref<200x128xi32, #tpu.memory_space<vmem>>, %arg6: memref<1280x32xf32, #tpu.memory_space<vmem>>, %arg7: memref<1280x32xf32, #tpu.memory_space<vmem>>, %arg8: memref<!tpu.dma_semaphore, #tpu.memory_space<semaphore_mem>>, %arg9: memref<!tpu.dma_semaphore, #tpu.memory_space<semaphore_mem>>, %arg10: memref<!tpu.dma_semaphore, #tpu.memory_space<semaphore_mem>>, %arg11: memref<!tpu.dma_semaphore, #tpu.memory_space<semaphore_mem>>) attributes {dimension_semantics = [#tpu.dimension_semantics<core_parallel>, #tpu.dimension_semantics<subcore_parallel>], iteration_bounds = array<i64: 2, 16>, scalar_prefetch = 0 : i64, scratch_operands = 7 : i64, tpu.core_type = #tpu.core_type<sc_vector_subcore>, window_params = [{transform_indices = #map}, {transform_indices = #map}, {transform_indices = #map}]} {
    %mul3A = arith.constant 2 : i32
    %mul3A_0 = arith.muli %arg1, %mul3A : i32
    %add3A = arith.addi %mul3A_0, %arg0 : i32
    %mul3A_1 = arith.constant 25600 : i32
    %mul3A_2 = arith.muli %add3A, %mul3A_1 : i32
    %mul3A_3 = arith.constant 200 : i32
    %mul3A_4 = arith.muli %add3A, %mul3A_3 : i32
    "tpu.region"() ({
      %run_scoped3A = tpu.sem_alloc : memref<!tpu.dma_semaphore, #tpu.memory_space<semaphore_mem>>
      %dma_start3A_119 = arith.constant 0 : i32
      %dma_start3A_120 = tpu.memref_slice %arg2[%mul3A_4, %dma_start3A_119] : memref<6400x128xi32, #tpu.memory_space<hbm>> -> memref<200x128xi32, #tpu.memory_space<hbm>>
      %dma_start3A_121 = arith.constant 0 : i32
      %dma_start3A_122 = tpu.memref_slice %arg2[%mul3A_4, %dma_start3A_121] : memref<6400x128xi32, #tpu.memory_space<hbm>> -> memref<200x128xi32, #tpu.memory_space<hbm>>
      tpu.enqueue_dma source(%dma_start3A_122 : memref<200x128xi32, #tpu.memory_space<hbm>>) target(%arg5 : memref<200x128xi32, #tpu.memory_space<vmem>>) target_semaphore(%run_scoped3A : memref<!tpu.dma_semaphore, #tpu.memory_space<semaphore_mem>>)
      %dma_wait3A_123 = arith.constant 0 : i32
      %dma_wait3A_124 = tpu.memref_slice %arg2[%mul3A_4, %dma_wait3A_123] : memref<6400x128xi32, #tpu.memory_space<hbm>> -> memref<200x128xi32, #tpu.memory_space<hbm>>
      %dma_wait3A_125 = arith.constant 0 : i32
      %dma_wait3A_126 = tpu.memref_slice %arg2[%mul3A_4, %dma_wait3A_125] : memref<6400x128xi32, #tpu.memory_space<hbm>> -> memref<200x128xi32, #tpu.memory_space<hbm>>
      tpu.wait_dma2 semaphore(%run_scoped3A : memref<!tpu.dma_semaphore, #tpu.memory_space<semaphore_mem>>) src(%dma_wait3A_126 : memref<200x128xi32, #tpu.memory_space<hbm>>) dst(%arg5 : memref<200x128xi32, #tpu.memory_space<vmem>>)
      tpu.yield
    }) : () -> ()
    %dma_start3A = arith.constant 0 : i32
    %dma_start3A_5 = arith.constant 0 : i32
    %dma_start3A_6 = arith.constant 0 : i32
    %dma_start3A_7 = tpu.memref_slice %arg6[%dma_start3A_5, %dma_start3A_6] : memref<1280x32xf32, #tpu.memory_space<vmem>> -> memref<128x32xf32, #tpu.memory_space<vmem>>
    %dma_start3A_8 = arith.constant 0 : i32
    %dma_start3A_9 = tpu.memref_slice %arg5[%dma_start3A, %dma_start3A_8] : memref<200x128xi32, #tpu.memory_space<vmem>> -> memref<1x128xi32, #tpu.memory_space<vmem>>
    %dma_start3A_10 = tpu.memref_squeeze %dma_start3A_9 : memref<1x128xi32, #tpu.memory_space<vmem>> -> memref<128xi32, #tpu.memory_space<vmem>>
    %dma_start3A_11 = arith.constant 0 : i32
    %dma_start3A_12 = arith.constant 0 : i32
    %dma_start3A_13 = tpu.memref_slice %arg3[%dma_start3A_11, %dma_start3A_12] : memref<1000000x32xf32, #tpu.memory_space<hbm>> -> memref<1000000x32xf32, #tpu.memory_space<hbm>>
    tpu.enqueue_indirect_dma source(%dma_start3A_13 : memref<1000000x32xf32, #tpu.memory_space<hbm>>) target(%dma_start3A_7 : memref<128x32xf32, #tpu.memory_space<vmem>>) offsets(%dma_start3A_10 : memref<128xi32, #tpu.memory_space<vmem>>) semaphore(%arg8 : memref<!tpu.dma_semaphore, #tpu.memory_space<semaphore_mem>>)
    %dma_start3A_14 = arith.constant 1 : i32
    %dma_start3A_15 = arith.constant 128 : i32
    %dma_start3A_16 = arith.constant 0 : i32
    %dma_start3A_17 = tpu.memref_slice %arg6[%dma_start3A_15, %dma_start3A_16] : memref<1280x32xf32, #tpu.memory_space<vmem>> -> memref<128x32xf32, #tpu.memory_space<vmem>>
    %dma_start3A_18 = arith.constant 0 : i32
    %dma_start3A_19 = tpu.memref_slice %arg5[%dma_start3A_14, %dma_start3A_18] : memref<200x128xi32, #tpu.memory_space<vmem>> -> memref<1x128xi32, #tpu.memory_space<vmem>>
    %dma_start3A_20 = tpu.memref_squeeze %dma_start3A_19 : memref<1x128xi32, #tpu.memory_space<vmem>> -> memref<128xi32, #tpu.memory_space<vmem>>
    %dma_start3A_21 = arith.constant 0 : i32
    %dma_start3A_22 = arith.constant 0 : i32
    %dma_start3A_23 = tpu.memref_slice %arg3[%dma_start3A_21, %dma_start3A_22] : memref<1000000x32xf32, #tpu.memory_space<hbm>> -> memref<1000000x32xf32, #tpu.memory_space<hbm>>
    tpu.enqueue_indirect_dma source(%dma_start3A_23 : memref<1000000x32xf32, #tpu.memory_space<hbm>>) target(%dma_start3A_17 : memref<128x32xf32, #tpu.memory_space<vmem>>) offsets(%dma_start3A_20 : memref<128xi32, #tpu.memory_space<vmem>>) semaphore(%arg8 : memref<!tpu.dma_semaphore, #tpu.memory_space<semaphore_mem>>)
    %dma_start3A_24 = arith.constant 2 : i32
    %dma_start3A_25 = arith.constant 256 : i32
    %dma_start3A_26 = arith.constant 0 : i32
    %dma_start3A_27 = tpu.memref_slice %arg6[%dma_start3A_25, %dma_start3A_26] : memref<1280x32xf32, #tpu.memory_space<vmem>> -> memref<128x32xf32, #tpu.memory_space<vmem>>
    %dma_start3A_28 = arith.constant 0 : i32
    %dma_start3A_29 = tpu.memref_slice %arg5[%dma_start3A_24, %dma_start3A_28] : memref<200x128xi32, #tpu.memory_space<vmem>> -> memref<1x128xi32, #tpu.memory_space<vmem>>
    %dma_start3A_30 = tpu.memref_squeeze %dma_start3A_29 : memref<1x128xi32, #tpu.memory_space<vmem>> -> memref<128xi32, #tpu.memory_space<vmem>>
    %dma_start3A_31 = arith.constant 0 : i32
    %dma_start3A_32 = arith.constant 0 : i32
    %dma_start3A_33 = tpu.memref_slice %arg3[%dma_start3A_31, %dma_start3A_32] : memref<1000000x32xf32, #tpu.memory_space<hbm>> -> memref<1000000x32xf32, #tpu.memory_space<hbm>>
    tpu.enqueue_indirect_dma source(%dma_start3A_33 : memref<1000000x32xf32, #tpu.memory_space<hbm>>) target(%dma_start3A_27 : memref<128x32xf32, #tpu.memory_space<vmem>>) offsets(%dma_start3A_30 : memref<128xi32, #tpu.memory_space<vmem>>) semaphore(%arg8 : memref<!tpu.dma_semaphore, #tpu.memory_space<semaphore_mem>>)
    %dma_start3A_34 = arith.constant 3 : i32
    %dma_start3A_35 = arith.constant 384 : i32
    %dma_start3A_36 = arith.constant 0 : i32
    %dma_start3A_37 = tpu.memref_slice %arg6[%dma_start3A_35, %dma_start3A_36] : memref<1280x32xf32, #tpu.memory_space<vmem>> -> memref<128x32xf32, #tpu.memory_space<vmem>>
    %dma_start3A_38 = arith.constant 0 : i32
    %dma_start3A_39 = tpu.memref_slice %arg5[%dma_start3A_34, %dma_start3A_38] : memref<200x128xi32, #tpu.memory_space<vmem>> -> memref<1x128xi32, #tpu.memory_space<vmem>>
    %dma_start3A_40 = tpu.memref_squeeze %dma_start3A_39 : memref<1x128xi32, #tpu.memory_space<vmem>> -> memref<128xi32, #tpu.memory_space<vmem>>
    %dma_start3A_41 = arith.constant 0 : i32
    %dma_start3A_42 = arith.constant 0 : i32
    %dma_start3A_43 = tpu.memref_slice %arg3[%dma_start3A_41, %dma_start3A_42] : memref<1000000x32xf32, #tpu.memory_space<hbm>> -> memref<1000000x32xf32, #tpu.memory_space<hbm>>
    tpu.enqueue_indirect_dma source(%dma_start3A_43 : memref<1000000x32xf32, #tpu.memory_space<hbm>>) target(%dma_start3A_37 : memref<128x32xf32, #tpu.memory_space<vmem>>) offsets(%dma_start3A_40 : memref<128xi32, #tpu.memory_space<vmem>>) semaphore(%arg8 : memref<!tpu.dma_semaphore, #tpu.memory_space<semaphore_mem>>)
    %dma_start3A_44 = arith.constant 4 : i32
    %dma_start3A_45 = arith.constant 512 : i32
    %dma_start3A_46 = arith.constant 0 : i32
    %dma_start3A_47 = tpu.memref_slice %arg6[%dma_start3A_45, %dma_start3A_46] : memref<1280x32xf32, #tpu.memory_space<vmem>> -> memref<128x32xf32, #tpu.memory_space<vmem>>
    %dma_start3A_48 = arith.constant 0 : i32
    %dma_start3A_49 = tpu.memref_slice %arg5[%dma_start3A_44, %dma_start3A_48] : memref<200x128xi32, #tpu.memory_space<vmem>> -> memref<1x128xi32, #tpu.memory_space<vmem>>
    %dma_start3A_50 = tpu.memref_squeeze %dma_start3A_49 : memref<1x128xi32, #tpu.memory_space<vmem>> -> memref<128xi32, #tpu.memory_space<vmem>>
    %dma_start3A_51 = arith.constant 0 : i32
    %dma_start3A_52 = arith.constant 0 : i32
    %dma_start3A_53 = tpu.memref_slice %arg3[%dma_start3A_51, %dma_start3A_52] : memref<1000000x32xf32, #tpu.memory_space<hbm>> -> memref<1000000x32xf32, #tpu.memory_space<hbm>>
    tpu.enqueue_indirect_dma source(%dma_start3A_53 : memref<1000000x32xf32, #tpu.memory_space<hbm>>) target(%dma_start3A_47 : memref<128x32xf32, #tpu.memory_space<vmem>>) offsets(%dma_start3A_50 : memref<128xi32, #tpu.memory_space<vmem>>) semaphore(%arg8 : memref<!tpu.dma_semaphore, #tpu.memory_space<semaphore_mem>>)
    %dma_start3A_54 = arith.constant 5 : i32
    %dma_start3A_55 = arith.constant 640 : i32
    %dma_start3A_56 = arith.constant 0 : i32
    %dma_start3A_57 = tpu.memref_slice %arg6[%dma_start3A_55, %dma_start3A_56] : memref<1280x32xf32, #tpu.memory_space<vmem>> -> memref<128x32xf32, #tpu.memory_space<vmem>>
    %dma_start3A_58 = arith.constant 0 : i32
    %dma_start3A_59 = tpu.memref_slice %arg5[%dma_start3A_54, %dma_start3A_58] : memref<200x128xi32, #tpu.memory_space<vmem>> -> memref<1x128xi32, #tpu.memory_space<vmem>>
    %dma_start3A_60 = tpu.memref_squeeze %dma_start3A_59 : memref<1x128xi32, #tpu.memory_space<vmem>> -> memref<128xi32, #tpu.memory_space<vmem>>
    %dma_start3A_61 = arith.constant 0 : i32
    %dma_start3A_62 = arith.constant 0 : i32
    %dma_start3A_63 = tpu.memref_slice %arg3[%dma_start3A_61, %dma_start3A_62] : memref<1000000x32xf32, #tpu.memory_space<hbm>> -> memref<1000000x32xf32, #tpu.memory_space<hbm>>
    tpu.enqueue_indirect_dma source(%dma_start3A_63 : memref<1000000x32xf32, #tpu.memory_space<hbm>>) target(%dma_start3A_57 : memref<128x32xf32, #tpu.memory_space<vmem>>) offsets(%dma_start3A_60 : memref<128xi32, #tpu.memory_space<vmem>>) semaphore(%arg8 : memref<!tpu.dma_semaphore, #tpu.memory_space<semaphore_mem>>)
    %dma_start3A_64 = arith.constant 6 : i32
    %dma_start3A_65 = arith.constant 768 : i32
    %dma_start3A_66 = arith.constant 0 : i32
    %dma_start3A_67 = tpu.memref_slice %arg6[%dma_start3A_65, %dma_start3A_66] : memref<1280x32xf32, #tpu.memory_space<vmem>> -> memref<128x32xf32, #tpu.memory_space<vmem>>
    %dma_start3A_68 = arith.constant 0 : i32
    %dma_start3A_69 = tpu.memref_slice %arg5[%dma_start3A_64, %dma_start3A_68] : memref<200x128xi32, #tpu.memory_space<vmem>> -> memref<1x128xi32, #tpu.memory_space<vmem>>
    %dma_start3A_70 = tpu.memref_squeeze %dma_start3A_69 : memref<1x128xi32, #tpu.memory_space<vmem>> -> memref<128xi32, #tpu.memory_space<vmem>>
    %dma_start3A_71 = arith.constant 0 : i32
    %dma_start3A_72 = arith.constant 0 : i32
    %dma_start3A_73 = tpu.memref_slice %arg3[%dma_start3A_71, %dma_start3A_72] : memref<1000000x32xf32, #tpu.memory_space<hbm>> -> memref<1000000x32xf32, #tpu.memory_space<hbm>>
    tpu.enqueue_indirect_dma source(%dma_start3A_73 : memref<1000000x32xf32, #tpu.memory_space<hbm>>) target(%dma_start3A_67 : memref<128x32xf32, #tpu.memory_space<vmem>>) offsets(%dma_start3A_70 : memref<128xi32, #tpu.memory_space<vmem>>) semaphore(%arg8 : memref<!tpu.dma_semaphore, #tpu.memory_space<semaphore_mem>>)
    %dma_start3A_74 = arith.constant 7 : i32
    %dma_start3A_75 = arith.constant 896 : i32
    %dma_start3A_76 = arith.constant 0 : i32
    %dma_start3A_77 = tpu.memref_slice %arg6[%dma_start3A_75, %dma_start3A_76] : memref<1280x32xf32, #tpu.memory_space<vmem>> -> memref<128x32xf32, #tpu.memory_space<vmem>>
    %dma_start3A_78 = arith.constant 0 : i32
    %dma_start3A_79 = tpu.memref_slice %arg5[%dma_start3A_74, %dma_start3A_78] : memref<200x128xi32, #tpu.memory_space<vmem>> -> memref<1x128xi32, #tpu.memory_space<vmem>>
    %dma_start3A_80 = tpu.memref_squeeze %dma_start3A_79 : memref<1x128xi32, #tpu.memory_space<vmem>> -> memref<128xi32, #tpu.memory_space<vmem>>
    %dma_start3A_81 = arith.constant 0 : i32
    %dma_start3A_82 = arith.constant 0 : i32
    %dma_start3A_83 = tpu.memref_slice %arg3[%dma_start3A_81, %dma_start3A_82] : memref<1000000x32xf32, #tpu.memory_space<hbm>> -> memref<1000000x32xf32, #tpu.memory_space<hbm>>
    tpu.enqueue_indirect_dma source(%dma_start3A_83 : memref<1000000x32xf32, #tpu.memory_space<hbm>>) target(%dma_start3A_77 : memref<128x32xf32, #tpu.memory_space<vmem>>) offsets(%dma_start3A_80 : memref<128xi32, #tpu.memory_space<vmem>>) semaphore(%arg8 : memref<!tpu.dma_semaphore, #tpu.memory_space<semaphore_mem>>)
    %dma_start3A_84 = arith.constant 8 : i32
    %dma_start3A_85 = arith.constant 1024 : i32
    %dma_start3A_86 = arith.constant 0 : i32
    %dma_start3A_87 = tpu.memref_slice %arg6[%dma_start3A_85, %dma_start3A_86] : memref<1280x32xf32, #tpu.memory_space<vmem>> -> memref<128x32xf32, #tpu.memory_space<vmem>>
    %dma_start3A_88 = arith.constant 0 : i32
    %dma_start3A_89 = tpu.memref_slice %arg5[%dma_start3A_84, %dma_start3A_88] : memref<200x128xi32, #tpu.memory_space<vmem>> -> memref<1x128xi32, #tpu.memory_space<vmem>>
    %dma_start3A_90 = tpu.memref_squeeze %dma_start3A_89 : memref<1x128xi32, #tpu.memory_space<vmem>> -> memref<128xi32, #tpu.memory_space<vmem>>
    %dma_start3A_91 = arith.constant 0 : i32
    %dma_start3A_92 = arith.constant 0 : i32
    %dma_start3A_93 = tpu.memref_slice %arg3[%dma_start3A_91, %dma_start3A_92] : memref<1000000x32xf32, #tpu.memory_space<hbm>> -> memref<1000000x32xf32, #tpu.memory_space<hbm>>
    tpu.enqueue_indirect_dma source(%dma_start3A_93 : memref<1000000x32xf32, #tpu.memory_space<hbm>>) target(%dma_start3A_87 : memref<128x32xf32, #tpu.memory_space<vmem>>) offsets(%dma_start3A_90 : memref<128xi32, #tpu.memory_space<vmem>>) semaphore(%arg8 : memref<!tpu.dma_semaphore, #tpu.memory_space<semaphore_mem>>)
    %dma_start3A_94 = arith.constant 9 : i32
    %dma_start3A_95 = arith.constant 1152 : i32
    %dma_start3A_96 = arith.constant 0 : i32
    %dma_start3A_97 = tpu.memref_slice %arg6[%dma_start3A_95, %dma_start3A_96] : memref<1280x32xf32, #tpu.memory_space<vmem>> -> memref<128x32xf32, #tpu.memory_space<vmem>>
    %dma_start3A_98 = arith.constant 0 : i32
    %dma_start3A_99 = tpu.memref_slice %arg5[%dma_start3A_94, %dma_start3A_98] : memref<200x128xi32, #tpu.memory_space<vmem>> -> memref<1x128xi32, #tpu.memory_space<vmem>>
    %dma_start3A_100 = tpu.memref_squeeze %dma_start3A_99 : memref<1x128xi32, #tpu.memory_space<vmem>> -> memref<128xi32, #tpu.memory_space<vmem>>
    %dma_start3A_101 = arith.constant 0 : i32
    %dma_start3A_102 = arith.constant 0 : i32
    %dma_start3A_103 = tpu.memref_slice %arg3[%dma_start3A_101, %dma_start3A_102] : memref<1000000x32xf32, #tpu.memory_space<hbm>> -> memref<1000000x32xf32, #tpu.memory_space<hbm>>
    tpu.enqueue_indirect_dma source(%dma_start3A_103 : memref<1000000x32xf32, #tpu.memory_space<hbm>>) target(%dma_start3A_97 : memref<128x32xf32, #tpu.memory_space<vmem>>) offsets(%dma_start3A_100 : memref<128xi32, #tpu.memory_space<vmem>>) semaphore(%arg8 : memref<!tpu.dma_semaphore, #tpu.memory_space<semaphore_mem>>)
    %scan3A = arith.constant 0 : i32
    %scan3A_104 = arith.constant 10 : i32
    %scan3A_105 = arith.addi %scan3A, %scan3A_104 : i32
    %scan3A_106 = arith.constant 1 : i32
    scf.for %scan3A_119 = %scan3A to %scan3A_105 step %scan3A_106  : i32 {
      %mul3A_120 = arith.constant 2 : i32
      %mul3A_121 = arith.muli %scan3A_119, %mul3A_120 : i32
      %add3A_122 = arith.constant 0 : i32
      %add3A_123 = arith.addi %add3A_122, %mul3A_121 : i32
      %ge3A = arith.constant 1 : i32
      %ge3A_124 = arith.cmpi sge, %add3A_123, %ge3A : i32
      %convert_element_type3A = arith.extui %ge3A_124 : i1 to i32
      %cond3A = arith.constant 0 : i32
      %cond3A_125 = arith.cmpi ne, %convert_element_type3A, %cond3A : i32
      scf.if %cond3A_125 {
        %sub3A = arith.constant 1 : i32
        %sub3A_547 = arith.subi %add3A_123, %sub3A : i32
        %mul3A_548 = arith.constant 1280 : i32
        %mul3A_549 = arith.muli %sub3A_547, %mul3A_548 : i32
        %add3A_550 = arith.addi %mul3A_2, %mul3A_549 : i32
        %dma_wait3A_551 = arith.constant 0 : i32
        %dma_wait3A_552 = tpu.memref_slice %arg4[%add3A_550, %dma_wait3A_551] : memref<819200x32xf32, #tpu.memory_space<hbm>> -> memref<1280x32xf32, #tpu.memory_space<hbm>>
        %dma_wait3A_553 = arith.constant 0 : i32
        %dma_wait3A_554 = tpu.memref_slice %arg4[%add3A_550, %dma_wait3A_553] : memref<819200x32xf32, #tpu.memory_space<hbm>> -> memref<1280x32xf32, #tpu.memory_space<hbm>>
        tpu.wait_dma2 semaphore(%arg11 : memref<!tpu.dma_semaphore, #tpu.memory_space<semaphore_mem>>) src(%arg7 : memref<1280x32xf32, #tpu.memory_space<vmem>>) dst(%dma_wait3A_554 : memref<1280x32xf32, #tpu.memory_space<hbm>>)
      } else {
      }
      %add3A_126 = arith.constant 1 : i32
      %add3A_127 = arith.addi %add3A_123, %add3A_126 : i32
      %mul3A_128 = arith.constant 10 : i32
      %mul3A_129 = arith.muli %add3A_127, %mul3A_128 : i32
      %add3A_130 = arith.constant 0 : i32
      %add3A_131 = arith.addi %mul3A_129, %add3A_130 : i32
      %dma_start3A_132 = arith.constant 0 : i32
      %dma_start3A_133 = arith.constant 0 : i32
      %dma_start3A_134 = tpu.memref_slice %arg7[%dma_start3A_132, %dma_start3A_133] : memref<1280x32xf32, #tpu.memory_space<vmem>> -> memref<128x32xf32, #tpu.memory_space<vmem>>
      %dma_start3A_135 = arith.constant 0 : i32
      %dma_start3A_136 = tpu.memref_slice %arg5[%add3A_131, %dma_start3A_135] : memref<200x128xi32, #tpu.memory_space<vmem>> -> memref<1x128xi32, #tpu.memory_space<vmem>>
      %dma_start3A_137 = tpu.memref_squeeze %dma_start3A_136 : memref<1x128xi32, #tpu.memory_space<vmem>> -> memref<128xi32, #tpu.memory_space<vmem>>
      %dma_start3A_138 = arith.constant 0 : i32
      %dma_start3A_139 = arith.constant 0 : i32
      %dma_start3A_140 = tpu.memref_slice %arg3[%dma_start3A_138, %dma_start3A_139] : memref<1000000x32xf32, #tpu.memory_space<hbm>> -> memref<1000000x32xf32, #tpu.memory_space<hbm>>
      tpu.enqueue_indirect_dma source(%dma_start3A_140 : memref<1000000x32xf32, #tpu.memory_space<hbm>>) target(%dma_start3A_134 : memref<128x32xf32, #tpu.memory_space<vmem>>) offsets(%dma_start3A_137 : memref<128xi32, #tpu.memory_space<vmem>>) semaphore(%arg9 : memref<!tpu.dma_semaphore, #tpu.memory_space<semaphore_mem>>)
      %mul3A_141 = arith.constant 10 : i32
      %mul3A_142 = arith.muli %add3A_127, %mul3A_141 : i32
      %add3A_143 = arith.constant 1 : i32
      %add3A_144 = arith.addi %mul3A_142, %add3A_143 : i32
      %dma_start3A_145 = arith.constant 128 : i32
      %dma_start3A_146 = arith.constant 0 : i32
      %dma_start3A_147 = tpu.memref_slice %arg7[%dma_start3A_145, %dma_start3A_146] : memref<1280x32xf32, #tpu.memory_space<vmem>> -> memref<128x32xf32, #tpu.memory_space<vmem>>
      %dma_start3A_148 = arith.constant 0 : i32
      %dma_start3A_149 = tpu.memref_slice %arg5[%add3A_144, %dma_start3A_148] : memref<200x128xi32, #tpu.memory_space<vmem>> -> memref<1x128xi32, #tpu.memory_space<vmem>>
      %dma_start3A_150 = tpu.memref_squeeze %dma_start3A_149 : memref<1x128xi32, #tpu.memory_space<vmem>> -> memref<128xi32, #tpu.memory_space<vmem>>
      %dma_start3A_151 = arith.constant 0 : i32
      %dma_start3A_152 = arith.constant 0 : i32
      %dma_start3A_153 = tpu.memref_slice %arg3[%dma_start3A_151, %dma_start3A_152] : memref<1000000x32xf32, #tpu.memory_space<hbm>> -> memref<1000000x32xf32, #tpu.memory_space<hbm>>
      tpu.enqueue_indirect_dma source(%dma_start3A_153 : memref<1000000x32xf32, #tpu.memory_space<hbm>>) target(%dma_start3A_147 : memref<128x32xf32, #tpu.memory_space<vmem>>) offsets(%dma_start3A_150 : memref<128xi32, #tpu.memory_space<vmem>>) semaphore(%arg9 : memref<!tpu.dma_semaphore, #tpu.memory_space<semaphore_mem>>)
      %mul3A_154 = arith.constant 10 : i32
      %mul3A_155 = arith.muli %add3A_127, %mul3A_154 : i32
      %add3A_156 = arith.constant 2 : i32
      %add3A_157 = arith.addi %mul3A_155, %add3A_156 : i32
      %dma_start3A_158 = arith.constant 256 : i32
      %dma_start3A_159 = arith.constant 0 : i32
      %dma_start3A_160 = tpu.memref_slice %arg7[%dma_start3A_158, %dma_start3A_159] : memref<1280x32xf32, #tpu.memory_space<vmem>> -> memref<128x32xf32, #tpu.memory_space<vmem>>
      %dma_start3A_161 = arith.constant 0 : i32
      %dma_start3A_162 = tpu.memref_slice %arg5[%add3A_157, %dma_start3A_161] : memref<200x128xi32, #tpu.memory_space<vmem>> -> memref<1x128xi32, #tpu.memory_space<vmem>>
      %dma_start3A_163 = tpu.memref_squeeze %dma_start3A_162 : memref<1x128xi32, #tpu.memory_space<vmem>> -> memref<128xi32, #tpu.memory_space<vmem>>
      %dma_start3A_164 = arith.constant 0 : i32
      %dma_start3A_165 = arith.constant 0 : i32
      %dma_start3A_166 = tpu.memref_slice %arg3[%dma_start3A_164, %dma_start3A_165] : memref<1000000x32xf32, #tpu.memory_space<hbm>> -> memref<1000000x32xf32, #tpu.memory_space<hbm>>
      tpu.enqueue_indirect_dma source(%dma_start3A_166 : memref<1000000x32xf32, #tpu.memory_space<hbm>>) target(%dma_start3A_160 : memref<128x32xf32, #tpu.memory_space<vmem>>) offsets(%dma_start3A_163 : memref<128xi32, #tpu.memory_space<vmem>>) semaphore(%arg9 : memref<!tpu.dma_semaphore, #tpu.memory_space<semaphore_mem>>)
      %mul3A_167 = arith.constant 10 : i32
      %mul3A_168 = arith.muli %add3A_127, %mul3A_167 : i32
      %add3A_169 = arith.constant 3 : i32
      %add3A_170 = arith.addi %mul3A_168, %add3A_169 : i32
      %dma_start3A_171 = arith.constant 384 : i32
      %dma_start3A_172 = arith.constant 0 : i32
      %dma_start3A_173 = tpu.memref_slice %arg7[%dma_start3A_171, %dma_start3A_172] : memref<1280x32xf32, #tpu.memory_space<vmem>> -> memref<128x32xf32, #tpu.memory_space<vmem>>
      %dma_start3A_174 = arith.constant 0 : i32
      %dma_start3A_175 = tpu.memref_slice %arg5[%add3A_170, %dma_start3A_174] : memref<200x128xi32, #tpu.memory_space<vmem>> -> memref<1x128xi32, #tpu.memory_space<vmem>>
      %dma_start3A_176 = tpu.memref_squeeze %dma_start3A_175 : memref<1x128xi32, #tpu.memory_space<vmem>> -> memref<128xi32, #tpu.memory_space<vmem>>
      %dma_start3A_177 = arith.constant 0 : i32
      %dma_start3A_178 = arith.constant 0 : i32
      %dma_start3A_179 = tpu.memref_slice %arg3[%dma_start3A_177, %dma_start3A_178] : memref<1000000x32xf32, #tpu.memory_space<hbm>> -> memref<1000000x32xf32, #tpu.memory_space<hbm>>
      tpu.enqueue_indirect_dma source(%dma_start3A_179 : memref<1000000x32xf32, #tpu.memory_space<hbm>>) target(%dma_start3A_173 : memref<128x32xf32, #tpu.memory_space<vmem>>) offsets(%dma_start3A_176 : memref<128xi32, #tpu.memory_space<vmem>>) semaphore(%arg9 : memref<!tpu.dma_semaphore, #tpu.memory_space<semaphore_mem>>)
      %mul3A_180 = arith.constant 10 : i32
      %mul3A_181 = arith.muli %add3A_127, %mul3A_180 : i32
      %add3A_182 = arith.constant 4 : i32
      %add3A_183 = arith.addi %mul3A_181, %add3A_182 : i32
      %dma_start3A_184 = arith.constant 512 : i32
      %dma_start3A_185 = arith.constant 0 : i32
      %dma_start3A_186 = tpu.memref_slice %arg7[%dma_start3A_184, %dma_start3A_185] : memref<1280x32xf32, #tpu.memory_space<vmem>> -> memref<128x32xf32, #tpu.memory_space<vmem>>
      %dma_start3A_187 = arith.constant 0 : i32
      %dma_start3A_188 = tpu.memref_slice %arg5[%add3A_183, %dma_start3A_187] : memref<200x128xi32, #tpu.memory_space<vmem>> -> memref<1x128xi32, #tpu.memory_space<vmem>>
      %dma_start3A_189 = tpu.memref_squeeze %dma_start3A_188 : memref<1x128xi32, #tpu.memory_space<vmem>> -> memref<128xi32, #tpu.memory_space<vmem>>
      %dma_start3A_190 = arith.constant 0 : i32
      %dma_start3A_191 = arith.constant 0 : i32
      %dma_start3A_192 = tpu.memref_slice %arg3[%dma_start3A_190, %dma_start3A_191] : memref<1000000x32xf32, #tpu.memory_space<hbm>> -> memref<1000000x32xf32, #tpu.memory_space<hbm>>
      tpu.enqueue_indirect_dma source(%dma_start3A_192 : memref<1000000x32xf32, #tpu.memory_space<hbm>>) target(%dma_start3A_186 : memref<128x32xf32, #tpu.memory_space<vmem>>) offsets(%dma_start3A_189 : memref<128xi32, #tpu.memory_space<vmem>>) semaphore(%arg9 : memref<!tpu.dma_semaphore, #tpu.memory_space<semaphore_mem>>)
      %mul3A_193 = arith.constant 10 : i32
      %mul3A_194 = arith.muli %add3A_127, %mul3A_193 : i32
      %add3A_195 = arith.constant 5 : i32
      %add3A_196 = arith.addi %mul3A_194, %add3A_195 : i32
      %dma_start3A_197 = arith.constant 640 : i32
      %dma_start3A_198 = arith.constant 0 : i32
      %dma_start3A_199 = tpu.memref_slice %arg7[%dma_start3A_197, %dma_start3A_198] : memref<1280x32xf32, #tpu.memory_space<vmem>> -> memref<128x32xf32, #tpu.memory_space<vmem>>
      %dma_start3A_200 = arith.constant 0 : i32
      %dma_start3A_201 = tpu.memref_slice %arg5[%add3A_196, %dma_start3A_200] : memref<200x128xi32, #tpu.memory_space<vmem>> -> memref<1x128xi32, #tpu.memory_space<vmem>>
      %dma_start3A_202 = tpu.memref_squeeze %dma_start3A_201 : memref<1x128xi32, #tpu.memory_space<vmem>> -> memref<128xi32, #tpu.memory_space<vmem>>
      %dma_start3A_203 = arith.constant 0 : i32
      %dma_start3A_204 = arith.constant 0 : i32
      %dma_start3A_205 = tpu.memref_slice %arg3[%dma_start3A_203, %dma_start3A_204] : memref<1000000x32xf32, #tpu.memory_space<hbm>> -> memref<1000000x32xf32, #tpu.memory_space<hbm>>
      tpu.enqueue_indirect_dma source(%dma_start3A_205 : memref<1000000x32xf32, #tpu.memory_space<hbm>>) target(%dma_start3A_199 : memref<128x32xf32, #tpu.memory_space<vmem>>) offsets(%dma_start3A_202 : memref<128xi32, #tpu.memory_space<vmem>>) semaphore(%arg9 : memref<!tpu.dma_semaphore, #tpu.memory_space<semaphore_mem>>)
      %mul3A_206 = arith.constant 10 : i32
      %mul3A_207 = arith.muli %add3A_127, %mul3A_206 : i32
      %add3A_208 = arith.constant 6 : i32
      %add3A_209 = arith.addi %mul3A_207, %add3A_208 : i32
      %dma_start3A_210 = arith.constant 768 : i32
      %dma_start3A_211 = arith.constant 0 : i32
      %dma_start3A_212 = tpu.memref_slice %arg7[%dma_start3A_210, %dma_start3A_211] : memref<1280x32xf32, #tpu.memory_space<vmem>> -> memref<128x32xf32, #tpu.memory_space<vmem>>
      %dma_start3A_213 = arith.constant 0 : i32
      %dma_start3A_214 = tpu.memref_slice %arg5[%add3A_209, %dma_start3A_213] : memref<200x128xi32, #tpu.memory_space<vmem>> -> memref<1x128xi32, #tpu.memory_space<vmem>>
      %dma_start3A_215 = tpu.memref_squeeze %dma_start3A_214 : memref<1x128xi32, #tpu.memory_space<vmem>> -> memref<128xi32, #tpu.memory_space<vmem>>
      %dma_start3A_216 = arith.constant 0 : i32
      %dma_start3A_217 = arith.constant 0 : i32
      %dma_start3A_218 = tpu.memref_slice %arg3[%dma_start3A_216, %dma_start3A_217] : memref<1000000x32xf32, #tpu.memory_space<hbm>> -> memref<1000000x32xf32, #tpu.memory_space<hbm>>
      tpu.enqueue_indirect_dma source(%dma_start3A_218 : memref<1000000x32xf32, #tpu.memory_space<hbm>>) target(%dma_start3A_212 : memref<128x32xf32, #tpu.memory_space<vmem>>) offsets(%dma_start3A_215 : memref<128xi32, #tpu.memory_space<vmem>>) semaphore(%arg9 : memref<!tpu.dma_semaphore, #tpu.memory_space<semaphore_mem>>)
      %mul3A_219 = arith.constant 10 : i32
      %mul3A_220 = arith.muli %add3A_127, %mul3A_219 : i32
      %add3A_221 = arith.constant 7 : i32
      %add3A_222 = arith.addi %mul3A_220, %add3A_221 : i32
      %dma_start3A_223 = arith.constant 896 : i32
      %dma_start3A_224 = arith.constant 0 : i32
      %dma_start3A_225 = tpu.memref_slice %arg7[%dma_start3A_223, %dma_start3A_224] : memref<1280x32xf32, #tpu.memory_space<vmem>> -> memref<128x32xf32, #tpu.memory_space<vmem>>
      %dma_start3A_226 = arith.constant 0 : i32
      %dma_start3A_227 = tpu.memref_slice %arg5[%add3A_222, %dma_start3A_226] : memref<200x128xi32, #tpu.memory_space<vmem>> -> memref<1x128xi32, #tpu.memory_space<vmem>>
      %dma_start3A_228 = tpu.memref_squeeze %dma_start3A_227 : memref<1x128xi32, #tpu.memory_space<vmem>> -> memref<128xi32, #tpu.memory_space<vmem>>
      %dma_start3A_229 = arith.constant 0 : i32
      %dma_start3A_230 = arith.constant 0 : i32
      %dma_start3A_231 = tpu.memref_slice %arg3[%dma_start3A_229, %dma_start3A_230] : memref<1000000x32xf32, #tpu.memory_space<hbm>> -> memref<1000000x32xf32, #tpu.memory_space<hbm>>
      tpu.enqueue_indirect_dma source(%dma_start3A_231 : memref<1000000x32xf32, #tpu.memory_space<hbm>>) target(%dma_start3A_225 : memref<128x32xf32, #tpu.memory_space<vmem>>) offsets(%dma_start3A_228 : memref<128xi32, #tpu.memory_space<vmem>>) semaphore(%arg9 : memref<!tpu.dma_semaphore, #tpu.memory_space<semaphore_mem>>)
      %mul3A_232 = arith.constant 10 : i32
      %mul3A_233 = arith.muli %add3A_127, %mul3A_232 : i32
      %add3A_234 = arith.constant 8 : i32
      %add3A_235 = arith.addi %mul3A_233, %add3A_234 : i32
      %dma_start3A_236 = arith.constant 1024 : i32
      %dma_start3A_237 = arith.constant 0 : i32
      %dma_start3A_238 = tpu.memref_slice %arg7[%dma_start3A_236, %dma_start3A_237] : memref<1280x32xf32, #tpu.memory_space<vmem>> -> memref<128x32xf32, #tpu.memory_space<vmem>>
      %dma_start3A_239 = arith.constant 0 : i32
      %dma_start3A_240 = tpu.memref_slice %arg5[%add3A_235, %dma_start3A_239] : memref<200x128xi32, #tpu.memory_space<vmem>> -> memref<1x128xi32, #tpu.memory_space<vmem>>
      %dma_start3A_241 = tpu.memref_squeeze %dma_start3A_240 : memref<1x128xi32, #tpu.memory_space<vmem>> -> memref<128xi32, #tpu.memory_space<vmem>>
      %dma_start3A_242 = arith.constant 0 : i32
      %dma_start3A_243 = arith.constant 0 : i32
      %dma_start3A_244 = tpu.memref_slice %arg3[%dma_start3A_242, %dma_start3A_243] : memref<1000000x32xf32, #tpu.memory_space<hbm>> -> memref<1000000x32xf32, #tpu.memory_space<hbm>>
      tpu.enqueue_indirect_dma source(%dma_start3A_244 : memref<1000000x32xf32, #tpu.memory_space<hbm>>) target(%dma_start3A_238 : memref<128x32xf32, #tpu.memory_space<vmem>>) offsets(%dma_start3A_241 : memref<128xi32, #tpu.memory_space<vmem>>) semaphore(%arg9 : memref<!tpu.dma_semaphore, #tpu.memory_space<semaphore_mem>>)
      %mul3A_245 = arith.constant 10 : i32
      %mul3A_246 = arith.muli %add3A_127, %mul3A_245 : i32
      %add3A_247 = arith.constant 9 : i32
      %add3A_248 = arith.addi %mul3A_246, %add3A_247 : i32
      %dma_start3A_249 = arith.constant 1152 : i32
      %dma_start3A_250 = arith.constant 0 : i32
      %dma_start3A_251 = tpu.memref_slice %arg7[%dma_start3A_249, %dma_start3A_250] : memref<1280x32xf32, #tpu.memory_space<vmem>> -> memref<128x32xf32, #tpu.memory_space<vmem>>
      %dma_start3A_252 = arith.constant 0 : i32
      %dma_start3A_253 = tpu.memref_slice %arg5[%add3A_248, %dma_start3A_252] : memref<200x128xi32, #tpu.memory_space<vmem>> -> memref<1x128xi32, #tpu.memory_space<vmem>>
      %dma_start3A_254 = tpu.memref_squeeze %dma_start3A_253 : memref<1x128xi32, #tpu.memory_space<vmem>> -> memref<128xi32, #tpu.memory_space<vmem>>
      %dma_start3A_255 = arith.constant 0 : i32
      %dma_start3A_256 = arith.constant 0 : i32
      %dma_start3A_257 = tpu.memref_slice %arg3[%dma_start3A_255, %dma_start3A_256] : memref<1000000x32xf32, #tpu.memory_space<hbm>> -> memref<1000000x32xf32, #tpu.memory_space<hbm>>
      tpu.enqueue_indirect_dma source(%dma_start3A_257 : memref<1000000x32xf32, #tpu.memory_space<hbm>>) target(%dma_start3A_251 : memref<128x32xf32, #tpu.memory_space<vmem>>) offsets(%dma_start3A_254 : memref<128xi32, #tpu.memory_space<vmem>>) semaphore(%arg9 : memref<!tpu.dma_semaphore, #tpu.memory_space<semaphore_mem>>)
      %mul3A_258 = arith.constant 10 : i32
      %mul3A_259 = arith.muli %add3A_123, %mul3A_258 : i32
      %add3A_260 = arith.constant 0 : i32
      %add3A_261 = arith.addi %mul3A_259, %add3A_260 : i32
      %dma_wait3A_262 = arith.constant 0 : i32
      %dma_wait3A_263 = arith.constant 0 : i32
      %dma_wait3A_264 = tpu.memref_slice %arg6[%dma_wait3A_262, %dma_wait3A_263] : memref<1280x32xf32, #tpu.memory_space<vmem>> -> memref<128x32xf32, #tpu.memory_space<vmem>>
      %dma_wait3A_265 = arith.constant 0 : i32
      %dma_wait3A_266 = tpu.memref_slice %arg5[%add3A_261, %dma_wait3A_265] : memref<200x128xi32, #tpu.memory_space<vmem>> -> memref<1x128xi32, #tpu.memory_space<vmem>>
      %dma_wait3A_267 = tpu.memref_squeeze %dma_wait3A_266 : memref<1x128xi32, #tpu.memory_space<vmem>> -> memref<128xi32, #tpu.memory_space<vmem>>
      %dma_wait3A_268 = arith.constant 0 : i32
      %dma_wait3A_269 = arith.constant 0 : i32
      %dma_wait3A_270 = tpu.memref_slice %arg3[%dma_wait3A_268, %dma_wait3A_269] : memref<1000000x32xf32, #tpu.memory_space<hbm>> -> memref<1000000x32xf32, #tpu.memory_space<hbm>>
      tpu.wait_indirect_dma semaphore(%arg8 : memref<!tpu.dma_semaphore, #tpu.memory_space<semaphore_mem>>) src(%dma_wait3A_270 : memref<1000000x32xf32, #tpu.memory_space<hbm>>) dst(%dma_wait3A_264 : memref<128x32xf32, #tpu.memory_space<vmem>>)
      %mul3A_271 = arith.constant 10 : i32
      %mul3A_272 = arith.muli %add3A_123, %mul3A_271 : i32
      %add3A_273 = arith.constant 1 : i32
      %add3A_274 = arith.addi %mul3A_272, %add3A_273 : i32
      %dma_wait3A_275 = arith.constant 128 : i32
      %dma_wait3A_276 = arith.constant 0 : i32
      %dma_wait3A_277 = tpu.memref_slice %arg6[%dma_wait3A_275, %dma_wait3A_276] : memref<1280x32xf32, #tpu.memory_space<vmem>> -> memref<128x32xf32, #tpu.memory_space<vmem>>
      %dma_wait3A_278 = arith.constant 0 : i32
      %dma_wait3A_279 = tpu.memref_slice %arg5[%add3A_274, %dma_wait3A_278] : memref<200x128xi32, #tpu.memory_space<vmem>> -> memref<1x128xi32, #tpu.memory_space<vmem>>
      %dma_wait3A_280 = tpu.memref_squeeze %dma_wait3A_279 : memref<1x128xi32, #tpu.memory_space<vmem>> -> memref<128xi32, #tpu.memory_space<vmem>>
      %dma_wait3A_281 = arith.constant 0 : i32
      %dma_wait3A_282 = arith.constant 0 : i32
      %dma_wait3A_283 = tpu.memref_slice %arg3[%dma_wait3A_281, %dma_wait3A_282] : memref<1000000x32xf32, #tpu.memory_space<hbm>> -> memref<1000000x32xf32, #tpu.memory_space<hbm>>
      tpu.wait_indirect_dma semaphore(%arg8 : memref<!tpu.dma_semaphore, #tpu.memory_space<semaphore_mem>>) src(%dma_wait3A_283 : memref<1000000x32xf32, #tpu.memory_space<hbm>>) dst(%dma_wait3A_277 : memref<128x32xf32, #tpu.memory_space<vmem>>)
      %mul3A_284 = arith.constant 10 : i32
      %mul3A_285 = arith.muli %add3A_123, %mul3A_284 : i32
      %add3A_286 = arith.constant 2 : i32
      %add3A_287 = arith.addi %mul3A_285, %add3A_286 : i32
      %dma_wait3A_288 = arith.constant 256 : i32
      %dma_wait3A_289 = arith.constant 0 : i32
      %dma_wait3A_290 = tpu.memref_slice %arg6[%dma_wait3A_288, %dma_wait3A_289] : memref<1280x32xf32, #tpu.memory_space<vmem>> -> memref<128x32xf32, #tpu.memory_space<vmem>>
      %dma_wait3A_291 = arith.constant 0 : i32
      %dma_wait3A_292 = tpu.memref_slice %arg5[%add3A_287, %dma_wait3A_291] : memref<200x128xi32, #tpu.memory_space<vmem>> -> memref<1x128xi32, #tpu.memory_space<vmem>>
      %dma_wait3A_293 = tpu.memref_squeeze %dma_wait3A_292 : memref<1x128xi32, #tpu.memory_space<vmem>> -> memref<128xi32, #tpu.memory_space<vmem>>
      %dma_wait3A_294 = arith.constant 0 : i32
      %dma_wait3A_295 = arith.constant 0 : i32
      %dma_wait3A_296 = tpu.memref_slice %arg3[%dma_wait3A_294, %dma_wait3A_295] : memref<1000000x32xf32, #tpu.memory_space<hbm>> -> memref<1000000x32xf32, #tpu.memory_space<hbm>>
      tpu.wait_indirect_dma semaphore(%arg8 : memref<!tpu.dma_semaphore, #tpu.memory_space<semaphore_mem>>) src(%dma_wait3A_296 : memref<1000000x32xf32, #tpu.memory_space<hbm>>) dst(%dma_wait3A_290 : memref<128x32xf32, #tpu.memory_space<vmem>>)
      %mul3A_297 = arith.constant 10 : i32
      %mul3A_298 = arith.muli %add3A_123, %mul3A_297 : i32
      %add3A_299 = arith.constant 3 : i32
      %add3A_300 = arith.addi %mul3A_298, %add3A_299 : i32
      %dma_wait3A_301 = arith.constant 384 : i32
      %dma_wait3A_302 = arith.constant 0 : i32
      %dma_wait3A_303 = tpu.memref_slice %arg6[%dma_wait3A_301, %dma_wait3A_302] : memref<1280x32xf32, #tpu.memory_space<vmem>> -> memref<128x32xf32, #tpu.memory_space<vmem>>
      %dma_wait3A_304 = arith.constant 0 : i32
      %dma_wait3A_305 = tpu.memref_slice %arg5[%add3A_300, %dma_wait3A_304] : memref<200x128xi32, #tpu.memory_space<vmem>> -> memref<1x128xi32, #tpu.memory_space<vmem>>
      %dma_wait3A_306 = tpu.memref_squeeze %dma_wait3A_305 : memref<1x128xi32, #tpu.memory_space<vmem>> -> memref<128xi32, #tpu.memory_space<vmem>>
      %dma_wait3A_307 = arith.constant 0 : i32
      %dma_wait3A_308 = arith.constant 0 : i32
      %dma_wait3A_309 = tpu.memref_slice %arg3[%dma_wait3A_307, %dma_wait3A_308] : memref<1000000x32xf32, #tpu.memory_space<hbm>> -> memref<1000000x32xf32, #tpu.memory_space<hbm>>
      tpu.wait_indirect_dma semaphore(%arg8 : memref<!tpu.dma_semaphore, #tpu.memory_space<semaphore_mem>>) src(%dma_wait3A_309 : memref<1000000x32xf32, #tpu.memory_space<hbm>>) dst(%dma_wait3A_303 : memref<128x32xf32, #tpu.memory_space<vmem>>)
      %mul3A_310 = arith.constant 10 : i32
      %mul3A_311 = arith.muli %add3A_123, %mul3A_310 : i32
      %add3A_312 = arith.constant 4 : i32
      %add3A_313 = arith.addi %mul3A_311, %add3A_312 : i32
      %dma_wait3A_314 = arith.constant 512 : i32
      %dma_wait3A_315 = arith.constant 0 : i32
      %dma_wait3A_316 = tpu.memref_slice %arg6[%dma_wait3A_314, %dma_wait3A_315] : memref<1280x32xf32, #tpu.memory_space<vmem>> -> memref<128x32xf32, #tpu.memory_space<vmem>>
      %dma_wait3A_317 = arith.constant 0 : i32
      %dma_wait3A_318 = tpu.memref_slice %arg5[%add3A_313, %dma_wait3A_317] : memref<200x128xi32, #tpu.memory_space<vmem>> -> memref<1x128xi32, #tpu.memory_space<vmem>>
      %dma_wait3A_319 = tpu.memref_squeeze %dma_wait3A_318 : memref<1x128xi32, #tpu.memory_space<vmem>> -> memref<128xi32, #tpu.memory_space<vmem>>
      %dma_wait3A_320 = arith.constant 0 : i32
      %dma_wait3A_321 = arith.constant 0 : i32
      %dma_wait3A_322 = tpu.memref_slice %arg3[%dma_wait3A_320, %dma_wait3A_321] : memref<1000000x32xf32, #tpu.memory_space<hbm>> -> memref<1000000x32xf32, #tpu.memory_space<hbm>>
      tpu.wait_indirect_dma semaphore(%arg8 : memref<!tpu.dma_semaphore, #tpu.memory_space<semaphore_mem>>) src(%dma_wait3A_322 : memref<1000000x32xf32, #tpu.memory_space<hbm>>) dst(%dma_wait3A_316 : memref<128x32xf32, #tpu.memory_space<vmem>>)
      %mul3A_323 = arith.constant 10 : i32
      %mul3A_324 = arith.muli %add3A_123, %mul3A_323 : i32
      %add3A_325 = arith.constant 5 : i32
      %add3A_326 = arith.addi %mul3A_324, %add3A_325 : i32
      %dma_wait3A_327 = arith.constant 640 : i32
      %dma_wait3A_328 = arith.constant 0 : i32
      %dma_wait3A_329 = tpu.memref_slice %arg6[%dma_wait3A_327, %dma_wait3A_328] : memref<1280x32xf32, #tpu.memory_space<vmem>> -> memref<128x32xf32, #tpu.memory_space<vmem>>
      %dma_wait3A_330 = arith.constant 0 : i32
      %dma_wait3A_331 = tpu.memref_slice %arg5[%add3A_326, %dma_wait3A_330] : memref<200x128xi32, #tpu.memory_space<vmem>> -> memref<1x128xi32, #tpu.memory_space<vmem>>
      %dma_wait3A_332 = tpu.memref_squeeze %dma_wait3A_331 : memref<1x128xi32, #tpu.memory_space<vmem>> -> memref<128xi32, #tpu.memory_space<vmem>>
      %dma_wait3A_333 = arith.constant 0 : i32
      %dma_wait3A_334 = arith.constant 0 : i32
      %dma_wait3A_335 = tpu.memref_slice %arg3[%dma_wait3A_333, %dma_wait3A_334] : memref<1000000x32xf32, #tpu.memory_space<hbm>> -> memref<1000000x32xf32, #tpu.memory_space<hbm>>
      tpu.wait_indirect_dma semaphore(%arg8 : memref<!tpu.dma_semaphore, #tpu.memory_space<semaphore_mem>>) src(%dma_wait3A_335 : memref<1000000x32xf32, #tpu.memory_space<hbm>>) dst(%dma_wait3A_329 : memref<128x32xf32, #tpu.memory_space<vmem>>)
      %mul3A_336 = arith.constant 10 : i32
      %mul3A_337 = arith.muli %add3A_123, %mul3A_336 : i32
      %add3A_338 = arith.constant 6 : i32
      %add3A_339 = arith.addi %mul3A_337, %add3A_338 : i32
      %dma_wait3A_340 = arith.constant 768 : i32
      %dma_wait3A_341 = arith.constant 0 : i32
      %dma_wait3A_342 = tpu.memref_slice %arg6[%dma_wait3A_340, %dma_wait3A_341] : memref<1280x32xf32, #tpu.memory_space<vmem>> -> memref<128x32xf32, #tpu.memory_space<vmem>>
      %dma_wait3A_343 = arith.constant 0 : i32
      %dma_wait3A_344 = tpu.memref_slice %arg5[%add3A_339, %dma_wait3A_343] : memref<200x128xi32, #tpu.memory_space<vmem>> -> memref<1x128xi32, #tpu.memory_space<vmem>>
      %dma_wait3A_345 = tpu.memref_squeeze %dma_wait3A_344 : memref<1x128xi32, #tpu.memory_space<vmem>> -> memref<128xi32, #tpu.memory_space<vmem>>
      %dma_wait3A_346 = arith.constant 0 : i32
      %dma_wait3A_347 = arith.constant 0 : i32
      %dma_wait3A_348 = tpu.memref_slice %arg3[%dma_wait3A_346, %dma_wait3A_347] : memref<1000000x32xf32, #tpu.memory_space<hbm>> -> memref<1000000x32xf32, #tpu.memory_space<hbm>>
      tpu.wait_indirect_dma semaphore(%arg8 : memref<!tpu.dma_semaphore, #tpu.memory_space<semaphore_mem>>) src(%dma_wait3A_348 : memref<1000000x32xf32, #tpu.memory_space<hbm>>) dst(%dma_wait3A_342 : memref<128x32xf32, #tpu.memory_space<vmem>>)
      %mul3A_349 = arith.constant 10 : i32
      %mul3A_350 = arith.muli %add3A_123, %mul3A_349 : i32
      %add3A_351 = arith.constant 7 : i32
      %add3A_352 = arith.addi %mul3A_350, %add3A_351 : i32
      %dma_wait3A_353 = arith.constant 896 : i32
      %dma_wait3A_354 = arith.constant 0 : i32
      %dma_wait3A_355 = tpu.memref_slice %arg6[%dma_wait3A_353, %dma_wait3A_354] : memref<1280x32xf32, #tpu.memory_space<vmem>> -> memref<128x32xf32, #tpu.memory_space<vmem>>
      %dma_wait3A_356 = arith.constant 0 : i32
      %dma_wait3A_357 = tpu.memref_slice %arg5[%add3A_352, %dma_wait3A_356] : memref<200x128xi32, #tpu.memory_space<vmem>> -> memref<1x128xi32, #tpu.memory_space<vmem>>
      %dma_wait3A_358 = tpu.memref_squeeze %dma_wait3A_357 : memref<1x128xi32, #tpu.memory_space<vmem>> -> memref<128xi32, #tpu.memory_space<vmem>>
      %dma_wait3A_359 = arith.constant 0 : i32
      %dma_wait3A_360 = arith.constant 0 : i32
      %dma_wait3A_361 = tpu.memref_slice %arg3[%dma_wait3A_359, %dma_wait3A_360] : memref<1000000x32xf32, #tpu.memory_space<hbm>> -> memref<1000000x32xf32, #tpu.memory_space<hbm>>
      tpu.wait_indirect_dma semaphore(%arg8 : memref<!tpu.dma_semaphore, #tpu.memory_space<semaphore_mem>>) src(%dma_wait3A_361 : memref<1000000x32xf32, #tpu.memory_space<hbm>>) dst(%dma_wait3A_355 : memref<128x32xf32, #tpu.memory_space<vmem>>)
      %mul3A_362 = arith.constant 10 : i32
      %mul3A_363 = arith.muli %add3A_123, %mul3A_362 : i32
      %add3A_364 = arith.constant 8 : i32
      %add3A_365 = arith.addi %mul3A_363, %add3A_364 : i32
      %dma_wait3A_366 = arith.constant 1024 : i32
      %dma_wait3A_367 = arith.constant 0 : i32
      %dma_wait3A_368 = tpu.memref_slice %arg6[%dma_wait3A_366, %dma_wait3A_367] : memref<1280x32xf32, #tpu.memory_space<vmem>> -> memref<128x32xf32, #tpu.memory_space<vmem>>
      %dma_wait3A_369 = arith.constant 0 : i32
      %dma_wait3A_370 = tpu.memref_slice %arg5[%add3A_365, %dma_wait3A_369] : memref<200x128xi32, #tpu.memory_space<vmem>> -> memref<1x128xi32, #tpu.memory_space<vmem>>
      %dma_wait3A_371 = tpu.memref_squeeze %dma_wait3A_370 : memref<1x128xi32, #tpu.memory_space<vmem>> -> memref<128xi32, #tpu.memory_space<vmem>>
      %dma_wait3A_372 = arith.constant 0 : i32
      %dma_wait3A_373 = arith.constant 0 : i32
      %dma_wait3A_374 = tpu.memref_slice %arg3[%dma_wait3A_372, %dma_wait3A_373] : memref<1000000x32xf32, #tpu.memory_space<hbm>> -> memref<1000000x32xf32, #tpu.memory_space<hbm>>
      tpu.wait_indirect_dma semaphore(%arg8 : memref<!tpu.dma_semaphore, #tpu.memory_space<semaphore_mem>>) src(%dma_wait3A_374 : memref<1000000x32xf32, #tpu.memory_space<hbm>>) dst(%dma_wait3A_368 : memref<128x32xf32, #tpu.memory_space<vmem>>)
      %mul3A_375 = arith.constant 10 : i32
      %mul3A_376 = arith.muli %add3A_123, %mul3A_375 : i32
      %add3A_377 = arith.constant 9 : i32
      %add3A_378 = arith.addi %mul3A_376, %add3A_377 : i32
      %dma_wait3A_379 = arith.constant 1152 : i32
      %dma_wait3A_380 = arith.constant 0 : i32
      %dma_wait3A_381 = tpu.memref_slice %arg6[%dma_wait3A_379, %dma_wait3A_380] : memref<1280x32xf32, #tpu.memory_space<vmem>> -> memref<128x32xf32, #tpu.memory_space<vmem>>
      %dma_wait3A_382 = arith.constant 0 : i32
      %dma_wait3A_383 = tpu.memref_slice %arg5[%add3A_378, %dma_wait3A_382] : memref<200x128xi32, #tpu.memory_space<vmem>> -> memref<1x128xi32, #tpu.memory_space<vmem>>
      %dma_wait3A_384 = tpu.memref_squeeze %dma_wait3A_383 : memref<1x128xi32, #tpu.memory_space<vmem>> -> memref<128xi32, #tpu.memory_space<vmem>>
      %dma_wait3A_385 = arith.constant 0 : i32
      %dma_wait3A_386 = arith.constant 0 : i32
      %dma_wait3A_387 = tpu.memref_slice %arg3[%dma_wait3A_385, %dma_wait3A_386] : memref<1000000x32xf32, #tpu.memory_space<hbm>> -> memref<1000000x32xf32, #tpu.memory_space<hbm>>
      tpu.wait_indirect_dma semaphore(%arg8 : memref<!tpu.dma_semaphore, #tpu.memory_space<semaphore_mem>>) src(%dma_wait3A_387 : memref<1000000x32xf32, #tpu.memory_space<hbm>>) dst(%dma_wait3A_381 : memref<128x32xf32, #tpu.memory_space<vmem>>)
      %parallel_loop3A = arith.constant 0 : i32
      %parallel_loop3A_388 = arith.constant 1280 : i32
      %parallel_loop3A_389 = arith.constant 4 : i32
      scf.for %parallel_loop3A_547 = %parallel_loop3A to %parallel_loop3A_388 step %parallel_loop3A_389  : i32 {
        %parallel_loop3A_548 = tpu.iota {dimensions = array<i32: 0>} : vector<16xi32>
        %parallel_loop3A_549 = arith.index_cast %parallel_loop3A_547 : i32 to index
        %parallel_loop3A_550 = arith.constant 0 : index
        %parallel_loop3A_551 = tpu.vector_load %arg6[%parallel_loop3A_549, %parallel_loop3A_550] {strides = array<i32>} : memref<1280x32xf32, #tpu.memory_space<vmem>>, vector<16xf32>,
        %parallel_loop3A_552 = arith.index_cast %parallel_loop3A_547 : i32 to index
        %parallel_loop3A_553 = arith.constant 16 : index
        %parallel_loop3A_554 = tpu.vector_load %arg6[%parallel_loop3A_552, %parallel_loop3A_553] {strides = array<i32>} : memref<1280x32xf32, #tpu.memory_space<vmem>>, vector<16xf32>,
        %parallel_loop3A_555 = arith.constant 1 : i32
        %parallel_loop3A_556 = arith.addi %parallel_loop3A_547, %parallel_loop3A_555 : i32
        %parallel_loop3A_557 = arith.index_cast %parallel_loop3A_556 : i32 to index
        %parallel_loop3A_558 = arith.constant 0 : index
        %parallel_loop3A_559 = tpu.vector_load %arg6[%parallel_loop3A_557, %parallel_loop3A_558] {strides = array<i32>} : memref<1280x32xf32, #tpu.memory_space<vmem>>, vector<16xf32>,
        %parallel_loop3A_560 = arith.constant 1 : i32
        %parallel_loop3A_561 = arith.addi %parallel_loop3A_547, %parallel_loop3A_560 : i32
        %parallel_loop3A_562 = arith.index_cast %parallel_loop3A_561 : i32 to index
        %parallel_loop3A_563 = arith.constant 16 : index
        %parallel_loop3A_564 = tpu.vector_load %arg6[%parallel_loop3A_562, %parallel_loop3A_563] {strides = array<i32>} : memref<1280x32xf32, #tpu.memory_space<vmem>>, vector<16xf32>,
        %parallel_loop3A_565 = arith.mulf %parallel_loop3A_551, %parallel_loop3A_551 : vector<16xf32>
        %parallel_loop3A_566 = arith.mulf %parallel_loop3A_554, %parallel_loop3A_554 : vector<16xf32>
        %parallel_loop3A_567 = arith.addf %parallel_loop3A_565, %parallel_loop3A_566 : vector<16xf32>
        %parallel_loop3A_568 = arith.mulf %parallel_loop3A_559, %parallel_loop3A_559 : vector<16xf32>
        %parallel_loop3A_569 = arith.mulf %parallel_loop3A_564, %parallel_loop3A_564 : vector<16xf32>
        %parallel_loop3A_570 = arith.addf %parallel_loop3A_568, %parallel_loop3A_569 : vector<16xf32>
        %parallel_loop3A_571 = arith.constant 8 : i32
        %parallel_loop3A_572 = vector.broadcast %parallel_loop3A_571 : i32 to vector<16xi32>
        %parallel_loop3A_573 = arith.xori %parallel_loop3A_548, %parallel_loop3A_572 : vector<16xi32>
        %parallel_loop3A_574 = vector.shape_cast %parallel_loop3A_573 : vector<16xi32> to vector<16x1xi32>
        %parallel_loop3A_575 = vector.shape_cast %parallel_loop3A_574 : vector<16x1xi32> to vector<16xi32>
        %parallel_loop3A_576 = tpu.dynamic_gather %parallel_loop3A_567[%parallel_loop3A_575] in [0] : vector<16xf32>, vector<16xi32> -> vector<16xf32>
        %parallel_loop3A_577 = arith.addf %parallel_loop3A_567, %parallel_loop3A_576 : vector<16xf32>
        %parallel_loop3A_578 = arith.constant 8 : i32
        %parallel_loop3A_579 = vector.broadcast %parallel_loop3A_578 : i32 to vector<16xi32>
        %parallel_loop3A_580 = arith.xori %parallel_loop3A_548, %parallel_loop3A_579 : vector<16xi32>
        %parallel_loop3A_581 = vector.shape_cast %parallel_loop3A_580 : vector<16xi32> to vector<16x1xi32>
        %parallel_loop3A_582 = vector.shape_cast %parallel_loop3A_581 : vector<16x1xi32> to vector<16xi32>
        %parallel_loop3A_583 = tpu.dynamic_gather %parallel_loop3A_570[%parallel_loop3A_582] in [0] : vector<16xf32>, vector<16xi32> -> vector<16xf32>
        %parallel_loop3A_584 = arith.addf %parallel_loop3A_570, %parallel_loop3A_583 : vector<16xf32>
        %parallel_loop3A_585 = arith.constant 8 : i32
        %parallel_loop3A_586 = vector.broadcast %parallel_loop3A_585 : i32 to vector<16xi32>
        %parallel_loop3A_587 = arith.cmpi slt, %parallel_loop3A_548, %parallel_loop3A_586 : vector<16xi32>
        %parallel_loop3A_588 = arith.select %parallel_loop3A_587, %parallel_loop3A_577, %parallel_loop3A_584 : vector<16xi1>, vector<16xf32>
        %parallel_loop3A_589 = arith.constant 4 : i32
        %parallel_loop3A_590 = vector.broadcast %parallel_loop3A_589 : i32 to vector<16xi32>
        %parallel_loop3A_591 = arith.xori %parallel_loop3A_548, %parallel_loop3A_590 : vector<16xi32>
        %parallel_loop3A_592 = vector.shape_cast %parallel_loop3A_591 : vector<16xi32> to vector<16x1xi32>
        %parallel_loop3A_593 = vector.shape_cast %parallel_loop3A_592 : vector<16x1xi32> to vector<16xi32>
        %parallel_loop3A_594 = tpu.dynamic_gather %parallel_loop3A_588[%parallel_loop3A_593] in [0] : vector<16xf32>, vector<16xi32> -> vector<16xf32>
        %parallel_loop3A_595 = arith.addf %parallel_loop3A_588, %parallel_loop3A_594 : vector<16xf32>
        %parallel_loop3A_596 = arith.constant 2 : i32
        %parallel_loop3A_597 = vector.broadcast %parallel_loop3A_596 : i32 to vector<16xi32>
        %parallel_loop3A_598 = arith.xori %parallel_loop3A_548, %parallel_loop3A_597 : vector<16xi32>
        %parallel_loop3A_599 = vector.shape_cast %parallel_loop3A_598 : vector<16xi32> to vector<16x1xi32>
        %parallel_loop3A_600 = vector.shape_cast %parallel_loop3A_599 : vector<16x1xi32> to vector<16xi32>
        %parallel_loop3A_601 = tpu.dynamic_gather %parallel_loop3A_595[%parallel_loop3A_600] in [0] : vector<16xf32>, vector<16xi32> -> vector<16xf32>
        %parallel_loop3A_602 = arith.addf %parallel_loop3A_595, %parallel_loop3A_601 : vector<16xf32>
        %parallel_loop3A_603 = arith.constant 1 : i32
        %parallel_loop3A_604 = vector.broadcast %parallel_loop3A_603 : i32 to vector<16xi32>
        %parallel_loop3A_605 = arith.xori %parallel_loop3A_548, %parallel_loop3A_604 : vector<16xi32>
        %parallel_loop3A_606 = vector.shape_cast %parallel_loop3A_605 : vector<16xi32> to vector<16x1xi32>
        %parallel_loop3A_607 = vector.shape_cast %parallel_loop3A_606 : vector<16x1xi32> to vector<16xi32>
        %parallel_loop3A_608 = tpu.dynamic_gather %parallel_loop3A_602[%parallel_loop3A_607] in [0] : vector<16xf32>, vector<16xi32> -> vector<16xf32>
        %parallel_loop3A_609 = arith.addf %parallel_loop3A_602, %parallel_loop3A_608 : vector<16xf32>
        %parallel_loop3A_610 = vector.bitcast %parallel_loop3A_609 : vector<16xf32> to vector<16xi32>
        %parallel_loop3A_611 = arith.constant 1 : i32
        %parallel_loop3A_612 = vector.broadcast %parallel_loop3A_611 : i32 to vector<16xi32>
        %parallel_loop3A_613 = arith.shrsi %parallel_loop3A_610, %parallel_loop3A_612 : vector<16xi32>
        %parallel_loop3A_614 = arith.constant 1597463007 : i32
        %parallel_loop3A_615 = vector.broadcast %parallel_loop3A_614 : i32 to vector<16xi32>
        %parallel_loop3A_616 = arith.subi %parallel_loop3A_615, %parallel_loop3A_613 : vector<16xi32>
        %parallel_loop3A_617 = vector.bitcast %parallel_loop3A_616 : vector<16xi32> to vector<16xf32>
        %parallel_loop3A_618 = arith.constant 5.000000e-01 : f32
        %parallel_loop3A_619 = vector.broadcast %parallel_loop3A_618 : f32 to vector<16xf32>
        %parallel_loop3A_620 = arith.mulf %parallel_loop3A_619, %parallel_loop3A_609 : vector<16xf32>
        %parallel_loop3A_621 = arith.mulf %parallel_loop3A_620, %parallel_loop3A_617 : vector<16xf32>
        %parallel_loop3A_622 = arith.mulf %parallel_loop3A_621, %parallel_loop3A_617 : vector<16xf32>
        %parallel_loop3A_623 = arith.constant 1.500000e+00 : f32
        %parallel_loop3A_624 = vector.broadcast %parallel_loop3A_623 : f32 to vector<16xf32>
        %parallel_loop3A_625 = arith.subf %parallel_loop3A_624, %parallel_loop3A_622 : vector<16xf32>
        %parallel_loop3A_626 = arith.mulf %parallel_loop3A_617, %parallel_loop3A_625 : vector<16xf32>
        %parallel_loop3A_627 = arith.constant 5.000000e-01 : f32
        %parallel_loop3A_628 = vector.broadcast %parallel_loop3A_627 : f32 to vector<16xf32>
        %parallel_loop3A_629 = arith.mulf %parallel_loop3A_628, %parallel_loop3A_609 : vector<16xf32>
        %parallel_loop3A_630 = arith.mulf %parallel_loop3A_629, %parallel_loop3A_626 : vector<16xf32>
        %parallel_loop3A_631 = arith.mulf %parallel_loop3A_630, %parallel_loop3A_626 : vector<16xf32>
        %parallel_loop3A_632 = arith.constant 1.500000e+00 : f32
        %parallel_loop3A_633 = vector.broadcast %parallel_loop3A_632 : f32 to vector<16xf32>
        %parallel_loop3A_634 = arith.subf %parallel_loop3A_633, %parallel_loop3A_631 : vector<16xf32>
        %parallel_loop3A_635 = arith.mulf %parallel_loop3A_626, %parallel_loop3A_634 : vector<16xf32>
        %parallel_loop3A_636 = arith.constant 9.000000e+00 : f32
        %parallel_loop3A_637 = vector.broadcast %parallel_loop3A_636 : f32 to vector<16xf32>
        %parallel_loop3A_638 = arith.cmpf ogt, %parallel_loop3A_609, %parallel_loop3A_637 : vector<16xf32>
        %parallel_loop3A_639 = arith.constant 3.000000e+00 : f32
        %parallel_loop3A_640 = vector.broadcast %parallel_loop3A_639 : f32 to vector<16xf32>
        %parallel_loop3A_641 = arith.mulf %parallel_loop3A_640, %parallel_loop3A_635 : vector<16xf32>
        %parallel_loop3A_642 = arith.constant 1.000000e+00 : f32
        %parallel_loop3A_643 = vector.broadcast %parallel_loop3A_642 : f32 to vector<16xf32>
        %parallel_loop3A_644 = arith.select %parallel_loop3A_638, %parallel_loop3A_641, %parallel_loop3A_643 : vector<16xi1>, vector<16xf32>
        %parallel_loop3A_645 = arith.constant 0 : i32
        %parallel_loop3A_646 = vector.broadcast %parallel_loop3A_645 : i32 to vector<16xi32>
        %parallel_loop3A_647 = vector.shape_cast %parallel_loop3A_646 : vector<16xi32> to vector<16x1xi32>
        %parallel_loop3A_648 = vector.shape_cast %parallel_loop3A_647 : vector<16x1xi32> to vector<16xi32>
        %parallel_loop3A_649 = tpu.dynamic_gather %parallel_loop3A_644[%parallel_loop3A_648] in [0] : vector<16xf32>, vector<16xi32> -> vector<16xf32>
        %parallel_loop3A_650 = arith.constant 8 : i32
        %parallel_loop3A_651 = vector.broadcast %parallel_loop3A_650 : i32 to vector<16xi32>
        %parallel_loop3A_652 = vector.shape_cast %parallel_loop3A_651 : vector<16xi32> to vector<16x1xi32>
        %parallel_loop3A_653 = vector.shape_cast %parallel_loop3A_652 : vector<16x1xi32> to vector<16xi32>
        %parallel_loop3A_654 = tpu.dynamic_gather %parallel_loop3A_644[%parallel_loop3A_653] in [0] : vector<16xf32>, vector<16xi32> -> vector<16xf32>
        %parallel_loop3A_655 = arith.mulf %parallel_loop3A_551, %parallel_loop3A_649 : vector<16xf32>
        %parallel_loop3A_656 = arith.index_cast %parallel_loop3A_547 : i32 to index
        %parallel_loop3A_657 = arith.constant 0 : index
        %parallel_loop3A_658 = tpu.vector_load %arg6[%parallel_loop3A_656, %parallel_loop3A_657] {strides = array<i32>} : memref<1280x32xf32, #tpu.memory_space<vmem>>, vector<16xf32>,
        tpu.vector_store %arg6[%parallel_loop3A_656, %parallel_loop3A_657], %parallel_loop3A_655 {strides = array<i32>} : memref<1280x32xf32, #tpu.memory_space<vmem>>, vector<16xf32>,
        %parallel_loop3A_659 = arith.mulf %parallel_loop3A_554, %parallel_loop3A_649 : vector<16xf32>
        %parallel_loop3A_660 = arith.index_cast %parallel_loop3A_547 : i32 to index
        %parallel_loop3A_661 = arith.constant 16 : index
        %parallel_loop3A_662 = tpu.vector_load %arg6[%parallel_loop3A_660, %parallel_loop3A_661] {strides = array<i32>} : memref<1280x32xf32, #tpu.memory_space<vmem>>, vector<16xf32>,
        tpu.vector_store %arg6[%parallel_loop3A_660, %parallel_loop3A_661], %parallel_loop3A_659 {strides = array<i32>} : memref<1280x32xf32, #tpu.memory_space<vmem>>, vector<16xf32>,
        %parallel_loop3A_663 = arith.mulf %parallel_loop3A_559, %parallel_loop3A_654 : vector<16xf32>
        %parallel_loop3A_664 = arith.constant 1 : i32
        %parallel_loop3A_665 = arith.addi %parallel_loop3A_547, %parallel_loop3A_664 : i32
        %parallel_loop3A_666 = arith.index_cast %parallel_loop3A_665 : i32 to index
        %parallel_loop3A_667 = arith.constant 0 : index
        %parallel_loop3A_668 = tpu.vector_load %arg6[%parallel_loop3A_666, %parallel_loop3A_667] {strides = array<i32>} : memref<1280x32xf32, #tpu.memory_space<vmem>>, vector<16xf32>,
        tpu.vector_store %arg6[%parallel_loop3A_666, %parallel_loop3A_667], %parallel_loop3A_663 {strides = array<i32>} : memref<1280x32xf32, #tpu.memory_space<vmem>>, vector<16xf32>,
        %parallel_loop3A_669 = arith.mulf %parallel_loop3A_564, %parallel_loop3A_654 : vector<16xf32>
        %parallel_loop3A_670 = arith.constant 1 : i32
        %parallel_loop3A_671 = arith.addi %parallel_loop3A_547, %parallel_loop3A_670 : i32
        %parallel_loop3A_672 = arith.index_cast %parallel_loop3A_671 : i32 to index
        %parallel_loop3A_673 = arith.constant 16 : index
        %parallel_loop3A_674 = tpu.vector_load %arg6[%parallel_loop3A_672, %parallel_loop3A_673] {strides = array<i32>} : memref<1280x32xf32, #tpu.memory_space<vmem>>, vector<16xf32>,
        tpu.vector_store %arg6[%parallel_loop3A_672, %parallel_loop3A_673], %parallel_loop3A_669 {strides = array<i32>} : memref<1280x32xf32, #tpu.memory_space<vmem>>, vector<16xf32>,
        %parallel_loop3A_675 = arith.constant 2 : i32
        %parallel_loop3A_676 = arith.addi %parallel_loop3A_547, %parallel_loop3A_675 : i32
        %parallel_loop3A_677 = tpu.iota {dimensions = array<i32: 0>} : vector<16xi32>
        %parallel_loop3A_678 = arith.index_cast %parallel_loop3A_676 : i32 to index
        %parallel_loop3A_679 = arith.constant 0 : index
        %parallel_loop3A_680 = tpu.vector_load %arg6[%parallel_loop3A_678, %parallel_loop3A_679] {strides = array<i32>} : memref<1280x32xf32, #tpu.memory_space<vmem>>, vector<16xf32>,
        %parallel_loop3A_681 = arith.index_cast %parallel_loop3A_676 : i32 to index
        %parallel_loop3A_682 = arith.constant 16 : index
        %parallel_loop3A_683 = tpu.vector_load %arg6[%parallel_loop3A_681, %parallel_loop3A_682] {strides = array<i32>} : memref<1280x32xf32, #tpu.memory_space<vmem>>, vector<16xf32>,
        %parallel_loop3A_684 = arith.constant 1 : i32
        %parallel_loop3A_685 = arith.addi %parallel_loop3A_676, %parallel_loop3A_684 : i32
        %parallel_loop3A_686 = arith.index_cast %parallel_loop3A_685 : i32 to index
        %parallel_loop3A_687 = arith.constant 0 : index
        %parallel_loop3A_688 = tpu.vector_load %arg6[%parallel_loop3A_686, %parallel_loop3A_687] {strides = array<i32>} : memref<1280x32xf32, #tpu.memory_space<vmem>>, vector<16xf32>,
        %parallel_loop3A_689 = arith.constant 1 : i32
        %parallel_loop3A_690 = arith.addi %parallel_loop3A_676, %parallel_loop3A_689 : i32
        %parallel_loop3A_691 = arith.index_cast %parallel_loop3A_690 : i32 to index
        %parallel_loop3A_692 = arith.constant 16 : index
        %parallel_loop3A_693 = tpu.vector_load %arg6[%parallel_loop3A_691, %parallel_loop3A_692] {strides = array<i32>} : memref<1280x32xf32, #tpu.memory_space<vmem>>, vector<16xf32>,
        %parallel_loop3A_694 = arith.mulf %parallel_loop3A_680, %parallel_loop3A_680 : vector<16xf32>
        %parallel_loop3A_695 = arith.mulf %parallel_loop3A_683, %parallel_loop3A_683 : vector<16xf32>
        %parallel_loop3A_696 = arith.addf %parallel_loop3A_694, %parallel_loop3A_695 : vector<16xf32>
        %parallel_loop3A_697 = arith.mulf %parallel_loop3A_688, %parallel_loop3A_688 : vector<16xf32>
        %parallel_loop3A_698 = arith.mulf %parallel_loop3A_693, %parallel_loop3A_693 : vector<16xf32>
        %parallel_loop3A_699 = arith.addf %parallel_loop3A_697, %parallel_loop3A_698 : vector<16xf32>
        %parallel_loop3A_700 = arith.constant 8 : i32
        %parallel_loop3A_701 = vector.broadcast %parallel_loop3A_700 : i32 to vector<16xi32>
        %parallel_loop3A_702 = arith.xori %parallel_loop3A_677, %parallel_loop3A_701 : vector<16xi32>
        %parallel_loop3A_703 = vector.shape_cast %parallel_loop3A_702 : vector<16xi32> to vector<16x1xi32>
        %parallel_loop3A_704 = vector.shape_cast %parallel_loop3A_703 : vector<16x1xi32> to vector<16xi32>
        %parallel_loop3A_705 = tpu.dynamic_gather %parallel_loop3A_696[%parallel_loop3A_704] in [0] : vector<16xf32>, vector<16xi32> -> vector<16xf32>
        %parallel_loop3A_706 = arith.addf %parallel_loop3A_696, %parallel_loop3A_705 : vector<16xf32>
        %parallel_loop3A_707 = arith.constant 8 : i32
        %parallel_loop3A_708 = vector.broadcast %parallel_loop3A_707 : i32 to vector<16xi32>
        %parallel_loop3A_709 = arith.xori %parallel_loop3A_677, %parallel_loop3A_708 : vector<16xi32>
        %parallel_loop3A_710 = vector.shape_cast %parallel_loop3A_709 : vector<16xi32> to vector<16x1xi32>
        %parallel_loop3A_711 = vector.shape_cast %parallel_loop3A_710 : vector<16x1xi32> to vector<16xi32>
        %parallel_loop3A_712 = tpu.dynamic_gather %parallel_loop3A_699[%parallel_loop3A_711] in [0] : vector<16xf32>, vector<16xi32> -> vector<16xf32>
        %parallel_loop3A_713 = arith.addf %parallel_loop3A_699, %parallel_loop3A_712 : vector<16xf32>
        %parallel_loop3A_714 = arith.constant 8 : i32
        %parallel_loop3A_715 = vector.broadcast %parallel_loop3A_714 : i32 to vector<16xi32>
        %parallel_loop3A_716 = arith.cmpi slt, %parallel_loop3A_677, %parallel_loop3A_715 : vector<16xi32>
        %parallel_loop3A_717 = arith.select %parallel_loop3A_716, %parallel_loop3A_706, %parallel_loop3A_713 : vector<16xi1>, vector<16xf32>
        %parallel_loop3A_718 = arith.constant 4 : i32
        %parallel_loop3A_719 = vector.broadcast %parallel_loop3A_718 : i32 to vector<16xi32>
        %parallel_loop3A_720 = arith.xori %parallel_loop3A_677, %parallel_loop3A_719 : vector<16xi32>
        %parallel_loop3A_721 = vector.shape_cast %parallel_loop3A_720 : vector<16xi32> to vector<16x1xi32>
        %parallel_loop3A_722 = vector.shape_cast %parallel_loop3A_721 : vector<16x1xi32> to vector<16xi32>
        %parallel_loop3A_723 = tpu.dynamic_gather %parallel_loop3A_717[%parallel_loop3A_722] in [0] : vector<16xf32>, vector<16xi32> -> vector<16xf32>
        %parallel_loop3A_724 = arith.addf %parallel_loop3A_717, %parallel_loop3A_723 : vector<16xf32>
        %parallel_loop3A_725 = arith.constant 2 : i32
        %parallel_loop3A_726 = vector.broadcast %parallel_loop3A_725 : i32 to vector<16xi32>
        %parallel_loop3A_727 = arith.xori %parallel_loop3A_677, %parallel_loop3A_726 : vector<16xi32>
        %parallel_loop3A_728 = vector.shape_cast %parallel_loop3A_727 : vector<16xi32> to vector<16x1xi32>
        %parallel_loop3A_729 = vector.shape_cast %parallel_loop3A_728 : vector<16x1xi32> to vector<16xi32>
        %parallel_loop3A_730 = tpu.dynamic_gather %parallel_loop3A_724[%parallel_loop3A_729] in [0] : vector<16xf32>, vector<16xi32> -> vector<16xf32>
        %parallel_loop3A_731 = arith.addf %parallel_loop3A_724, %parallel_loop3A_730 : vector<16xf32>
        %parallel_loop3A_732 = arith.constant 1 : i32
        %parallel_loop3A_733 = vector.broadcast %parallel_loop3A_732 : i32 to vector<16xi32>
        %parallel_loop3A_734 = arith.xori %parallel_loop3A_677, %parallel_loop3A_733 : vector<16xi32>
        %parallel_loop3A_735 = vector.shape_cast %parallel_loop3A_734 : vector<16xi32> to vector<16x1xi32>
        %parallel_loop3A_736 = vector.shape_cast %parallel_loop3A_735 : vector<16x1xi32> to vector<16xi32>
        %parallel_loop3A_737 = tpu.dynamic_gather %parallel_loop3A_731[%parallel_loop3A_736] in [0] : vector<16xf32>, vector<16xi32> -> vector<16xf32>
        %parallel_loop3A_738 = arith.addf %parallel_loop3A_731, %parallel_loop3A_737 : vector<16xf32>
        %parallel_loop3A_739 = vector.bitcast %parallel_loop3A_738 : vector<16xf32> to vector<16xi32>
        %parallel_loop3A_740 = arith.constant 1 : i32
        %parallel_loop3A_741 = vector.broadcast %parallel_loop3A_740 : i32 to vector<16xi32>
        %parallel_loop3A_742 = arith.shrsi %parallel_loop3A_739, %parallel_loop3A_741 : vector<16xi32>
        %parallel_loop3A_743 = arith.constant 1597463007 : i32
        %parallel_loop3A_744 = vector.broadcast %parallel_loop3A_743 : i32 to vector<16xi32>
        %parallel_loop3A_745 = arith.subi %parallel_loop3A_744, %parallel_loop3A_742 : vector<16xi32>
        %parallel_loop3A_746 = vector.bitcast %parallel_loop3A_745 : vector<16xi32> to vector<16xf32>
        %parallel_loop3A_747 = arith.constant 5.000000e-01 : f32
        %parallel_loop3A_748 = vector.broadcast %parallel_loop3A_747 : f32 to vector<16xf32>
        %parallel_loop3A_749 = arith.mulf %parallel_loop3A_748, %parallel_loop3A_738 : vector<16xf32>
        %parallel_loop3A_750 = arith.mulf %parallel_loop3A_749, %parallel_loop3A_746 : vector<16xf32>
        %parallel_loop3A_751 = arith.mulf %parallel_loop3A_750, %parallel_loop3A_746 : vector<16xf32>
        %parallel_loop3A_752 = arith.constant 1.500000e+00 : f32
        %parallel_loop3A_753 = vector.broadcast %parallel_loop3A_752 : f32 to vector<16xf32>
        %parallel_loop3A_754 = arith.subf %parallel_loop3A_753, %parallel_loop3A_751 : vector<16xf32>
        %parallel_loop3A_755 = arith.mulf %parallel_loop3A_746, %parallel_loop3A_754 : vector<16xf32>
        %parallel_loop3A_756 = arith.constant 5.000000e-01 : f32
        %parallel_loop3A_757 = vector.broadcast %parallel_loop3A_756 : f32 to vector<16xf32>
        %parallel_loop3A_758 = arith.mulf %parallel_loop3A_757, %parallel_loop3A_738 : vector<16xf32>
        %parallel_loop3A_759 = arith.mulf %parallel_loop3A_758, %parallel_loop3A_755 : vector<16xf32>
        %parallel_loop3A_760 = arith.mulf %parallel_loop3A_759, %parallel_loop3A_755 : vector<16xf32>
        %parallel_loop3A_761 = arith.constant 1.500000e+00 : f32
        %parallel_loop3A_762 = vector.broadcast %parallel_loop3A_761 : f32 to vector<16xf32>
        %parallel_loop3A_763 = arith.subf %parallel_loop3A_762, %parallel_loop3A_760 : vector<16xf32>
        %parallel_loop3A_764 = arith.mulf %parallel_loop3A_755, %parallel_loop3A_763 : vector<16xf32>
        %parallel_loop3A_765 = arith.constant 9.000000e+00 : f32
        %parallel_loop3A_766 = vector.broadcast %parallel_loop3A_765 : f32 to vector<16xf32>
        %parallel_loop3A_767 = arith.cmpf ogt, %parallel_loop3A_738, %parallel_loop3A_766 : vector<16xf32>
        %parallel_loop3A_768 = arith.constant 3.000000e+00 : f32
        %parallel_loop3A_769 = vector.broadcast %parallel_loop3A_768 : f32 to vector<16xf32>
        %parallel_loop3A_770 = arith.mulf %parallel_loop3A_769, %parallel_loop3A_764 : vector<16xf32>
        %parallel_loop3A_771 = arith.constant 1.000000e+00 : f32
        %parallel_loop3A_772 = vector.broadcast %parallel_loop3A_771 : f32 to vector<16xf32>
        %parallel_loop3A_773 = arith.select %parallel_loop3A_767, %parallel_loop3A_770, %parallel_loop3A_772 : vector<16xi1>, vector<16xf32>
        %parallel_loop3A_774 = arith.constant 0 : i32
        %parallel_loop3A_775 = vector.broadcast %parallel_loop3A_774 : i32 to vector<16xi32>
        %parallel_loop3A_776 = vector.shape_cast %parallel_loop3A_775 : vector<16xi32> to vector<16x1xi32>
        %parallel_loop3A_777 = vector.shape_cast %parallel_loop3A_776 : vector<16x1xi32> to vector<16xi32>
        %parallel_loop3A_778 = tpu.dynamic_gather %parallel_loop3A_773[%parallel_loop3A_777] in [0] : vector<16xf32>, vector<16xi32> -> vector<16xf32>
        %parallel_loop3A_779 = arith.constant 8 : i32
        %parallel_loop3A_780 = vector.broadcast %parallel_loop3A_779 : i32 to vector<16xi32>
        %parallel_loop3A_781 = vector.shape_cast %parallel_loop3A_780 : vector<16xi32> to vector<16x1xi32>
        %parallel_loop3A_782 = vector.shape_cast %parallel_loop3A_781 : vector<16x1xi32> to vector<16xi32>
        %parallel_loop3A_783 = tpu.dynamic_gather %parallel_loop3A_773[%parallel_loop3A_782] in [0] : vector<16xf32>, vector<16xi32> -> vector<16xf32>
        %parallel_loop3A_784 = arith.mulf %parallel_loop3A_680, %parallel_loop3A_778 : vector<16xf32>
        %parallel_loop3A_785 = arith.index_cast %parallel_loop3A_676 : i32 to index
        %parallel_loop3A_786 = arith.constant 0 : index
        %parallel_loop3A_787 = tpu.vector_load %arg6[%parallel_loop3A_785, %parallel_loop3A_786] {strides = array<i32>} : memref<1280x32xf32, #tpu.memory_space<vmem>>, vector<16xf32>,
        tpu.vector_store %arg6[%parallel_loop3A_785, %parallel_loop3A_786], %parallel_loop3A_784 {strides = array<i32>} : memref<1280x32xf32, #tpu.memory_space<vmem>>, vector<16xf32>,
        %parallel_loop3A_788 = arith.mulf %parallel_loop3A_683, %parallel_loop3A_778 : vector<16xf32>
        %parallel_loop3A_789 = arith.index_cast %parallel_loop3A_676 : i32 to index
        %parallel_loop3A_790 = arith.constant 16 : index
        %parallel_loop3A_791 = tpu.vector_load %arg6[%parallel_loop3A_789, %parallel_loop3A_790] {strides = array<i32>} : memref<1280x32xf32, #tpu.memory_space<vmem>>, vector<16xf32>,
        tpu.vector_store %arg6[%parallel_loop3A_789, %parallel_loop3A_790], %parallel_loop3A_788 {strides = array<i32>} : memref<1280x32xf32, #tpu.memory_space<vmem>>, vector<16xf32>,
        %parallel_loop3A_792 = arith.mulf %parallel_loop3A_688, %parallel_loop3A_783 : vector<16xf32>
        %parallel_loop3A_793 = arith.constant 1 : i32
        %parallel_loop3A_794 = arith.addi %parallel_loop3A_676, %parallel_loop3A_793 : i32
        %parallel_loop3A_795 = arith.index_cast %parallel_loop3A_794 : i32 to index
        %parallel_loop3A_796 = arith.constant 0 : index
        %parallel_loop3A_797 = tpu.vector_load %arg6[%parallel_loop3A_795, %parallel_loop3A_796] {strides = array<i32>} : memref<1280x32xf32, #tpu.memory_space<vmem>>, vector<16xf32>,
        tpu.vector_store %arg6[%parallel_loop3A_795, %parallel_loop3A_796], %parallel_loop3A_792 {strides = array<i32>} : memref<1280x32xf32, #tpu.memory_space<vmem>>, vector<16xf32>,
        %parallel_loop3A_798 = arith.mulf %parallel_loop3A_693, %parallel_loop3A_783 : vector<16xf32>
        %parallel_loop3A_799 = arith.constant 1 : i32
        %parallel_loop3A_800 = arith.addi %parallel_loop3A_676, %parallel_loop3A_799 : i32
        %parallel_loop3A_801 = arith.index_cast %parallel_loop3A_800 : i32 to index
        %parallel_loop3A_802 = arith.constant 16 : index
        %parallel_loop3A_803 = tpu.vector_load %arg6[%parallel_loop3A_801, %parallel_loop3A_802] {strides = array<i32>} : memref<1280x32xf32, #tpu.memory_space<vmem>>, vector<16xf32>,
        tpu.vector_store %arg6[%parallel_loop3A_801, %parallel_loop3A_802], %parallel_loop3A_798 {strides = array<i32>} : memref<1280x32xf32, #tpu.memory_space<vmem>>, vector<16xf32>,
      } {sc.loop_unroll_factor = 2 : i64, sc.parallel_access}
      %mul3A_390 = arith.constant 1280 : i32
      %mul3A_391 = arith.muli %add3A_123, %mul3A_390 : i32
      %add3A_392 = arith.addi %mul3A_2, %mul3A_391 : i32
      %dma_start3A_393 = arith.constant 0 : i32
      %dma_start3A_394 = tpu.memref_slice %arg4[%add3A_392, %dma_start3A_393] : memref<819200x32xf32, #tpu.memory_space<hbm>> -> memref<1280x32xf32, #tpu.memory_space<hbm>>
      %dma_start3A_395 = arith.constant 0 : i32
      %dma_start3A_396 = tpu.memref_slice %arg4[%add3A_392, %dma_start3A_395] : memref<819200x32xf32, #tpu.memory_space<hbm>> -> memref<1280x32xf32, #tpu.memory_space<hbm>>
      tpu.enqueue_dma source(%arg6 : memref<1280x32xf32, #tpu.memory_space<vmem>>) target(%dma_start3A_396 : memref<1280x32xf32, #tpu.memory_space<hbm>>) target_semaphore(%arg10 : memref<!tpu.dma_semaphore, #tpu.memory_space<semaphore_mem>>)
      %add3A_397 = arith.constant 2 : i32
      %add3A_398 = arith.addi %add3A_123, %add3A_397 : i32
      %lt3A = arith.constant 20 : i32
      %lt3A_399 = arith.cmpi slt, %add3A_398, %lt3A : i32
      %convert_element_type3A_400 = arith.extui %lt3A_399 : i1 to i32
      %cond3A_401 = arith.constant 0 : i32
      %cond3A_402 = arith.cmpi ne, %convert_element_type3A_400, %cond3A_401 : i32
      scf.if %cond3A_402 {
        %mul3A_547 = arith.constant 1280 : i32
        %mul3A_548 = arith.muli %add3A_123, %mul3A_547 : i32
        %add3A_549 = arith.addi %mul3A_2, %mul3A_548 : i32
        %dma_wait3A_550 = arith.constant 0 : i32
        %dma_wait3A_551 = tpu.memref_slice %arg4[%add3A_549, %dma_wait3A_550] : memref<819200x32xf32, #tpu.memory_space<hbm>> -> memref<1280x32xf32, #tpu.memory_space<hbm>>
        %dma_wait3A_552 = arith.constant 0 : i32
        %dma_wait3A_553 = tpu.memref_slice %arg4[%add3A_549, %dma_wait3A_552] : memref<819200x32xf32, #tpu.memory_space<hbm>> -> memref<1280x32xf32, #tpu.memory_space<hbm>>
        tpu.wait_dma2 semaphore(%arg10 : memref<!tpu.dma_semaphore, #tpu.memory_space<semaphore_mem>>) src(%arg6 : memref<1280x32xf32, #tpu.memory_space<vmem>>) dst(%dma_wait3A_553 : memref<1280x32xf32, #tpu.memory_space<hbm>>)
        %add3A_554 = arith.constant 2 : i32
        %add3A_555 = arith.addi %add3A_123, %add3A_554 : i32
        %mul3A_556 = arith.constant 10 : i32
        %mul3A_557 = arith.muli %add3A_555, %mul3A_556 : i32
        %add3A_558 = arith.constant 0 : i32
        %add3A_559 = arith.addi %mul3A_557, %add3A_558 : i32
        %dma_start3A_560 = arith.constant 0 : i32
        %dma_start3A_561 = arith.constant 0 : i32
        %dma_start3A_562 = tpu.memref_slice %arg6[%dma_start3A_560, %dma_start3A_561] : memref<1280x32xf32, #tpu.memory_space<vmem>> -> memref<128x32xf32, #tpu.memory_space<vmem>>
        %dma_start3A_563 = arith.constant 0 : i32
        %dma_start3A_564 = tpu.memref_slice %arg5[%add3A_559, %dma_start3A_563] : memref<200x128xi32, #tpu.memory_space<vmem>> -> memref<1x128xi32, #tpu.memory_space<vmem>>
        %dma_start3A_565 = tpu.memref_squeeze %dma_start3A_564 : memref<1x128xi32, #tpu.memory_space<vmem>> -> memref<128xi32, #tpu.memory_space<vmem>>
        %dma_start3A_566 = arith.constant 0 : i32
        %dma_start3A_567 = arith.constant 0 : i32
        %dma_start3A_568 = tpu.memref_slice %arg3[%dma_start3A_566, %dma_start3A_567] : memref<1000000x32xf32, #tpu.memory_space<hbm>> -> memref<1000000x32xf32, #tpu.memory_space<hbm>>
        tpu.enqueue_indirect_dma source(%dma_start3A_568 : memref<1000000x32xf32, #tpu.memory_space<hbm>>) target(%dma_start3A_562 : memref<128x32xf32, #tpu.memory_space<vmem>>) offsets(%dma_start3A_565 : memref<128xi32, #tpu.memory_space<vmem>>) semaphore(%arg8 : memref<!tpu.dma_semaphore, #tpu.memory_space<semaphore_mem>>)
        %mul3A_569 = arith.constant 10 : i32
        %mul3A_570 = arith.muli %add3A_555, %mul3A_569 : i32
        %add3A_571 = arith.constant 1 : i32
        %add3A_572 = arith.addi %mul3A_570, %add3A_571 : i32
        %dma_start3A_573 = arith.constant 128 : i32
        %dma_start3A_574 = arith.constant 0 : i32
        %dma_start3A_575 = tpu.memref_slice %arg6[%dma_start3A_573, %dma_start3A_574] : memref<1280x32xf32, #tpu.memory_space<vmem>> -> memref<128x32xf32, #tpu.memory_space<vmem>>
        %dma_start3A_576 = arith.constant 0 : i32
        %dma_start3A_577 = tpu.memref_slice %arg5[%add3A_572, %dma_start3A_576] : memref<200x128xi32, #tpu.memory_space<vmem>> -> memref<1x128xi32, #tpu.memory_space<vmem>>
        %dma_start3A_578 = tpu.memref_squeeze %dma_start3A_577 : memref<1x128xi32, #tpu.memory_space<vmem>> -> memref<128xi32, #tpu.memory_space<vmem>>
        %dma_start3A_579 = arith.constant 0 : i32
        %dma_start3A_580 = arith.constant 0 : i32
        %dma_start3A_581 = tpu.memref_slice %arg3[%dma_start3A_579, %dma_start3A_580] : memref<1000000x32xf32, #tpu.memory_space<hbm>> -> memref<1000000x32xf32, #tpu.memory_space<hbm>>
        tpu.enqueue_indirect_dma source(%dma_start3A_581 : memref<1000000x32xf32, #tpu.memory_space<hbm>>) target(%dma_start3A_575 : memref<128x32xf32, #tpu.memory_space<vmem>>) offsets(%dma_start3A_578 : memref<128xi32, #tpu.memory_space<vmem>>) semaphore(%arg8 : memref<!tpu.dma_semaphore, #tpu.memory_space<semaphore_mem>>)
        %mul3A_582 = arith.constant 10 : i32
        %mul3A_583 = arith.muli %add3A_555, %mul3A_582 : i32
        %add3A_584 = arith.constant 2 : i32
        %add3A_585 = arith.addi %mul3A_583, %add3A_584 : i32
        %dma_start3A_586 = arith.constant 256 : i32
        %dma_start3A_587 = arith.constant 0 : i32
        %dma_start3A_588 = tpu.memref_slice %arg6[%dma_start3A_586, %dma_start3A_587] : memref<1280x32xf32, #tpu.memory_space<vmem>> -> memref<128x32xf32, #tpu.memory_space<vmem>>
        %dma_start3A_589 = arith.constant 0 : i32
        %dma_start3A_590 = tpu.memref_slice %arg5[%add3A_585, %dma_start3A_589] : memref<200x128xi32, #tpu.memory_space<vmem>> -> memref<1x128xi32, #tpu.memory_space<vmem>>
        %dma_start3A_591 = tpu.memref_squeeze %dma_start3A_590 : memref<1x128xi32, #tpu.memory_space<vmem>> -> memref<128xi32, #tpu.memory_space<vmem>>
        %dma_start3A_592 = arith.constant 0 : i32
        %dma_start3A_593 = arith.constant 0 : i32
        %dma_start3A_594 = tpu.memref_slice %arg3[%dma_start3A_592, %dma_start3A_593] : memref<1000000x32xf32, #tpu.memory_space<hbm>> -> memref<1000000x32xf32, #tpu.memory_space<hbm>>
        tpu.enqueue_indirect_dma source(%dma_start3A_594 : memref<1000000x32xf32, #tpu.memory_space<hbm>>) target(%dma_start3A_588 : memref<128x32xf32, #tpu.memory_space<vmem>>) offsets(%dma_start3A_591 : memref<128xi32, #tpu.memory_space<vmem>>) semaphore(%arg8 : memref<!tpu.dma_semaphore, #tpu.memory_space<semaphore_mem>>)
        %mul3A_595 = arith.constant 10 : i32
        %mul3A_596 = arith.muli %add3A_555, %mul3A_595 : i32
        %add3A_597 = arith.constant 3 : i32
        %add3A_598 = arith.addi %mul3A_596, %add3A_597 : i32
        %dma_start3A_599 = arith.constant 384 : i32
        %dma_start3A_600 = arith.constant 0 : i32
        %dma_start3A_601 = tpu.memref_slice %arg6[%dma_start3A_599, %dma_start3A_600] : memref<1280x32xf32, #tpu.memory_space<vmem>> -> memref<128x32xf32, #tpu.memory_space<vmem>>
        %dma_start3A_602 = arith.constant 0 : i32
        %dma_start3A_603 = tpu.memref_slice %arg5[%add3A_598, %dma_start3A_602] : memref<200x128xi32, #tpu.memory_space<vmem>> -> memref<1x128xi32, #tpu.memory_space<vmem>>
        %dma_start3A_604 = tpu.memref_squeeze %dma_start3A_603 : memref<1x128xi32, #tpu.memory_space<vmem>> -> memref<128xi32, #tpu.memory_space<vmem>>
        %dma_start3A_605 = arith.constant 0 : i32
        %dma_start3A_606 = arith.constant 0 : i32
        %dma_start3A_607 = tpu.memref_slice %arg3[%dma_start3A_605, %dma_start3A_606] : memref<1000000x32xf32, #tpu.memory_space<hbm>> -> memref<1000000x32xf32, #tpu.memory_space<hbm>>
        tpu.enqueue_indirect_dma source(%dma_start3A_607 : memref<1000000x32xf32, #tpu.memory_space<hbm>>) target(%dma_start3A_601 : memref<128x32xf32, #tpu.memory_space<vmem>>) offsets(%dma_start3A_604 : memref<128xi32, #tpu.memory_space<vmem>>) semaphore(%arg8 : memref<!tpu.dma_semaphore, #tpu.memory_space<semaphore_mem>>)
        %mul3A_608 = arith.constant 10 : i32
        %mul3A_609 = arith.muli %add3A_555, %mul3A_608 : i32
        %add3A_610 = arith.constant 4 : i32
        %add3A_611 = arith.addi %mul3A_609, %add3A_610 : i32
        %dma_start3A_612 = arith.constant 512 : i32
        %dma_start3A_613 = arith.constant 0 : i32
        %dma_start3A_614 = tpu.memref_slice %arg6[%dma_start3A_612, %dma_start3A_613] : memref<1280x32xf32, #tpu.memory_space<vmem>> -> memref<128x32xf32, #tpu.memory_space<vmem>>
        %dma_start3A_615 = arith.constant 0 : i32
        %dma_start3A_616 = tpu.memref_slice %arg5[%add3A_611, %dma_start3A_615] : memref<200x128xi32, #tpu.memory_space<vmem>> -> memref<1x128xi32, #tpu.memory_space<vmem>>
        %dma_start3A_617 = tpu.memref_squeeze %dma_start3A_616 : memref<1x128xi32, #tpu.memory_space<vmem>> -> memref<128xi32, #tpu.memory_space<vmem>>
        %dma_start3A_618 = arith.constant 0 : i32
        %dma_start3A_619 = arith.constant 0 : i32
        %dma_start3A_620 = tpu.memref_slice %arg3[%dma_start3A_618, %dma_start3A_619] : memref<1000000x32xf32, #tpu.memory_space<hbm>> -> memref<1000000x32xf32, #tpu.memory_space<hbm>>
        tpu.enqueue_indirect_dma source(%dma_start3A_620 : memref<1000000x32xf32, #tpu.memory_space<hbm>>) target(%dma_start3A_614 : memref<128x32xf32, #tpu.memory_space<vmem>>) offsets(%dma_start3A_617 : memref<128xi32, #tpu.memory_space<vmem>>) semaphore(%arg8 : memref<!tpu.dma_semaphore, #tpu.memory_space<semaphore_mem>>)
        %mul3A_621 = arith.constant 10 : i32
        %mul3A_622 = arith.muli %add3A_555, %mul3A_621 : i32
        %add3A_623 = arith.constant 5 : i32
        %add3A_624 = arith.addi %mul3A_622, %add3A_623 : i32
        %dma_start3A_625 = arith.constant 640 : i32
        %dma_start3A_626 = arith.constant 0 : i32
        %dma_start3A_627 = tpu.memref_slice %arg6[%dma_start3A_625, %dma_start3A_626] : memref<1280x32xf32, #tpu.memory_space<vmem>> -> memref<128x32xf32, #tpu.memory_space<vmem>>
        %dma_start3A_628 = arith.constant 0 : i32
        %dma_start3A_629 = tpu.memref_slice %arg5[%add3A_624, %dma_start3A_628] : memref<200x128xi32, #tpu.memory_space<vmem>> -> memref<1x128xi32, #tpu.memory_space<vmem>>
        %dma_start3A_630 = tpu.memref_squeeze %dma_start3A_629 : memref<1x128xi32, #tpu.memory_space<vmem>> -> memref<128xi32, #tpu.memory_space<vmem>>
        %dma_start3A_631 = arith.constant 0 : i32
        %dma_start3A_632 = arith.constant 0 : i32
        %dma_start3A_633 = tpu.memref_slice %arg3[%dma_start3A_631, %dma_start3A_632] : memref<1000000x32xf32, #tpu.memory_space<hbm>> -> memref<1000000x32xf32, #tpu.memory_space<hbm>>
        tpu.enqueue_indirect_dma source(%dma_start3A_633 : memref<1000000x32xf32, #tpu.memory_space<hbm>>) target(%dma_start3A_627 : memref<128x32xf32, #tpu.memory_space<vmem>>) offsets(%dma_start3A_630 : memref<128xi32, #tpu.memory_space<vmem>>) semaphore(%arg8 : memref<!tpu.dma_semaphore, #tpu.memory_space<semaphore_mem>>)
        %mul3A_634 = arith.constant 10 : i32
        %mul3A_635 = arith.muli %add3A_555, %mul3A_634 : i32
        %add3A_636 = arith.constant 6 : i32
        %add3A_637 = arith.addi %mul3A_635, %add3A_636 : i32
        %dma_start3A_638 = arith.constant 768 : i32
        %dma_start3A_639 = arith.constant 0 : i32
        %dma_start3A_640 = tpu.memref_slice %arg6[%dma_start3A_638, %dma_start3A_639] : memref<1280x32xf32, #tpu.memory_space<vmem>> -> memref<128x32xf32, #tpu.memory_space<vmem>>
        %dma_start3A_641 = arith.constant 0 : i32
        %dma_start3A_642 = tpu.memref_slice %arg5[%add3A_637, %dma_start3A_641] : memref<200x128xi32, #tpu.memory_space<vmem>> -> memref<1x128xi32, #tpu.memory_space<vmem>>
        %dma_start3A_643 = tpu.memref_squeeze %dma_start3A_642 : memref<1x128xi32, #tpu.memory_space<vmem>> -> memref<128xi32, #tpu.memory_space<vmem>>
        %dma_start3A_644 = arith.constant 0 : i32
        %dma_start3A_645 = arith.constant 0 : i32
        %dma_start3A_646 = tpu.memref_slice %arg3[%dma_start3A_644, %dma_start3A_645] : memref<1000000x32xf32, #tpu.memory_space<hbm>> -> memref<1000000x32xf32, #tpu.memory_space<hbm>>
        tpu.enqueue_indirect_dma source(%dma_start3A_646 : memref<1000000x32xf32, #tpu.memory_space<hbm>>) target(%dma_start3A_640 : memref<128x32xf32, #tpu.memory_space<vmem>>) offsets(%dma_start3A_643 : memref<128xi32, #tpu.memory_space<vmem>>) semaphore(%arg8 : memref<!tpu.dma_semaphore, #tpu.memory_space<semaphore_mem>>)
        %mul3A_647 = arith.constant 10 : i32
        %mul3A_648 = arith.muli %add3A_555, %mul3A_647 : i32
        %add3A_649 = arith.constant 7 : i32
        %add3A_650 = arith.addi %mul3A_648, %add3A_649 : i32
        %dma_start3A_651 = arith.constant 896 : i32
        %dma_start3A_652 = arith.constant 0 : i32
        %dma_start3A_653 = tpu.memref_slice %arg6[%dma_start3A_651, %dma_start3A_652] : memref<1280x32xf32, #tpu.memory_space<vmem>> -> memref<128x32xf32, #tpu.memory_space<vmem>>
        %dma_start3A_654 = arith.constant 0 : i32
        %dma_start3A_655 = tpu.memref_slice %arg5[%add3A_650, %dma_start3A_654] : memref<200x128xi32, #tpu.memory_space<vmem>> -> memref<1x128xi32, #tpu.memory_space<vmem>>
        %dma_start3A_656 = tpu.memref_squeeze %dma_start3A_655 : memref<1x128xi32, #tpu.memory_space<vmem>> -> memref<128xi32, #tpu.memory_space<vmem>>
        %dma_start3A_657 = arith.constant 0 : i32
        %dma_start3A_658 = arith.constant 0 : i32
        %dma_start3A_659 = tpu.memref_slice %arg3[%dma_start3A_657, %dma_start3A_658] : memref<1000000x32xf32, #tpu.memory_space<hbm>> -> memref<1000000x32xf32, #tpu.memory_space<hbm>>
        tpu.enqueue_indirect_dma source(%dma_start3A_659 : memref<1000000x32xf32, #tpu.memory_space<hbm>>) target(%dma_start3A_653 : memref<128x32xf32, #tpu.memory_space<vmem>>) offsets(%dma_start3A_656 : memref<128xi32, #tpu.memory_space<vmem>>) semaphore(%arg8 : memref<!tpu.dma_semaphore, #tpu.memory_space<semaphore_mem>>)
        %mul3A_660 = arith.constant 10 : i32
        %mul3A_661 = arith.muli %add3A_555, %mul3A_660 : i32
        %add3A_662 = arith.constant 8 : i32
        %add3A_663 = arith.addi %mul3A_661, %add3A_662 : i32
        %dma_start3A_664 = arith.constant 1024 : i32
        %dma_start3A_665 = arith.constant 0 : i32
        %dma_start3A_666 = tpu.memref_slice %arg6[%dma_start3A_664, %dma_start3A_665] : memref<1280x32xf32, #tpu.memory_space<vmem>> -> memref<128x32xf32, #tpu.memory_space<vmem>>
        %dma_start3A_667 = arith.constant 0 : i32
        %dma_start3A_668 = tpu.memref_slice %arg5[%add3A_663, %dma_start3A_667] : memref<200x128xi32, #tpu.memory_space<vmem>> -> memref<1x128xi32, #tpu.memory_space<vmem>>
        %dma_start3A_669 = tpu.memref_squeeze %dma_start3A_668 : memref<1x128xi32, #tpu.memory_space<vmem>> -> memref<128xi32, #tpu.memory_space<vmem>>
        %dma_start3A_670 = arith.constant 0 : i32
        %dma_start3A_671 = arith.constant 0 : i32
        %dma_start3A_672 = tpu.memref_slice %arg3[%dma_start3A_670, %dma_start3A_671] : memref<1000000x32xf32, #tpu.memory_space<hbm>> -> memref<1000000x32xf32, #tpu.memory_space<hbm>>
        tpu.enqueue_indirect_dma source(%dma_start3A_672 : memref<1000000x32xf32, #tpu.memory_space<hbm>>) target(%dma_start3A_666 : memref<128x32xf32, #tpu.memory_space<vmem>>) offsets(%dma_start3A_669 : memref<128xi32, #tpu.memory_space<vmem>>) semaphore(%arg8 : memref<!tpu.dma_semaphore, #tpu.memory_space<semaphore_mem>>)
        %mul3A_673 = arith.constant 10 : i32
        %mul3A_674 = arith.muli %add3A_555, %mul3A_673 : i32
        %add3A_675 = arith.constant 9 : i32
        %add3A_676 = arith.addi %mul3A_674, %add3A_675 : i32
        %dma_start3A_677 = arith.constant 1152 : i32
        %dma_start3A_678 = arith.constant 0 : i32
        %dma_start3A_679 = tpu.memref_slice %arg6[%dma_start3A_677, %dma_start3A_678] : memref<1280x32xf32, #tpu.memory_space<vmem>> -> memref<128x32xf32, #tpu.memory_space<vmem>>
        %dma_start3A_680 = arith.constant 0 : i32
        %dma_start3A_681 = tpu.memref_slice %arg5[%add3A_676, %dma_start3A_680] : memref<200x128xi32, #tpu.memory_space<vmem>> -> memref<1x128xi32, #tpu.memory_space<vmem>>
        %dma_start3A_682 = tpu.memref_squeeze %dma_start3A_681 : memref<1x128xi32, #tpu.memory_space<vmem>> -> memref<128xi32, #tpu.memory_space<vmem>>
        %dma_start3A_683 = arith.constant 0 : i32
        %dma_start3A_684 = arith.constant 0 : i32
        %dma_start3A_685 = tpu.memref_slice %arg3[%dma_start3A_683, %dma_start3A_684] : memref<1000000x32xf32, #tpu.memory_space<hbm>> -> memref<1000000x32xf32, #tpu.memory_space<hbm>>
        tpu.enqueue_indirect_dma source(%dma_start3A_685 : memref<1000000x32xf32, #tpu.memory_space<hbm>>) target(%dma_start3A_679 : memref<128x32xf32, #tpu.memory_space<vmem>>) offsets(%dma_start3A_682 : memref<128xi32, #tpu.memory_space<vmem>>) semaphore(%arg8 : memref<!tpu.dma_semaphore, #tpu.memory_space<semaphore_mem>>)
      } else {
      }
      %add3A_403 = arith.constant 1 : i32
      %add3A_404 = arith.addi %add3A_123, %add3A_403 : i32
      %mul3A_405 = arith.constant 10 : i32
      %mul3A_406 = arith.muli %add3A_404, %mul3A_405 : i32
      %add3A_407 = arith.constant 0 : i32
      %add3A_408 = arith.addi %mul3A_406, %add3A_407 : i32
      %dma_wait3A_409 = arith.constant 0 : i32
      %dma_wait3A_410 = arith.constant 0 : i32
      %dma_wait3A_411 = tpu.memref_slice %arg7[%dma_wait3A_409, %dma_wait3A_410] : memref<1280x32xf32, #tpu.memory_space<vmem>> -> memref<128x32xf32, #tpu.memory_space<vmem>>
      %dma_wait3A_412 = arith.constant 0 : i32
      %dma_wait3A_413 = tpu.memref_slice %arg5[%add3A_408, %dma_wait3A_412] : memref<200x128xi32, #tpu.memory_space<vmem>> -> memref<1x128xi32, #tpu.memory_space<vmem>>
      %dma_wait3A_414 = tpu.memref_squeeze %dma_wait3A_413 : memref<1x128xi32, #tpu.memory_space<vmem>> -> memref<128xi32, #tpu.memory_space<vmem>>
      %dma_wait3A_415 = arith.constant 0 : i32
      %dma_wait3A_416 = arith.constant 0 : i32
      %dma_wait3A_417 = tpu.memref_slice %arg3[%dma_wait3A_415, %dma_wait3A_416] : memref<1000000x32xf32, #tpu.memory_space<hbm>> -> memref<1000000x32xf32, #tpu.memory_space<hbm>>
      tpu.wait_indirect_dma semaphore(%arg9 : memref<!tpu.dma_semaphore, #tpu.memory_space<semaphore_mem>>) src(%dma_wait3A_417 : memref<1000000x32xf32, #tpu.memory_space<hbm>>) dst(%dma_wait3A_411 : memref<128x32xf32, #tpu.memory_space<vmem>>)
      %mul3A_418 = arith.constant 10 : i32
      %mul3A_419 = arith.muli %add3A_404, %mul3A_418 : i32
      %add3A_420 = arith.constant 1 : i32
      %add3A_421 = arith.addi %mul3A_419, %add3A_420 : i32
      %dma_wait3A_422 = arith.constant 128 : i32
      %dma_wait3A_423 = arith.constant 0 : i32
      %dma_wait3A_424 = tpu.memref_slice %arg7[%dma_wait3A_422, %dma_wait3A_423] : memref<1280x32xf32, #tpu.memory_space<vmem>> -> memref<128x32xf32, #tpu.memory_space<vmem>>
      %dma_wait3A_425 = arith.constant 0 : i32
      %dma_wait3A_426 = tpu.memref_slice %arg5[%add3A_421, %dma_wait3A_425] : memref<200x128xi32, #tpu.memory_space<vmem>> -> memref<1x128xi32, #tpu.memory_space<vmem>>
      %dma_wait3A_427 = tpu.memref_squeeze %dma_wait3A_426 : memref<1x128xi32, #tpu.memory_space<vmem>> -> memref<128xi32, #tpu.memory_space<vmem>>
      %dma_wait3A_428 = arith.constant 0 : i32
      %dma_wait3A_429 = arith.constant 0 : i32
      %dma_wait3A_430 = tpu.memref_slice %arg3[%dma_wait3A_428, %dma_wait3A_429] : memref<1000000x32xf32, #tpu.memory_space<hbm>> -> memref<1000000x32xf32, #tpu.memory_space<hbm>>
      tpu.wait_indirect_dma semaphore(%arg9 : memref<!tpu.dma_semaphore, #tpu.memory_space<semaphore_mem>>) src(%dma_wait3A_430 : memref<1000000x32xf32, #tpu.memory_space<hbm>>) dst(%dma_wait3A_424 : memref<128x32xf32, #tpu.memory_space<vmem>>)
      %mul3A_431 = arith.constant 10 : i32
      %mul3A_432 = arith.muli %add3A_404, %mul3A_431 : i32
      %add3A_433 = arith.constant 2 : i32
      %add3A_434 = arith.addi %mul3A_432, %add3A_433 : i32
      %dma_wait3A_435 = arith.constant 256 : i32
      %dma_wait3A_436 = arith.constant 0 : i32
      %dma_wait3A_437 = tpu.memref_slice %arg7[%dma_wait3A_435, %dma_wait3A_436] : memref<1280x32xf32, #tpu.memory_space<vmem>> -> memref<128x32xf32, #tpu.memory_space<vmem>>
      %dma_wait3A_438 = arith.constant 0 : i32
      %dma_wait3A_439 = tpu.memref_slice %arg5[%add3A_434, %dma_wait3A_438] : memref<200x128xi32, #tpu.memory_space<vmem>> -> memref<1x128xi32, #tpu.memory_space<vmem>>
      %dma_wait3A_440 = tpu.memref_squeeze %dma_wait3A_439 : memref<1x128xi32, #tpu.memory_space<vmem>> -> memref<128xi32, #tpu.memory_space<vmem>>
      %dma_wait3A_441 = arith.constant 0 : i32
      %dma_wait3A_442 = arith.constant 0 : i32
      %dma_wait3A_443 = tpu.memref_slice %arg3[%dma_wait3A_441, %dma_wait3A_442] : memref<1000000x32xf32, #tpu.memory_space<hbm>> -> memref<1000000x32xf32, #tpu.memory_space<hbm>>
      tpu.wait_indirect_dma semaphore(%arg9 : memref<!tpu.dma_semaphore, #tpu.memory_space<semaphore_mem>>) src(%dma_wait3A_443 : memref<1000000x32xf32, #tpu.memory_space<hbm>>) dst(%dma_wait3A_437 : memref<128x32xf32, #tpu.memory_space<vmem>>)
      %mul3A_444 = arith.constant 10 : i32
      %mul3A_445 = arith.muli %add3A_404, %mul3A_444 : i32
      %add3A_446 = arith.constant 3 : i32
      %add3A_447 = arith.addi %mul3A_445, %add3A_446 : i32
      %dma_wait3A_448 = arith.constant 384 : i32
      %dma_wait3A_449 = arith.constant 0 : i32
      %dma_wait3A_450 = tpu.memref_slice %arg7[%dma_wait3A_448, %dma_wait3A_449] : memref<1280x32xf32, #tpu.memory_space<vmem>> -> memref<128x32xf32, #tpu.memory_space<vmem>>
      %dma_wait3A_451 = arith.constant 0 : i32
      %dma_wait3A_452 = tpu.memref_slice %arg5[%add3A_447, %dma_wait3A_451] : memref<200x128xi32, #tpu.memory_space<vmem>> -> memref<1x128xi32, #tpu.memory_space<vmem>>
      %dma_wait3A_453 = tpu.memref_squeeze %dma_wait3A_452 : memref<1x128xi32, #tpu.memory_space<vmem>> -> memref<128xi32, #tpu.memory_space<vmem>>
      %dma_wait3A_454 = arith.constant 0 : i32
      %dma_wait3A_455 = arith.constant 0 : i32
      %dma_wait3A_456 = tpu.memref_slice %arg3[%dma_wait3A_454, %dma_wait3A_455] : memref<1000000x32xf32, #tpu.memory_space<hbm>> -> memref<1000000x32xf32, #tpu.memory_space<hbm>>
      tpu.wait_indirect_dma semaphore(%arg9 : memref<!tpu.dma_semaphore, #tpu.memory_space<semaphore_mem>>) src(%dma_wait3A_456 : memref<1000000x32xf32, #tpu.memory_space<hbm>>) dst(%dma_wait3A_450 : memref<128x32xf32, #tpu.memory_space<vmem>>)
      %mul3A_457 = arith.constant 10 : i32
      %mul3A_458 = arith.muli %add3A_404, %mul3A_457 : i32
      %add3A_459 = arith.constant 4 : i32
      %add3A_460 = arith.addi %mul3A_458, %add3A_459 : i32
      %dma_wait3A_461 = arith.constant 512 : i32
      %dma_wait3A_462 = arith.constant 0 : i32
      %dma_wait3A_463 = tpu.memref_slice %arg7[%dma_wait3A_461, %dma_wait3A_462] : memref<1280x32xf32, #tpu.memory_space<vmem>> -> memref<128x32xf32, #tpu.memory_space<vmem>>
      %dma_wait3A_464 = arith.constant 0 : i32
      %dma_wait3A_465 = tpu.memref_slice %arg5[%add3A_460, %dma_wait3A_464] : memref<200x128xi32, #tpu.memory_space<vmem>> -> memref<1x128xi32, #tpu.memory_space<vmem>>
      %dma_wait3A_466 = tpu.memref_squeeze %dma_wait3A_465 : memref<1x128xi32, #tpu.memory_space<vmem>> -> memref<128xi32, #tpu.memory_space<vmem>>
      %dma_wait3A_467 = arith.constant 0 : i32
      %dma_wait3A_468 = arith.constant 0 : i32
      %dma_wait3A_469 = tpu.memref_slice %arg3[%dma_wait3A_467, %dma_wait3A_468] : memref<1000000x32xf32, #tpu.memory_space<hbm>> -> memref<1000000x32xf32, #tpu.memory_space<hbm>>
      tpu.wait_indirect_dma semaphore(%arg9 : memref<!tpu.dma_semaphore, #tpu.memory_space<semaphore_mem>>) src(%dma_wait3A_469 : memref<1000000x32xf32, #tpu.memory_space<hbm>>) dst(%dma_wait3A_463 : memref<128x32xf32, #tpu.memory_space<vmem>>)
      %mul3A_470 = arith.constant 10 : i32
      %mul3A_471 = arith.muli %add3A_404, %mul3A_470 : i32
      %add3A_472 = arith.constant 5 : i32
      %add3A_473 = arith.addi %mul3A_471, %add3A_472 : i32
      %dma_wait3A_474 = arith.constant 640 : i32
      %dma_wait3A_475 = arith.constant 0 : i32
      %dma_wait3A_476 = tpu.memref_slice %arg7[%dma_wait3A_474, %dma_wait3A_475] : memref<1280x32xf32, #tpu.memory_space<vmem>> -> memref<128x32xf32, #tpu.memory_space<vmem>>
      %dma_wait3A_477 = arith.constant 0 : i32
      %dma_wait3A_478 = tpu.memref_slice %arg5[%add3A_473, %dma_wait3A_477] : memref<200x128xi32, #tpu.memory_space<vmem>> -> memref<1x128xi32, #tpu.memory_space<vmem>>
      %dma_wait3A_479 = tpu.memref_squeeze %dma_wait3A_478 : memref<1x128xi32, #tpu.memory_space<vmem>> -> memref<128xi32, #tpu.memory_space<vmem>>
      %dma_wait3A_480 = arith.constant 0 : i32
      %dma_wait3A_481 = arith.constant 0 : i32
      %dma_wait3A_482 = tpu.memref_slice %arg3[%dma_wait3A_480, %dma_wait3A_481] : memref<1000000x32xf32, #tpu.memory_space<hbm>> -> memref<1000000x32xf32, #tpu.memory_space<hbm>>
      tpu.wait_indirect_dma semaphore(%arg9 : memref<!tpu.dma_semaphore, #tpu.memory_space<semaphore_mem>>) src(%dma_wait3A_482 : memref<1000000x32xf32, #tpu.memory_space<hbm>>) dst(%dma_wait3A_476 : memref<128x32xf32, #tpu.memory_space<vmem>>)
      %mul3A_483 = arith.constant 10 : i32
      %mul3A_484 = arith.muli %add3A_404, %mul3A_483 : i32
      %add3A_485 = arith.constant 6 : i32
      %add3A_486 = arith.addi %mul3A_484, %add3A_485 : i32
      %dma_wait3A_487 = arith.constant 768 : i32
      %dma_wait3A_488 = arith.constant 0 : i32
      %dma_wait3A_489 = tpu.memref_slice %arg7[%dma_wait3A_487, %dma_wait3A_488] : memref<1280x32xf32, #tpu.memory_space<vmem>> -> memref<128x32xf32, #tpu.memory_space<vmem>>
      %dma_wait3A_490 = arith.constant 0 : i32
      %dma_wait3A_491 = tpu.memref_slice %arg5[%add3A_486, %dma_wait3A_490] : memref<200x128xi32, #tpu.memory_space<vmem>> -> memref<1x128xi32, #tpu.memory_space<vmem>>
      %dma_wait3A_492 = tpu.memref_squeeze %dma_wait3A_491 : memref<1x128xi32, #tpu.memory_space<vmem>> -> memref<128xi32, #tpu.memory_space<vmem>>
      %dma_wait3A_493 = arith.constant 0 : i32
      %dma_wait3A_494 = arith.constant 0 : i32
      %dma_wait3A_495 = tpu.memref_slice %arg3[%dma_wait3A_493, %dma_wait3A_494] : memref<1000000x32xf32, #tpu.memory_space<hbm>> -> memref<1000000x32xf32, #tpu.memory_space<hbm>>
      tpu.wait_indirect_dma semaphore(%arg9 : memref<!tpu.dma_semaphore, #tpu.memory_space<semaphore_mem>>) src(%dma_wait3A_495 : memref<1000000x32xf32, #tpu.memory_space<hbm>>) dst(%dma_wait3A_489 : memref<128x32xf32, #tpu.memory_space<vmem>>)
      %mul3A_496 = arith.constant 10 : i32
      %mul3A_497 = arith.muli %add3A_404, %mul3A_496 : i32
      %add3A_498 = arith.constant 7 : i32
      %add3A_499 = arith.addi %mul3A_497, %add3A_498 : i32
      %dma_wait3A_500 = arith.constant 896 : i32
      %dma_wait3A_501 = arith.constant 0 : i32
      %dma_wait3A_502 = tpu.memref_slice %arg7[%dma_wait3A_500, %dma_wait3A_501] : memref<1280x32xf32, #tpu.memory_space<vmem>> -> memref<128x32xf32, #tpu.memory_space<vmem>>
      %dma_wait3A_503 = arith.constant 0 : i32
      %dma_wait3A_504 = tpu.memref_slice %arg5[%add3A_499, %dma_wait3A_503] : memref<200x128xi32, #tpu.memory_space<vmem>> -> memref<1x128xi32, #tpu.memory_space<vmem>>
      %dma_wait3A_505 = tpu.memref_squeeze %dma_wait3A_504 : memref<1x128xi32, #tpu.memory_space<vmem>> -> memref<128xi32, #tpu.memory_space<vmem>>
      %dma_wait3A_506 = arith.constant 0 : i32
      %dma_wait3A_507 = arith.constant 0 : i32
      %dma_wait3A_508 = tpu.memref_slice %arg3[%dma_wait3A_506, %dma_wait3A_507] : memref<1000000x32xf32, #tpu.memory_space<hbm>> -> memref<1000000x32xf32, #tpu.memory_space<hbm>>
      tpu.wait_indirect_dma semaphore(%arg9 : memref<!tpu.dma_semaphore, #tpu.memory_space<semaphore_mem>>) src(%dma_wait3A_508 : memref<1000000x32xf32, #tpu.memory_space<hbm>>) dst(%dma_wait3A_502 : memref<128x32xf32, #tpu.memory_space<vmem>>)
      %mul3A_509 = arith.constant 10 : i32
      %mul3A_510 = arith.muli %add3A_404, %mul3A_509 : i32
      %add3A_511 = arith.constant 8 : i32
      %add3A_512 = arith.addi %mul3A_510, %add3A_511 : i32
      %dma_wait3A_513 = arith.constant 1024 : i32
      %dma_wait3A_514 = arith.constant 0 : i32
      %dma_wait3A_515 = tpu.memref_slice %arg7[%dma_wait3A_513, %dma_wait3A_514] : memref<1280x32xf32, #tpu.memory_space<vmem>> -> memref<128x32xf32, #tpu.memory_space<vmem>>
      %dma_wait3A_516 = arith.constant 0 : i32
      %dma_wait3A_517 = tpu.memref_slice %arg5[%add3A_512, %dma_wait3A_516] : memref<200x128xi32, #tpu.memory_space<vmem>> -> memref<1x128xi32, #tpu.memory_space<vmem>>
      %dma_wait3A_518 = tpu.memref_squeeze %dma_wait3A_517 : memref<1x128xi32, #tpu.memory_space<vmem>> -> memref<128xi32, #tpu.memory_space<vmem>>
      %dma_wait3A_519 = arith.constant 0 : i32
      %dma_wait3A_520 = arith.constant 0 : i32
      %dma_wait3A_521 = tpu.memref_slice %arg3[%dma_wait3A_519, %dma_wait3A_520] : memref<1000000x32xf32, #tpu.memory_space<hbm>> -> memref<1000000x32xf32, #tpu.memory_space<hbm>>
      tpu.wait_indirect_dma semaphore(%arg9 : memref<!tpu.dma_semaphore, #tpu.memory_space<semaphore_mem>>) src(%dma_wait3A_521 : memref<1000000x32xf32, #tpu.memory_space<hbm>>) dst(%dma_wait3A_515 : memref<128x32xf32, #tpu.memory_space<vmem>>)
      %mul3A_522 = arith.constant 10 : i32
      %mul3A_523 = arith.muli %add3A_404, %mul3A_522 : i32
      %add3A_524 = arith.constant 9 : i32
      %add3A_525 = arith.addi %mul3A_523, %add3A_524 : i32
      %dma_wait3A_526 = arith.constant 1152 : i32
      %dma_wait3A_527 = arith.constant 0 : i32
      %dma_wait3A_528 = tpu.memref_slice %arg7[%dma_wait3A_526, %dma_wait3A_527] : memref<1280x32xf32, #tpu.memory_space<vmem>> -> memref<128x32xf32, #tpu.memory_space<vmem>>
      %dma_wait3A_529 = arith.constant 0 : i32
      %dma_wait3A_530 = tpu.memref_slice %arg5[%add3A_525, %dma_wait3A_529] : memref<200x128xi32, #tpu.memory_space<vmem>> -> memref<1x128xi32, #tpu.memory_space<vmem>>
      %dma_wait3A_531 = tpu.memref_squeeze %dma_wait3A_530 : memref<1x128xi32, #tpu.memory_space<vmem>> -> memref<128xi32, #tpu.memory_space<vmem>>
      %dma_wait3A_532 = arith.constant 0 : i32
      %dma_wait3A_533 = arith.constant 0 : i32
      %dma_wait3A_534 = tpu.memref_slice %arg3[%dma_wait3A_532, %dma_wait3A_533] : memref<1000000x32xf32, #tpu.memory_space<hbm>> -> memref<1000000x32xf32, #tpu.memory_space<hbm>>
      tpu.wait_indirect_dma semaphore(%arg9 : memref<!tpu.dma_semaphore, #tpu.memory_space<semaphore_mem>>) src(%dma_wait3A_534 : memref<1000000x32xf32, #tpu.memory_space<hbm>>) dst(%dma_wait3A_528 : memref<128x32xf32, #tpu.memory_space<vmem>>)
      %parallel_loop3A_535 = arith.constant 0 : i32
      %parallel_loop3A_536 = arith.constant 1280 : i32
      %parallel_loop3A_537 = arith.constant 4 : i32
      scf.for %parallel_loop3A_547 = %parallel_loop3A_535 to %parallel_loop3A_536 step %parallel_loop3A_537  : i32 {
        %parallel_loop3A_548 = tpu.iota {dimensions = array<i32: 0>} : vector<16xi32>
        %parallel_loop3A_549 = arith.index_cast %parallel_loop3A_547 : i32 to index
        %parallel_loop3A_550 = arith.constant 0 : index
        %parallel_loop3A_551 = tpu.vector_load %arg7[%parallel_loop3A_549, %parallel_loop3A_550] {strides = array<i32>} : memref<1280x32xf32, #tpu.memory_space<vmem>>, vector<16xf32>,
        %parallel_loop3A_552 = arith.index_cast %parallel_loop3A_547 : i32 to index
        %parallel_loop3A_553 = arith.constant 16 : index
        %parallel_loop3A_554 = tpu.vector_load %arg7[%parallel_loop3A_552, %parallel_loop3A_553] {strides = array<i32>} : memref<1280x32xf32, #tpu.memory_space<vmem>>, vector<16xf32>,
        %parallel_loop3A_555 = arith.constant 1 : i32
        %parallel_loop3A_556 = arith.addi %parallel_loop3A_547, %parallel_loop3A_555 : i32
        %parallel_loop3A_557 = arith.index_cast %parallel_loop3A_556 : i32 to index
        %parallel_loop3A_558 = arith.constant 0 : index
        %parallel_loop3A_559 = tpu.vector_load %arg7[%parallel_loop3A_557, %parallel_loop3A_558] {strides = array<i32>} : memref<1280x32xf32, #tpu.memory_space<vmem>>, vector<16xf32>,
        %parallel_loop3A_560 = arith.constant 1 : i32
        %parallel_loop3A_561 = arith.addi %parallel_loop3A_547, %parallel_loop3A_560 : i32
        %parallel_loop3A_562 = arith.index_cast %parallel_loop3A_561 : i32 to index
        %parallel_loop3A_563 = arith.constant 16 : index
        %parallel_loop3A_564 = tpu.vector_load %arg7[%parallel_loop3A_562, %parallel_loop3A_563] {strides = array<i32>} : memref<1280x32xf32, #tpu.memory_space<vmem>>, vector<16xf32>,
        %parallel_loop3A_565 = arith.mulf %parallel_loop3A_551, %parallel_loop3A_551 : vector<16xf32>
        %parallel_loop3A_566 = arith.mulf %parallel_loop3A_554, %parallel_loop3A_554 : vector<16xf32>
        %parallel_loop3A_567 = arith.addf %parallel_loop3A_565, %parallel_loop3A_566 : vector<16xf32>
        %parallel_loop3A_568 = arith.mulf %parallel_loop3A_559, %parallel_loop3A_559 : vector<16xf32>
        %parallel_loop3A_569 = arith.mulf %parallel_loop3A_564, %parallel_loop3A_564 : vector<16xf32>
        %parallel_loop3A_570 = arith.addf %parallel_loop3A_568, %parallel_loop3A_569 : vector<16xf32>
        %parallel_loop3A_571 = arith.constant 8 : i32
        %parallel_loop3A_572 = vector.broadcast %parallel_loop3A_571 : i32 to vector<16xi32>
        %parallel_loop3A_573 = arith.xori %parallel_loop3A_548, %parallel_loop3A_572 : vector<16xi32>
        %parallel_loop3A_574 = vector.shape_cast %parallel_loop3A_573 : vector<16xi32> to vector<16x1xi32>
        %parallel_loop3A_575 = vector.shape_cast %parallel_loop3A_574 : vector<16x1xi32> to vector<16xi32>
        %parallel_loop3A_576 = tpu.dynamic_gather %parallel_loop3A_567[%parallel_loop3A_575] in [0] : vector<16xf32>, vector<16xi32> -> vector<16xf32>
        %parallel_loop3A_577 = arith.addf %parallel_loop3A_567, %parallel_loop3A_576 : vector<16xf32>
        %parallel_loop3A_578 = arith.constant 8 : i32
        %parallel_loop3A_579 = vector.broadcast %parallel_loop3A_578 : i32 to vector<16xi32>
        %parallel_loop3A_580 = arith.xori %parallel_loop3A_548, %parallel_loop3A_579 : vector<16xi32>
        %parallel_loop3A_581 = vector.shape_cast %parallel_loop3A_580 : vector<16xi32> to vector<16x1xi32>
        %parallel_loop3A_582 = vector.shape_cast %parallel_loop3A_581 : vector<16x1xi32> to vector<16xi32>
        %parallel_loop3A_583 = tpu.dynamic_gather %parallel_loop3A_570[%parallel_loop3A_582] in [0] : vector<16xf32>, vector<16xi32> -> vector<16xf32>
        %parallel_loop3A_584 = arith.addf %parallel_loop3A_570, %parallel_loop3A_583 : vector<16xf32>
        %parallel_loop3A_585 = arith.constant 8 : i32
        %parallel_loop3A_586 = vector.broadcast %parallel_loop3A_585 : i32 to vector<16xi32>
        %parallel_loop3A_587 = arith.cmpi slt, %parallel_loop3A_548, %parallel_loop3A_586 : vector<16xi32>
        %parallel_loop3A_588 = arith.select %parallel_loop3A_587, %parallel_loop3A_577, %parallel_loop3A_584 : vector<16xi1>, vector<16xf32>
        %parallel_loop3A_589 = arith.constant 4 : i32
        %parallel_loop3A_590 = vector.broadcast %parallel_loop3A_589 : i32 to vector<16xi32>
        %parallel_loop3A_591 = arith.xori %parallel_loop3A_548, %parallel_loop3A_590 : vector<16xi32>
        %parallel_loop3A_592 = vector.shape_cast %parallel_loop3A_591 : vector<16xi32> to vector<16x1xi32>
        %parallel_loop3A_593 = vector.shape_cast %parallel_loop3A_592 : vector<16x1xi32> to vector<16xi32>
        %parallel_loop3A_594 = tpu.dynamic_gather %parallel_loop3A_588[%parallel_loop3A_593] in [0] : vector<16xf32>, vector<16xi32> -> vector<16xf32>
        %parallel_loop3A_595 = arith.addf %parallel_loop3A_588, %parallel_loop3A_594 : vector<16xf32>
        %parallel_loop3A_596 = arith.constant 2 : i32
        %parallel_loop3A_597 = vector.broadcast %parallel_loop3A_596 : i32 to vector<16xi32>
        %parallel_loop3A_598 = arith.xori %parallel_loop3A_548, %parallel_loop3A_597 : vector<16xi32>
        %parallel_loop3A_599 = vector.shape_cast %parallel_loop3A_598 : vector<16xi32> to vector<16x1xi32>
        %parallel_loop3A_600 = vector.shape_cast %parallel_loop3A_599 : vector<16x1xi32> to vector<16xi32>
        %parallel_loop3A_601 = tpu.dynamic_gather %parallel_loop3A_595[%parallel_loop3A_600] in [0] : vector<16xf32>, vector<16xi32> -> vector<16xf32>
        %parallel_loop3A_602 = arith.addf %parallel_loop3A_595, %parallel_loop3A_601 : vector<16xf32>
        %parallel_loop3A_603 = arith.constant 1 : i32
        %parallel_loop3A_604 = vector.broadcast %parallel_loop3A_603 : i32 to vector<16xi32>
        %parallel_loop3A_605 = arith.xori %parallel_loop3A_548, %parallel_loop3A_604 : vector<16xi32>
        %parallel_loop3A_606 = vector.shape_cast %parallel_loop3A_605 : vector<16xi32> to vector<16x1xi32>
        %parallel_loop3A_607 = vector.shape_cast %parallel_loop3A_606 : vector<16x1xi32> to vector<16xi32>
        %parallel_loop3A_608 = tpu.dynamic_gather %parallel_loop3A_602[%parallel_loop3A_607] in [0] : vector<16xf32>, vector<16xi32> -> vector<16xf32>
        %parallel_loop3A_609 = arith.addf %parallel_loop3A_602, %parallel_loop3A_608 : vector<16xf32>
        %parallel_loop3A_610 = vector.bitcast %parallel_loop3A_609 : vector<16xf32> to vector<16xi32>
        %parallel_loop3A_611 = arith.constant 1 : i32
        %parallel_loop3A_612 = vector.broadcast %parallel_loop3A_611 : i32 to vector<16xi32>
        %parallel_loop3A_613 = arith.shrsi %parallel_loop3A_610, %parallel_loop3A_612 : vector<16xi32>
        %parallel_loop3A_614 = arith.constant 1597463007 : i32
        %parallel_loop3A_615 = vector.broadcast %parallel_loop3A_614 : i32 to vector<16xi32>
        %parallel_loop3A_616 = arith.subi %parallel_loop3A_615, %parallel_loop3A_613 : vector<16xi32>
        %parallel_loop3A_617 = vector.bitcast %parallel_loop3A_616 : vector<16xi32> to vector<16xf32>
        %parallel_loop3A_618 = arith.constant 5.000000e-01 : f32
        %parallel_loop3A_619 = vector.broadcast %parallel_loop3A_618 : f32 to vector<16xf32>
        %parallel_loop3A_620 = arith.mulf %parallel_loop3A_619, %parallel_loop3A_609 : vector<16xf32>
        %parallel_loop3A_621 = arith.mulf %parallel_loop3A_620, %parallel_loop3A_617 : vector<16xf32>
        %parallel_loop3A_622 = arith.mulf %parallel_loop3A_621, %parallel_loop3A_617 : vector<16xf32>
        %parallel_loop3A_623 = arith.constant 1.500000e+00 : f32
        %parallel_loop3A_624 = vector.broadcast %parallel_loop3A_623 : f32 to vector<16xf32>
        %parallel_loop3A_625 = arith.subf %parallel_loop3A_624, %parallel_loop3A_622 : vector<16xf32>
        %parallel_loop3A_626 = arith.mulf %parallel_loop3A_617, %parallel_loop3A_625 : vector<16xf32>
        %parallel_loop3A_627 = arith.constant 5.000000e-01 : f32
        %parallel_loop3A_628 = vector.broadcast %parallel_loop3A_627 : f32 to vector<16xf32>
        %parallel_loop3A_629 = arith.mulf %parallel_loop3A_628, %parallel_loop3A_609 : vector<16xf32>
        %parallel_loop3A_630 = arith.mulf %parallel_loop3A_629, %parallel_loop3A_626 : vector<16xf32>
        %parallel_loop3A_631 = arith.mulf %parallel_loop3A_630, %parallel_loop3A_626 : vector<16xf32>
        %parallel_loop3A_632 = arith.constant 1.500000e+00 : f32
        %parallel_loop3A_633 = vector.broadcast %parallel_loop3A_632 : f32 to vector<16xf32>
        %parallel_loop3A_634 = arith.subf %parallel_loop3A_633, %parallel_loop3A_631 : vector<16xf32>
        %parallel_loop3A_635 = arith.mulf %parallel_loop3A_626, %parallel_loop3A_634 : vector<16xf32>
        %parallel_loop3A_636 = arith.constant 9.000000e+00 : f32
        %parallel_loop3A_637 = vector.broadcast %parallel_loop3A_636 : f32 to vector<16xf32>
        %parallel_loop3A_638 = arith.cmpf ogt, %parallel_loop3A_609, %parallel_loop3A_637 : vector<16xf32>
        %parallel_loop3A_639 = arith.constant 3.000000e+00 : f32
        %parallel_loop3A_640 = vector.broadcast %parallel_loop3A_639 : f32 to vector<16xf32>
        %parallel_loop3A_641 = arith.mulf %parallel_loop3A_640, %parallel_loop3A_635 : vector<16xf32>
        %parallel_loop3A_642 = arith.constant 1.000000e+00 : f32
        %parallel_loop3A_643 = vector.broadcast %parallel_loop3A_642 : f32 to vector<16xf32>
        %parallel_loop3A_644 = arith.select %parallel_loop3A_638, %parallel_loop3A_641, %parallel_loop3A_643 : vector<16xi1>, vector<16xf32>
        %parallel_loop3A_645 = arith.constant 0 : i32
        %parallel_loop3A_646 = vector.broadcast %parallel_loop3A_645 : i32 to vector<16xi32>
        %parallel_loop3A_647 = vector.shape_cast %parallel_loop3A_646 : vector<16xi32> to vector<16x1xi32>
        %parallel_loop3A_648 = vector.shape_cast %parallel_loop3A_647 : vector<16x1xi32> to vector<16xi32>
        %parallel_loop3A_649 = tpu.dynamic_gather %parallel_loop3A_644[%parallel_loop3A_648] in [0] : vector<16xf32>, vector<16xi32> -> vector<16xf32>
        %parallel_loop3A_650 = arith.constant 8 : i32
        %parallel_loop3A_651 = vector.broadcast %parallel_loop3A_650 : i32 to vector<16xi32>
        %parallel_loop3A_652 = vector.shape_cast %parallel_loop3A_651 : vector<16xi32> to vector<16x1xi32>
        %parallel_loop3A_653 = vector.shape_cast %parallel_loop3A_652 : vector<16x1xi32> to vector<16xi32>
        %parallel_loop3A_654 = tpu.dynamic_gather %parallel_loop3A_644[%parallel_loop3A_653] in [0] : vector<16xf32>, vector<16xi32> -> vector<16xf32>
        %parallel_loop3A_655 = arith.mulf %parallel_loop3A_551, %parallel_loop3A_649 : vector<16xf32>
        %parallel_loop3A_656 = arith.index_cast %parallel_loop3A_547 : i32 to index
        %parallel_loop3A_657 = arith.constant 0 : index
        %parallel_loop3A_658 = tpu.vector_load %arg7[%parallel_loop3A_656, %parallel_loop3A_657] {strides = array<i32>} : memref<1280x32xf32, #tpu.memory_space<vmem>>, vector<16xf32>,
        tpu.vector_store %arg7[%parallel_loop3A_656, %parallel_loop3A_657], %parallel_loop3A_655 {strides = array<i32>} : memref<1280x32xf32, #tpu.memory_space<vmem>>, vector<16xf32>,
        %parallel_loop3A_659 = arith.mulf %parallel_loop3A_554, %parallel_loop3A_649 : vector<16xf32>
        %parallel_loop3A_660 = arith.index_cast %parallel_loop3A_547 : i32 to index
        %parallel_loop3A_661 = arith.constant 16 : index
        %parallel_loop3A_662 = tpu.vector_load %arg7[%parallel_loop3A_660, %parallel_loop3A_661] {strides = array<i32>} : memref<1280x32xf32, #tpu.memory_space<vmem>>, vector<16xf32>,
        tpu.vector_store %arg7[%parallel_loop3A_660, %parallel_loop3A_661], %parallel_loop3A_659 {strides = array<i32>} : memref<1280x32xf32, #tpu.memory_space<vmem>>, vector<16xf32>,
        %parallel_loop3A_663 = arith.mulf %parallel_loop3A_559, %parallel_loop3A_654 : vector<16xf32>
        %parallel_loop3A_664 = arith.constant 1 : i32
        %parallel_loop3A_665 = arith.addi %parallel_loop3A_547, %parallel_loop3A_664 : i32
        %parallel_loop3A_666 = arith.index_cast %parallel_loop3A_665 : i32 to index
        %parallel_loop3A_667 = arith.constant 0 : index
        %parallel_loop3A_668 = tpu.vector_load %arg7[%parallel_loop3A_666, %parallel_loop3A_667] {strides = array<i32>} : memref<1280x32xf32, #tpu.memory_space<vmem>>, vector<16xf32>,
        tpu.vector_store %arg7[%parallel_loop3A_666, %parallel_loop3A_667], %parallel_loop3A_663 {strides = array<i32>} : memref<1280x32xf32, #tpu.memory_space<vmem>>, vector<16xf32>,
        %parallel_loop3A_669 = arith.mulf %parallel_loop3A_564, %parallel_loop3A_654 : vector<16xf32>
        %parallel_loop3A_670 = arith.constant 1 : i32
        %parallel_loop3A_671 = arith.addi %parallel_loop3A_547, %parallel_loop3A_670 : i32
        %parallel_loop3A_672 = arith.index_cast %parallel_loop3A_671 : i32 to index
        %parallel_loop3A_673 = arith.constant 16 : index
        %parallel_loop3A_674 = tpu.vector_load %arg7[%parallel_loop3A_672, %parallel_loop3A_673] {strides = array<i32>} : memref<1280x32xf32, #tpu.memory_space<vmem>>, vector<16xf32>,
        tpu.vector_store %arg7[%parallel_loop3A_672, %parallel_loop3A_673], %parallel_loop3A_669 {strides = array<i32>} : memref<1280x32xf32, #tpu.memory_space<vmem>>, vector<16xf32>,
        %parallel_loop3A_675 = arith.constant 2 : i32
        %parallel_loop3A_676 = arith.addi %parallel_loop3A_547, %parallel_loop3A_675 : i32
        %parallel_loop3A_677 = tpu.iota {dimensions = array<i32: 0>} : vector<16xi32>
        %parallel_loop3A_678 = arith.index_cast %parallel_loop3A_676 : i32 to index
        %parallel_loop3A_679 = arith.constant 0 : index
        %parallel_loop3A_680 = tpu.vector_load %arg7[%parallel_loop3A_678, %parallel_loop3A_679] {strides = array<i32>} : memref<1280x32xf32, #tpu.memory_space<vmem>>, vector<16xf32>,
        %parallel_loop3A_681 = arith.index_cast %parallel_loop3A_676 : i32 to index
        %parallel_loop3A_682 = arith.constant 16 : index
        %parallel_loop3A_683 = tpu.vector_load %arg7[%parallel_loop3A_681, %parallel_loop3A_682] {strides = array<i32>} : memref<1280x32xf32, #tpu.memory_space<vmem>>, vector<16xf32>,
        %parallel_loop3A_684 = arith.constant 1 : i32
        %parallel_loop3A_685 = arith.addi %parallel_loop3A_676, %parallel_loop3A_684 : i32
        %parallel_loop3A_686 = arith.index_cast %parallel_loop3A_685 : i32 to index
        %parallel_loop3A_687 = arith.constant 0 : index
        %parallel_loop3A_688 = tpu.vector_load %arg7[%parallel_loop3A_686, %parallel_loop3A_687] {strides = array<i32>} : memref<1280x32xf32, #tpu.memory_space<vmem>>, vector<16xf32>,
        %parallel_loop3A_689 = arith.constant 1 : i32
        %parallel_loop3A_690 = arith.addi %parallel_loop3A_676, %parallel_loop3A_689 : i32
        %parallel_loop3A_691 = arith.index_cast %parallel_loop3A_690 : i32 to index
        %parallel_loop3A_692 = arith.constant 16 : index
        %parallel_loop3A_693 = tpu.vector_load %arg7[%parallel_loop3A_691, %parallel_loop3A_692] {strides = array<i32>} : memref<1280x32xf32, #tpu.memory_space<vmem>>, vector<16xf32>,
        %parallel_loop3A_694 = arith.mulf %parallel_loop3A_680, %parallel_loop3A_680 : vector<16xf32>
        %parallel_loop3A_695 = arith.mulf %parallel_loop3A_683, %parallel_loop3A_683 : vector<16xf32>
        %parallel_loop3A_696 = arith.addf %parallel_loop3A_694, %parallel_loop3A_695 : vector<16xf32>
        %parallel_loop3A_697 = arith.mulf %parallel_loop3A_688, %parallel_loop3A_688 : vector<16xf32>
        %parallel_loop3A_698 = arith.mulf %parallel_loop3A_693, %parallel_loop3A_693 : vector<16xf32>
        %parallel_loop3A_699 = arith.addf %parallel_loop3A_697, %parallel_loop3A_698 : vector<16xf32>
        %parallel_loop3A_700 = arith.constant 8 : i32
        %parallel_loop3A_701 = vector.broadcast %parallel_loop3A_700 : i32 to vector<16xi32>
        %parallel_loop3A_702 = arith.xori %parallel_loop3A_677, %parallel_loop3A_701 : vector<16xi32>
        %parallel_loop3A_703 = vector.shape_cast %parallel_loop3A_702 : vector<16xi32> to vector<16x1xi32>
        %parallel_loop3A_704 = vector.shape_cast %parallel_loop3A_703 : vector<16x1xi32> to vector<16xi32>
        %parallel_loop3A_705 = tpu.dynamic_gather %parallel_loop3A_696[%parallel_loop3A_704] in [0] : vector<16xf32>, vector<16xi32> -> vector<16xf32>
        %parallel_loop3A_706 = arith.addf %parallel_loop3A_696, %parallel_loop3A_705 : vector<16xf32>
        %parallel_loop3A_707 = arith.constant 8 : i32
        %parallel_loop3A_708 = vector.broadcast %parallel_loop3A_707 : i32 to vector<16xi32>
        %parallel_loop3A_709 = arith.xori %parallel_loop3A_677, %parallel_loop3A_708 : vector<16xi32>
        %parallel_loop3A_710 = vector.shape_cast %parallel_loop3A_709 : vector<16xi32> to vector<16x1xi32>
        %parallel_loop3A_711 = vector.shape_cast %parallel_loop3A_710 : vector<16x1xi32> to vector<16xi32>
        %parallel_loop3A_712 = tpu.dynamic_gather %parallel_loop3A_699[%parallel_loop3A_711] in [0] : vector<16xf32>, vector<16xi32> -> vector<16xf32>
        %parallel_loop3A_713 = arith.addf %parallel_loop3A_699, %parallel_loop3A_712 : vector<16xf32>
        %parallel_loop3A_714 = arith.constant 8 : i32
        %parallel_loop3A_715 = vector.broadcast %parallel_loop3A_714 : i32 to vector<16xi32>
        %parallel_loop3A_716 = arith.cmpi slt, %parallel_loop3A_677, %parallel_loop3A_715 : vector<16xi32>
        %parallel_loop3A_717 = arith.select %parallel_loop3A_716, %parallel_loop3A_706, %parallel_loop3A_713 : vector<16xi1>, vector<16xf32>
        %parallel_loop3A_718 = arith.constant 4 : i32
        %parallel_loop3A_719 = vector.broadcast %parallel_loop3A_718 : i32 to vector<16xi32>
        %parallel_loop3A_720 = arith.xori %parallel_loop3A_677, %parallel_loop3A_719 : vector<16xi32>
        %parallel_loop3A_721 = vector.shape_cast %parallel_loop3A_720 : vector<16xi32> to vector<16x1xi32>
        %parallel_loop3A_722 = vector.shape_cast %parallel_loop3A_721 : vector<16x1xi32> to vector<16xi32>
        %parallel_loop3A_723 = tpu.dynamic_gather %parallel_loop3A_717[%parallel_loop3A_722] in [0] : vector<16xf32>, vector<16xi32> -> vector<16xf32>
        %parallel_loop3A_724 = arith.addf %parallel_loop3A_717, %parallel_loop3A_723 : vector<16xf32>
        %parallel_loop3A_725 = arith.constant 2 : i32
        %parallel_loop3A_726 = vector.broadcast %parallel_loop3A_725 : i32 to vector<16xi32>
        %parallel_loop3A_727 = arith.xori %parallel_loop3A_677, %parallel_loop3A_726 : vector<16xi32>
        %parallel_loop3A_728 = vector.shape_cast %parallel_loop3A_727 : vector<16xi32> to vector<16x1xi32>
        %parallel_loop3A_729 = vector.shape_cast %parallel_loop3A_728 : vector<16x1xi32> to vector<16xi32>
        %parallel_loop3A_730 = tpu.dynamic_gather %parallel_loop3A_724[%parallel_loop3A_729] in [0] : vector<16xf32>, vector<16xi32> -> vector<16xf32>
        %parallel_loop3A_731 = arith.addf %parallel_loop3A_724, %parallel_loop3A_730 : vector<16xf32>
        %parallel_loop3A_732 = arith.constant 1 : i32
        %parallel_loop3A_733 = vector.broadcast %parallel_loop3A_732 : i32 to vector<16xi32>
        %parallel_loop3A_734 = arith.xori %parallel_loop3A_677, %parallel_loop3A_733 : vector<16xi32>
        %parallel_loop3A_735 = vector.shape_cast %parallel_loop3A_734 : vector<16xi32> to vector<16x1xi32>
        %parallel_loop3A_736 = vector.shape_cast %parallel_loop3A_735 : vector<16x1xi32> to vector<16xi32>
        %parallel_loop3A_737 = tpu.dynamic_gather %parallel_loop3A_731[%parallel_loop3A_736] in [0] : vector<16xf32>, vector<16xi32> -> vector<16xf32>
        %parallel_loop3A_738 = arith.addf %parallel_loop3A_731, %parallel_loop3A_737 : vector<16xf32>
        %parallel_loop3A_739 = vector.bitcast %parallel_loop3A_738 : vector<16xf32> to vector<16xi32>
        %parallel_loop3A_740 = arith.constant 1 : i32
        %parallel_loop3A_741 = vector.broadcast %parallel_loop3A_740 : i32 to vector<16xi32>
        %parallel_loop3A_742 = arith.shrsi %parallel_loop3A_739, %parallel_loop3A_741 : vector<16xi32>
        %parallel_loop3A_743 = arith.constant 1597463007 : i32
        %parallel_loop3A_744 = vector.broadcast %parallel_loop3A_743 : i32 to vector<16xi32>
        %parallel_loop3A_745 = arith.subi %parallel_loop3A_744, %parallel_loop3A_742 : vector<16xi32>
        %parallel_loop3A_746 = vector.bitcast %parallel_loop3A_745 : vector<16xi32> to vector<16xf32>
        %parallel_loop3A_747 = arith.constant 5.000000e-01 : f32
        %parallel_loop3A_748 = vector.broadcast %parallel_loop3A_747 : f32 to vector<16xf32>
        %parallel_loop3A_749 = arith.mulf %parallel_loop3A_748, %parallel_loop3A_738 : vector<16xf32>
        %parallel_loop3A_750 = arith.mulf %parallel_loop3A_749, %parallel_loop3A_746 : vector<16xf32>
        %parallel_loop3A_751 = arith.mulf %parallel_loop3A_750, %parallel_loop3A_746 : vector<16xf32>
        %parallel_loop3A_752 = arith.constant 1.500000e+00 : f32
        %parallel_loop3A_753 = vector.broadcast %parallel_loop3A_752 : f32 to vector<16xf32>
        %parallel_loop3A_754 = arith.subf %parallel_loop3A_753, %parallel_loop3A_751 : vector<16xf32>
        %parallel_loop3A_755 = arith.mulf %parallel_loop3A_746, %parallel_loop3A_754 : vector<16xf32>
        %parallel_loop3A_756 = arith.constant 5.000000e-01 : f32
        %parallel_loop3A_757 = vector.broadcast %parallel_loop3A_756 : f32 to vector<16xf32>
        %parallel_loop3A_758 = arith.mulf %parallel_loop3A_757, %parallel_loop3A_738 : vector<16xf32>
        %parallel_loop3A_759 = arith.mulf %parallel_loop3A_758, %parallel_loop3A_755 : vector<16xf32>
        %parallel_loop3A_760 = arith.mulf %parallel_loop3A_759, %parallel_loop3A_755 : vector<16xf32>
        %parallel_loop3A_761 = arith.constant 1.500000e+00 : f32
        %parallel_loop3A_762 = vector.broadcast %parallel_loop3A_761 : f32 to vector<16xf32>
        %parallel_loop3A_763 = arith.subf %parallel_loop3A_762, %parallel_loop3A_760 : vector<16xf32>
        %parallel_loop3A_764 = arith.mulf %parallel_loop3A_755, %parallel_loop3A_763 : vector<16xf32>
        %parallel_loop3A_765 = arith.constant 9.000000e+00 : f32
        %parallel_loop3A_766 = vector.broadcast %parallel_loop3A_765 : f32 to vector<16xf32>
        %parallel_loop3A_767 = arith.cmpf ogt, %parallel_loop3A_738, %parallel_loop3A_766 : vector<16xf32>
        %parallel_loop3A_768 = arith.constant 3.000000e+00 : f32
        %parallel_loop3A_769 = vector.broadcast %parallel_loop3A_768 : f32 to vector<16xf32>
        %parallel_loop3A_770 = arith.mulf %parallel_loop3A_769, %parallel_loop3A_764 : vector<16xf32>
        %parallel_loop3A_771 = arith.constant 1.000000e+00 : f32
        %parallel_loop3A_772 = vector.broadcast %parallel_loop3A_771 : f32 to vector<16xf32>
        %parallel_loop3A_773 = arith.select %parallel_loop3A_767, %parallel_loop3A_770, %parallel_loop3A_772 : vector<16xi1>, vector<16xf32>
        %parallel_loop3A_774 = arith.constant 0 : i32
        %parallel_loop3A_775 = vector.broadcast %parallel_loop3A_774 : i32 to vector<16xi32>
        %parallel_loop3A_776 = vector.shape_cast %parallel_loop3A_775 : vector<16xi32> to vector<16x1xi32>
        %parallel_loop3A_777 = vector.shape_cast %parallel_loop3A_776 : vector<16x1xi32> to vector<16xi32>
        %parallel_loop3A_778 = tpu.dynamic_gather %parallel_loop3A_773[%parallel_loop3A_777] in [0] : vector<16xf32>, vector<16xi32> -> vector<16xf32>
        %parallel_loop3A_779 = arith.constant 8 : i32
        %parallel_loop3A_780 = vector.broadcast %parallel_loop3A_779 : i32 to vector<16xi32>
        %parallel_loop3A_781 = vector.shape_cast %parallel_loop3A_780 : vector<16xi32> to vector<16x1xi32>
        %parallel_loop3A_782 = vector.shape_cast %parallel_loop3A_781 : vector<16x1xi32> to vector<16xi32>
        %parallel_loop3A_783 = tpu.dynamic_gather %parallel_loop3A_773[%parallel_loop3A_782] in [0] : vector<16xf32>, vector<16xi32> -> vector<16xf32>
        %parallel_loop3A_784 = arith.mulf %parallel_loop3A_680, %parallel_loop3A_778 : vector<16xf32>
        %parallel_loop3A_785 = arith.index_cast %parallel_loop3A_676 : i32 to index
        %parallel_loop3A_786 = arith.constant 0 : index
        %parallel_loop3A_787 = tpu.vector_load %arg7[%parallel_loop3A_785, %parallel_loop3A_786] {strides = array<i32>} : memref<1280x32xf32, #tpu.memory_space<vmem>>, vector<16xf32>,
        tpu.vector_store %arg7[%parallel_loop3A_785, %parallel_loop3A_786], %parallel_loop3A_784 {strides = array<i32>} : memref<1280x32xf32, #tpu.memory_space<vmem>>, vector<16xf32>,
        %parallel_loop3A_788 = arith.mulf %parallel_loop3A_683, %parallel_loop3A_778 : vector<16xf32>
        %parallel_loop3A_789 = arith.index_cast %parallel_loop3A_676 : i32 to index
        %parallel_loop3A_790 = arith.constant 16 : index
        %parallel_loop3A_791 = tpu.vector_load %arg7[%parallel_loop3A_789, %parallel_loop3A_790] {strides = array<i32>} : memref<1280x32xf32, #tpu.memory_space<vmem>>, vector<16xf32>,
        tpu.vector_store %arg7[%parallel_loop3A_789, %parallel_loop3A_790], %parallel_loop3A_788 {strides = array<i32>} : memref<1280x32xf32, #tpu.memory_space<vmem>>, vector<16xf32>,
        %parallel_loop3A_792 = arith.mulf %parallel_loop3A_688, %parallel_loop3A_783 : vector<16xf32>
        %parallel_loop3A_793 = arith.constant 1 : i32
        %parallel_loop3A_794 = arith.addi %parallel_loop3A_676, %parallel_loop3A_793 : i32
        %parallel_loop3A_795 = arith.index_cast %parallel_loop3A_794 : i32 to index
        %parallel_loop3A_796 = arith.constant 0 : index
        %parallel_loop3A_797 = tpu.vector_load %arg7[%parallel_loop3A_795, %parallel_loop3A_796] {strides = array<i32>} : memref<1280x32xf32, #tpu.memory_space<vmem>>, vector<16xf32>,
        tpu.vector_store %arg7[%parallel_loop3A_795, %parallel_loop3A_796], %parallel_loop3A_792 {strides = array<i32>} : memref<1280x32xf32, #tpu.memory_space<vmem>>, vector<16xf32>,
        %parallel_loop3A_798 = arith.mulf %parallel_loop3A_693, %parallel_loop3A_783 : vector<16xf32>
        %parallel_loop3A_799 = arith.constant 1 : i32
        %parallel_loop3A_800 = arith.addi %parallel_loop3A_676, %parallel_loop3A_799 : i32
        %parallel_loop3A_801 = arith.index_cast %parallel_loop3A_800 : i32 to index
        %parallel_loop3A_802 = arith.constant 16 : index
        %parallel_loop3A_803 = tpu.vector_load %arg7[%parallel_loop3A_801, %parallel_loop3A_802] {strides = array<i32>} : memref<1280x32xf32, #tpu.memory_space<vmem>>, vector<16xf32>,
        tpu.vector_store %arg7[%parallel_loop3A_801, %parallel_loop3A_802], %parallel_loop3A_798 {strides = array<i32>} : memref<1280x32xf32, #tpu.memory_space<vmem>>, vector<16xf32>,
      } {sc.loop_unroll_factor = 2 : i64, sc.parallel_access}
      %add3A_538 = arith.constant 1 : i32
      %add3A_539 = arith.addi %add3A_123, %add3A_538 : i32
      %mul3A_540 = arith.constant 1280 : i32
      %mul3A_541 = arith.muli %add3A_539, %mul3A_540 : i32
      %add3A_542 = arith.addi %mul3A_2, %mul3A_541 : i32
      %dma_start3A_543 = arith.constant 0 : i32
      %dma_start3A_544 = tpu.memref_slice %arg4[%add3A_542, %dma_start3A_543] : memref<819200x32xf32, #tpu.memory_space<hbm>> -> memref<1280x32xf32, #tpu.memory_space<hbm>>
      %dma_start3A_545 = arith.constant 0 : i32
      %dma_start3A_546 = tpu.memref_slice %arg4[%add3A_542, %dma_start3A_545] : memref<819200x32xf32, #tpu.memory_space<hbm>> -> memref<1280x32xf32, #tpu.memory_space<hbm>>
      tpu.enqueue_dma source(%arg7 : memref<1280x32xf32, #tpu.memory_space<vmem>>) target(%dma_start3A_546 : memref<1280x32xf32, #tpu.memory_space<hbm>>) target_semaphore(%arg11 : memref<!tpu.dma_semaphore, #tpu.memory_space<semaphore_mem>>)
    }
    %scan3A_107 = arith.constant 10 : i32
    %add3A_108 = arith.constant 23040 : i32
    %add3A_109 = arith.addi %mul3A_2, %add3A_108 : i32
    %dma_wait3A = arith.constant 0 : i32
    %dma_wait3A_110 = tpu.memref_slice %arg4[%add3A_109, %dma_wait3A] : memref<819200x32xf32, #tpu.memory_space<hbm>> -> memref<1280x32xf32, #tpu.memory_space<hbm>>
    %dma_wait3A_111 = arith.constant 0 : i32
    %dma_wait3A_112 = tpu.memref_slice %arg4[%add3A_109, %dma_wait3A_111] : memref<819200x32xf32, #tpu.memory_space<hbm>> -> memref<1280x32xf32, #tpu.memory_space<hbm>>
    tpu.wait_dma2 semaphore(%arg10 : memref<!tpu.dma_semaphore, #tpu.memory_space<semaphore_mem>>) src(%arg6 : memref<1280x32xf32, #tpu.memory_space<vmem>>) dst(%dma_wait3A_112 : memref<1280x32xf32, #tpu.memory_space<hbm>>)
    %add3A_113 = arith.constant 24320 : i32
    %add3A_114 = arith.addi %mul3A_2, %add3A_113 : i32
    %dma_wait3A_115 = arith.constant 0 : i32
    %dma_wait3A_116 = tpu.memref_slice %arg4[%add3A_114, %dma_wait3A_115] : memref<819200x32xf32, #tpu.memory_space<hbm>> -> memref<1280x32xf32, #tpu.memory_space<hbm>>
    %dma_wait3A_117 = arith.constant 0 : i32
    %dma_wait3A_118 = tpu.memref_slice %arg4[%add3A_114, %dma_wait3A_117] : memref<819200x32xf32, #tpu.memory_space<hbm>> -> memref<1280x32xf32, #tpu.memory_space<hbm>>
    tpu.wait_dma2 semaphore(%arg11 : memref<!tpu.dma_semaphore, #tpu.memory_space<semaphore_mem>>) src(%arg7 : memref<1280x32xf32, #tpu.memory_space<vmem>>) dst(%dma_wait3A_118 : memref<1280x32xf32, #tpu.memory_space<hbm>>)
    return
  }
}

</mosaic_0001>

<sc_bundles>
// kernel: kernel.3.cloned.1.call-start
scs
__scs_entry_jumppad:
0x0: {  	(pc) =	sbr.rel $0x88, $3  }
0x1: {  	(tag) =	ssettag $0x0;
	lr =	simm.s32 $0x1  }
0x2: {  	[smem:$0x3F9F] =	sst lr;
	_ =	strace $0xD0000000  }
0x3: {  	_ = 	snop  }
0x4: {  	_ = 	snop  }
0x5: {  	_ = 	snop  }
0x6: {  	_ = 	snop  }
0x7: {  	_ = 	snop  }
__scs_overlays_trampoline_lowered:
0x8: {  	[smem:$0x3FAE] =	sst s0  }
0x9: {  	[smem:$0x3FAF] =	sst s1  }
0xa: {  	[smem:$0x3FB0] =	sst s2  }
0xb: {  	[smem:$0x3FB1] =	sst s3  }
0xc: {  	[smem:$0x3FB2] =	sst s4  }
0xd: {  	[smem:$0x3FB3] =	sst s5  }
0xe: {  	[smem:$0x3FB4] =	sst s6  }
0xf: {  	[smem:$0x3FB5] =	sst s7  }
0x10: {  	[smem:$0x3FB6] =	sst s8  }
0x11: {  	[smem:$0x3FB7] =	sst s9;
	s0 =	simm.s32 @!p0 $0x0  }
0x12: {  	s1 =	sld [smem:$0x3F9D];
	s0 =	simm.s32 @p0 $0x1  }
0x13: {  	[smem:$0x3FB8] =	sst s0;
	s0 =	simm.s32 @!p1 $0x0  }
0x14: {  	s2 =	sld [smem:$0x3F9C];
	s0 =	simm.s32 @p1 $0x1  }
0x15: {  	[smem:$0x3FB9] =	sst s0;
	s0 =	simm.s32 @!p2 $0x0  }
0x16: {  	s3 =	sld [smem:$0x3FDB];
	s0 =	simm.s32 @p2 $0x1  }
0x17: {  	s4 =	simm.s32 $0x1BF5;
	[smem:$0x3FBB] =	sst s0  }
0x18: {  	s0 =	sld [smem:$0x3F9E];
	_ =	swait.ge [sflag:s4], $0x0  }
0x19: {  	s7 =	sld [smem:$0x3F9F]  }
0x1a: {  	s8 =	sadd.s32 $0xFFFFE003, lr  }
0x1b: {  	s9 =	sadd.s32 $0xFFFFFEF7, lr;
	s5 =	simm.s32 $0xFFFFFFFF;
	p2 =	slt.u32 s8, $0xFFFFF086  }
0x1c: {  	p1 =	slt.u32 s9, $0xF7A;
	s5 =	simm.s32 @!p2 $0x0  }
0x1d: {  	s5 =	simm.s32 @p1 $0x1;
	p0 =	seq.s32 s7, s2  }
0x1e: {  	s7 =	smul.u32 @!p0 $0xF7A, s2;
	p2 =	seq.s32 @!p0 s5, $0x0  }
0x1f: {  	s9 =	smul.u32 $0xF7A, s1;
	s8 =	simm.s32 @!p0 $0x1BF5;
	p2 =	por !p2, p0  }
0x20: {  	[sflag:s8] =	ssyncset.s32 @!p0 $0xFFFFF086;
	s6 =	sadd.s32 @!p0 s3, s7;
	s7 =	simm.s32 @!p0 $0x108  }
0x21: {  	s3 =	sadd.s32 s3, s9;
	s6 =	sadd.s32 @!p0 $0x88, s6;
	s7 =	simm.s32 @p2 $0x1082  }
0x22: {  	[simem:s7], [sflag:s8] =	dma.local @!p0 [hbm:s6], $0xF7A  }
0x23: {  	s9 =	sor.u32 $0xD0000000, s2;
	s6 =	simm.s32 $0x108;
	_ =	swait.ge @!p0 [sflag:s8], $0x0  }
0x24: {  	s3 =	sadd.s32 $0x88, s3;
	s6 =	simm.s32 @!p1 $0x1082;
	[sflag:s4] =	ssyncset.s32 $0xFFFFF086  }
0x25: {  	[simem:s6], [sflag:s4] =	dma.local [hbm:s3], $0xF7A  }
0x26: {  	[smem:$0x3F9F] =	sst s1;
	(tag) =	ssettag s2;
	_ =	strace s9  }
0x27: {  	s1 =	sld [smem:$0x3FAF]  }
0x28: {  	s2 =	sld [smem:$0x3FB0]  }
0x29: {  	s4 =	sld [smem:$0x3FB2]  }
0x2a: {  	p0 =	seq.s32 s5, $0x0;
	s5 =	sld [smem:$0x3FB3]  }
0x2b: {  	s6 =	sld [smem:$0x3FB4]  }
0x2c: {  	s7 =	sld [smem:$0x3FB5]  }
0x2d: {  	s3 =	simm.s32 $0x108;
	s8 =	sld [smem:$0x3FB6]  }
0x2e: {  	s3 =	simm.s32 @!p0 $0x1082;
	s9 =	sld [smem:$0x3FB7]  }
0x2f: {  	lr =	sadd.s32 s0, s3;
	s0 =	sld [smem:$0x3FAE]  }
0x30: {  	s3 =	sld [smem:$0x3FB1]  }
0x31: {  	[smem:$0x3FBA] =	sst s10  }
0x32: {  	s10 =	sld [smem:$0x3FB8];
	_ =	sdelay $0x3  }
0x33: {  	p0 =	seq.s32 s10, $0x1;
	s10 =	sld [smem:$0x3FBA];
	_ =	sdelay $0x3  }
0x34: {  	[smem:$0x3FBA] =	sst s10  }
0x35: {  	s10 =	sld [smem:$0x3FB9];
	_ =	sdelay $0x3  }
0x36: {  	p1 =	seq.s32 s10, $0x1;
	s10 =	sld [smem:$0x3FBA];
	_ =	sdelay $0x3  }
0x37: {  	[smem:$0x3FBA] =	sst s10  }
0x38: {  	s10 =	sld [smem:$0x3FBB]  }
0x39: {  	_ = 	snop;
	(pc) =	sbr.ind lr, $3  }
0x3a: {  	_ = 	snop  }
0x3b: {  	_ = 	snop  }
0x3c: {  	p2 =	seq.s32 s10, $0x1;
	s10 =	sld [smem:$0x3FBA]  }
0x3d: {  	_ =	shalt  }
0x3e: {  	_ =	shalt  }
0x3f: {  	_ =	shalt  }
0x40: {  	_ =	shalt  }
0x41: {  	_ =	shalt  }
0x42: {  	_ =	shalt  }
0x43: {  	_ =	shalt  }
0x44: {  	_ =	shalt  }
0x45: {  	_ =	shalt  }
0x46: {  	_ =	shalt  }
0x47: {  	_ =	shalt  }
0x48: {  	_ =	shalt  }
0x49: {  	_ =	shalt  }
0x4a: {  	_ =	shalt  }
0x4b: {  	_ =	shalt  }
0x4c: {  	_ =	shalt  }
0x4d: {  	_ =	shalt  }
0x4e: {  	_ =	shalt  }
0x4f: {  	_ =	shalt  }
0x50: {  	_ =	shalt  }
0x51: {  	_ =	shalt  }
0x52: {  	_ =	shalt  }
0x53: {  	_ =	shalt  }
0x54: {  	_ =	shalt  }
0x55: {  	_ =	shalt  }
0x56: {  	_ =	shalt  }
0x57: {  	_ =	shalt  }
0x58: {  	_ =	shalt  }
0x59: {  	_ =	shalt  }
0x5a: {  	_ =	shalt  }
0x5b: {  	_ =	shalt  }
0x5c: {  	_ =	shalt  }
0x5d: {  	_ =	shalt  }
0x5e: {  	_ =	shalt  }
0x5f: {  	_ =	shalt  }
0x60: {  	_ =	shalt  }
0x61: {  	_ =	shalt  }
0x62: {  	_ =	shalt  }
0x63: {  	_ =	shalt  }
0x64: {  	_ =	shalt  }
0x65: {  	_ =	shalt  }
0x66: {  	_ =	shalt  }
0x67: {  	_ =	shalt  }
0x68: {  	_ =	shalt  }
0x69: {  	_ =	shalt  }
0x6a: {  	_ =	shalt  }
0x6b: {  	_ =	shalt  }
0x6c: {  	_ =	shalt  }
0x6d: {  	_ =	shalt  }
0x6e: {  	_ =	shalt  }
0x6f: {  	_ =	shalt  }
0x70: {  	_ =	shalt  }
0x71: {  	_ =	shalt  }
0x72: {  	_ =	shalt  }
0x73: {  	_ =	shalt  }
0x74: {  	_ =	shalt  }
0x75: {  	_ =	shalt  }
0x76: {  	_ =	shalt  }
0x77: {  	_ =	shalt  }
0x78: {  	_ =	shalt  }
0x79: {  	_ =	shalt  }
0x7a: {  	_ =	shalt  }
0x7b: {  	_ =	shalt  }
0x7c: {  	_ =	shalt  }
0x7d: {  	_ =	shalt  }
0x7e: {  	_ =	shalt  }
0x7f: {  	_ =	shalt  }
0x80: {  	_ =	shalt  }
0x81: {  	_ =	shalt  }
0x82: {  	_ =	shalt  }
0x83: {  	_ =	shalt  }
0x84: {  	_ =	shalt  }
0x85: {  	_ =	shalt  }
0x86: {  	_ =	shalt  }
0x87: {  	_ =	shalt  }
.Lfunc_end0:
.L_simem_size_0:
called_computation.2_lowered:
.L_overlay_start_0:
0x88: {  	s2 =	sld [smem:$0x3FD9]  }
0x89: {  	s3 =	sld [smem:$0x3FFE];
	_ =	sdelay $0x1  }
0x8a: {  	s1 =	srdreg.scid  }
0x8b: {  	s0 =	sand.u32 $0x1, s1  }
0x8c: {  	s17 =	sshll.u32 s0, $0xA;
	s2 =	sadd.s32 s3, s2  }
0x8d: {  	s2 =	sadd.s32 s2, s17  }
0x8e: {  	[smem:$0x3FC6] =	sst s2  }
0x8f: {  	_ = 	snop  }
0x90: {  	s2 =	sld [smem:$0x3FD0];
	(tm) =	ssettm $0x1  }
0x91: {  	s18 =	sld [smem:$0x3FFB];
	_ =	sdelay $0x3  }
0x92: {  	_ =	strace s18  }
0x93: {  	s3 =	sld [smem:$0x3FFC];
	_ =	sdelay $0x3  }
0x94: {  	_ =	strace s3  }
0x95: {  	s3 =	sld [smem:$0x3FFD];
	_ =	sdelay $0x3  }
0x96: {  	_ =	strace s3  }
0x97: {  	_ =	strace $0x8FFFFFFF  }
0x98: {  	s19 =	sld [smem:$0x3FDB];
	_ =	sdelay $0x1  }
0x99: {  	s4 =	simm.s32 $_scs_section_size  }
0x9a: {  	s5 =	simm.s32 $_size__tile_overlayer_lowered;
	s6 =	simm.s32 $_tile_overlayer_lowered  }
0x9b: {  	s22 =	simm.s32 $0x1BFF;
	s21 =	sshll.u32 s6, $0x1;
	s3 =	sadd.s32 s4, s19  }
0x9c: {  	s7 =	simm.s32 $0x0;
	s20 =	sshll.u32 s5, $0x1;
	s5 =	sadd.s32 s21, s3  }
0x9d: {  	[timem:s7], [sflag:s22] =	dma.local [hbm:s5], s20  }
0x9e: {  	_ =	swait.ge [sflag:s22], s20  }
0x9f: {  	s4 =	ssub.s32 $0x0, s20;
	[sflag:s22] =	ssyncset.done $0x0  }
0xa0: {  	[sflag:s22] =	ssyncadd.s32 s4;
	_ =	sdelay $0x1  }
0xa1: {  	s23 =	simm.s32 $0x1B8B  }
0xa2: {  	_ =	swait.ge [sflag:s23], $0x1  }
0xa3: {  	[sflag:s23] =	ssyncset.done $0x0  }
0xa4: {  	s25 =	simm.s32 $0x1B8E;
	s24 =	sld [smem:$0x3FFE];
	[sflag:s23] =	ssyncadd.s32 $0xFFFFFFFF  }
0xa5: {  	s26 =	simm.s32 $execute0_lowered;
	[smem:$0x3FD2] =	sst s25  }
0xa6: {  	s5 =	sshll.u32 s26, $0x1;
	_ =	strace $0x80000046;
	[dreg:$0x1] =	wrdreg $0xFFFFFFFF  }
0xa7: {  	s28 =	simm.s32 $_size_execute0_lowered;
	s3 =	sadd.s32 s3, s5;
	[dreg:$0x0] =	wrdreg $0x0  }
0xa8: {  	s5 =	sshll.u32 s28, $0x1;
	[dreg:$0x2] =	wrdreg s3  }
0xa9: {  	[dreg:$0x3] =	wrdreg s5  }
0xaa: {  	[dreg:$0x4] =	wrdreg $0xC0  }
0xab: {  	_ =	task [dreg:s7], $0x5FFFF  }
0xac: {  	[dreg:$0x1] =	wrdreg $0xFFFFFFFF  }
0xad: {  	[dreg:$0x0] =	wrdreg $0x60  }
0xae: {  	[dreg:$0x2] =	wrdreg s24  }
0xaf: {  	[dreg:$0x3] =	wrdreg s2  }
0xb0: {  	[dreg:$0x4] =	wrdreg $0x9  }
0xb1: {  	_ =	task.clear_ibuf [dreg:s7], $0x5FFFF;
	_ =	strace $0x90000046  }
0xb2: {  	s29 =	simm.s32 $0x9;
	_ =	strace $0x80000048  }
0xb3: {  	_ =	swait.ge [sflag:s29], $0x1  }
0xb4: {  	[sflag:s29] =	ssyncadd.s32 $0xFFFFFFFF  }
0xb5: {  	_ =	strace $0x90000048  }
0xb6: {  	_ =	sfence  }
0xb7: {  	s30 =	sld [smem:$0x0];
	_ =	sdelay $0x2  }
0xb8: {  	s31 =	sshll.u32 s1, $0xD;
	s1 =	sshrl.u32 s1, $0x2  }
0xb9: {  	s3 =	sand.u32 $0x4000, s31;
	s1 =	sadd.s32 s1, s30  }
0xba: {  	s0 =	sor.u32 s3, s0;
	s1 =	sshll.u32 s1, $0x11  }
0xbb: {  	s0 =	sor.u32 s1, s0  }
0xbc: {  	s0 =	sadd.s32 $0x8F2B, s0  }
0xbd: {  	[sflag:s0] =	ssyncadd.remote.s32 $0x1  }
0xbe: {  	_ =	sfence.sel $0xFFFF  }
0xbf: {  	[dreg:$0x0] =	wrdreg $0xFFFFFFFF;
	(pc) =	sbr.abs _section_cstart, $3  }
0xc0: {  	[dreg:$0x1] =	wrdreg $0xFFFFFFFF  }
0xc1: {  	_ =	task.clear_ibuf [dreg:s7], $0x2FFFF;
	_ =	strace $0x9FFFFFFF  }
0xc2: {  	(tm) =	ssettm $0x7FFFFFFF  }
0xc3: {  	_ =	shalt  }
tec
execute0_lowered:
.L_overlay_start_1:
0x0: {  	(tag) =	ssettag $0x1  }
0x1: {  	s0 =	rddreg [dreg:$0x0];
	v0 =	vimm.s32 $0xFEDCBA98;
	s9 =	simm.s32 $0x6400;
	v1 =	vimm.s32 $0x76543210  }
0x2: {  	s1 =	srdreg.scid;
	s3 =	stileid.u32;
	v2 =	vimm.s32 $0xBA98FEDC;
	v3 =	vimm.s32 $0x32107654;
	v4 =	vimm.s32 $0xDCFE98BA  }
0x3: {  	s2 =	rddreg [dreg:$0x1];
	s8 =	simm.s32 $0x5;
	s13 =	simm.s32 $0x80;
	v5 =	vimm.s32 $0x54761032;
	v6 =	vimm.s32 $0xEFCDAB89;
	v7 =	vimm.s32 $0x67452301  }
0x4: {  	s29 =	simm.s32 $0x10400;
	s30 =	simm.s32 $0x11400;
	s31 =	simm.s32 $0x12400;
	v0 =	vunpack.c.l.s4.s8 v0;
	v1 =	vunpack.c.l.s4.s8 v1;
	v2 =	vunpack.c.l.s4.s8 v2  }
0x5: {  	s10 =	simm.s32 $0x15400;
	s11 =	simm.s32 $0x16400;
	s12 =	simm.s32 $0x17400;
	v3 =	vunpack.c.l.s4.s8 v3;
	v4 =	vunpack.c.l.s4.s8 v4;
	v5 =	vunpack.c.l.s4.s8 v5  }
0x6: {  	s14 =	simm.s32 $0x18400;
	s15 =	simm.s32 $0x19400;
	s16 =	simm.s32 $0x1;
	v6 =	vunpack.c.l.s4.s8 v6;
	v7 =	vunpack.c.l.s4.s8 v7;
	v0 =	vunpack.c.0.s8.s32 v0  }
0x7: {  	s17 =	simm.s32 $0x2;
	s1 =	sand.u32 $0x1, s1;
	s4 =	sshll.u32 s3, $0x1;
	v2 =	vunpack.c.0.s8.s32 v2;
	v3 =	vunpack.c.0.s8.s32 v3;
	v4 =	vunpack.c.0.s8.s32 v4  }
0x8: {  	s18 =	simm.s32 $0x3;
	s3 =	simm.s32 $0x0;
	s5 =	sor.u32 s1, s4;
	v1 =	vunpack.c.0.s8.s32 v1;
	v6 =	vunpack.c.0.s8.s32 v6;
	v7 =	vunpack.c.0.s8.s32 v7  }
0x9: {  	s19 =	simm.s32 $0x4;
	[smem:$0x7FF] =	sst s3;
	s4 =	smul.u32 $0xC80, s5;
	v5 =	vunpack.c.0.s8.s32 v5;
	v2 =	vcombine.low v3, v2;
	v0 =	vand.u32 $0xF, v0  }
0xa: {  	s20 =	simm.s32 $0x0;
	s1 =	ssub.s32 $0x2, s1;
	_ =	strace $0x80000047;
	v0 =	vcombine.low v0, v1;
	v1 =	vcombine.low v7, v6  }
0xb: {  	s28 =	sshrl.u32 s1, $0x1;
	s5 =	smul.u32 $0x6400, s5;
	s6 =	sadd.s32 s4, s0;
	v3 =	vcombine.low v5, v4;
	v14 =	vand.u32 $0xF, v2  }
0xc: {  	vm0 =	vmmov $0xff;
	s4 =	sadd.s32 $0xF43200, s0;
	s0 =	ssub.s32 s1, s28;
	s1 =	simm.s32 $0x13400;
	v15 =	vand.u32 $0xF, v1;
	[tilespmem:$0x1FFF0] =	vst v14  }
0xd: {  	v19 =	vimm.s32 $0x0;
	v27 =	vimm.s32 $0x8;
	s6 =	sadd.s32 $0xE00, s6;
	s7 =	smax.u32 s0, $0x1;
	s0 =	simm.s32 $0x14400;
	v18 =	vand.u32 $0xF, v3;
	[tilespmem:$0x1FFE0] =	vst v15  }
.LBB2_1:
0xe: {  	[tilespmem:s3], [sflag:$0x5] =	stream.linear.gather [hbm4b:s6+s3], $0x6400, $0x38;
	[tilespmem:$0x1A400] =	vst v63  }
0xf: {  	_ =	swait.ge [sflag:s8], $0x6400  }
0x10: {  	[sflag:s8] =	ssyncset.done $0x0  }
0x11: {  	[sflag:s8] =	ssyncadd.s32 $0xFFFF9C00  }
0x12: {  	[tilespmem:s9], [sflag:$0x1] =	stream.indirect.gather [hbm4b:s4+s13], $0x20, s3, s13, $0xb8;
	[tilespmem:$0x1A400] =	vst v63  }
0x13: {  	s21 =	simm.s32 $0x7400  }
0x14: {  	[tilespmem:s21], [sflag:$0x1] =	stream.indirect.gather [hbm4b:s4+s13], $0x20, s13, s13, $0xb8;
	[tilespmem:$0x1A400] =	vst v63  }
0x15: {  	s25 =	simm.s32 $0x8400;
	s22 =	simm.s32 $0x100  }
0x16: {  	[tilespmem:s25], [sflag:$0x1] =	stream.indirect.gather [hbm4b:s4+s13], $0x20, s22, s13, $0xb8;
	[tilespmem:$0x1A400] =	vst v63  }
0x17: {  	s26 =	simm.s32 $0x180;
	s28 =	simm.s32 $0x9400  }
0x18: {  	[tilespmem:s28], [sflag:$0x1] =	stream.indirect.gather [hbm4b:s4+s13], $0x20, s26, s13, $0xb8;
	[tilespmem:$0x1A400] =	vst v63  }
0x19: {  	s23 =	simm.s32 $0xA400;
	s22 =	simm.s32 $0x200  }
0x1a: {  	[tilespmem:s23], [sflag:$0x1] =	stream.indirect.gather [hbm4b:s4+s13], $0x20, s22, s13, $0xb8;
	[tilespmem:$0x1A400] =	vst v63  }
0x1b: {  	s24 =	simm.s32 $0x280;
	s25 =	simm.s32 $0xB400  }
0x1c: {  	[tilespmem:s25], [sflag:$0x1] =	stream.indirect.gather [hbm4b:s4+s13], $0x20, s24, s13, $0xb8;
	[tilespmem:$0x1A400] =	vst v63  }
0x1d: {  	s26 =	simm.s32 $0x300;
	s28 =	simm.s32 $0xC400  }
0x1e: {  	[tilespmem:s28], [sflag:$0x1] =	stream.indirect.gather [hbm4b:s4+s13], $0x20, s26, s13, $0xb8;
	[tilespmem:$0x1A400] =	vst v63  }
0x1f: {  	s22 =	simm.s32 $0x380;
	s23 =	simm.s32 $0xD400  }
0x20: {  	[tilespmem:s23], [sflag:$0x1] =	stream.indirect.gather [hbm4b:s4+s13], $0x20, s22, s13, $0xb8;
	[tilespmem:$0x1A400] =	vst v63  }
0x21: {  	s24 =	simm.s32 $0x400;
	s25 =	simm.s32 $0xE400  }
0x22: {  	[tilespmem:s25], [sflag:$0x1] =	stream.indirect.gather [hbm4b:s4+s13], $0x20, s24, s13, $0xb8;
	[tilespmem:$0x1A400] =	vst v63  }
0x23: {  	s21 =	simm.s32 $0x0;
	s26 =	simm.s32 $0x480;
	s28 =	simm.s32 $0xF400  }
0x24: {  	[tilespmem:s28], [sflag:$0x1] =	stream.indirect.gather [hbm4b:s4+s13], $0x20, s26, s13, $0xb8;
	[tilespmem:$0x1A400] =	vst v63  }
.LBB2_2:
0x25: {  	s22 =	sshll.u32 s21, $0x1;
	p0 =	seq.s32 s21, $0x0  }
0x26: {  	s23 =	simm.s32 @!p0 $0x4;
	s22 =	sor.u32 $0x1, s22  }
0x27: {  	_ =	swait.ge @!p0 [sflag:s23], $0xA000;
	s24 =	smul.u32 $0x1400, s22  }
0x28: {  	[sflag:s23] =	ssyncset.done @!p0 $0x0  }
0x29: {  	[sflag:s23] =	ssyncadd.s32 @!p0 $0xFFFF6000;
	s23 =	sshra.s32 s24, $0x2  }
0x2a: {  	[tilespmem:s29], [sflag:$0x2] =	stream.indirect.gather [hbm4b:s4+s13], $0x20, s23, s13, $0xb8;
	[tilespmem:$0x1A400] =	vst v63  }
0x2b: {  	s24 =	sor.u32 $0x80, s23  }
0x2c: {  	[tilespmem:s30], [sflag:$0x2] =	stream.indirect.gather [hbm4b:s4+s13], $0x20, s24, s13, $0xb8;
	[tilespmem:$0x1A400] =	vst v63  }
0x2d: {  	s26 =	sadd.s32 $0x100, s23  }
0x2e: {  	[tilespmem:s31], [sflag:$0x2] =	stream.indirect.gather [hbm4b:s4+s13], $0x20, s26, s13, $0xb8;
	[tilespmem:$0x1A400] =	vst v63  }
0x2f: {  	s25 =	sadd.s32 $0x180, s23  }
0x30: {  	[tilespmem:s1], [sflag:$0x2] =	stream.indirect.gather [hbm4b:s4+s13], $0x20, s25, s13, $0xb8;
	[tilespmem:$0x1A400] =	vst v63  }
0x31: {  	s26 =	sadd.s32 $0x200, s23  }
0x32: {  	[tilespmem:s0], [sflag:$0x2] =	stream.indirect.gather [hbm4b:s4+s13], $0x20, s26, s13, $0xb8;
	[tilespmem:$0x1A400] =	vst v63  }
0x33: {  	s25 =	sadd.s32 $0x280, s23  }
0x34: {  	[tilespmem:s10], [sflag:$0x2] =	stream.indirect.gather [hbm4b:s4+s13], $0x20, s25, s13, $0xb8;
	[tilespmem:$0x1A400] =	vst v63  }
0x35: {  	s26 =	sadd.s32 $0x300, s23  }
0x36: {  	[tilespmem:s11], [sflag:$0x2] =	stream.indirect.gather [hbm4b:s4+s13], $0x20, s26, s13, $0xb8;
	[tilespmem:$0x1A400] =	vst v63  }
0x37: {  	s25 =	sadd.s32 $0x380, s23  }
0x38: {  	[tilespmem:s12], [sflag:$0x2] =	stream.indirect.gather [hbm4b:s4+s13], $0x20, s25, s13, $0xb8;
	[tilespmem:$0x1A400] =	vst v63  }
0x39: {  	s26 =	sadd.s32 $0x400, s23  }
0x3a: {  	[tilespmem:s14], [sflag:$0x2] =	stream.indirect.gather [hbm4b:s4+s13], $0x20, s26, s13, $0xb8;
	[tilespmem:$0x1A400] =	vst v63  }
0x3b: {  	s23 =	sadd.s32 $0x480, s23  }
0x3c: {  	[tilespmem:s15], [sflag:$0x2] =	stream.indirect.gather [hbm4b:s4+s13], $0x20, s23, s13, $0xb8;
	[tilespmem:$0x1A400] =	vst v63  }
0x3d: {  	_ =	swait.ge [sflag:s16], $0x1000  }
0x3e: {  	[sflag:s16] =	ssyncset.done $0x0  }
0x3f: {  	[sflag:s16] =	ssyncadd.s32 $0xFFFFF000  }
0x40: {  	_ =	swait.ge [sflag:s16], $0x1000  }
0x41: {  	[sflag:s16] =	ssyncset.done $0x0  }
0x42: {  	[sflag:s16] =	ssyncadd.s32 $0xFFFFF000  }
0x43: {  	_ =	swait.ge [sflag:s16], $0x1000  }
0x44: {  	[sflag:s16] =	ssyncset.done $0x0  }
0x45: {  	[sflag:s16] =	ssyncadd.s32 $0xFFFFF000  }
0x46: {  	_ =	swait.ge [sflag:s16], $0x1000  }
0x47: {  	[sflag:s16] =	ssyncset.done $0x0  }
0x48: {  	[sflag:s16] =	ssyncadd.s32 $0xFFFFF000  }
0x49: {  	_ =	swait.ge [sflag:s16], $0x1000  }
0x4a: {  	[sflag:s16] =	ssyncset.done $0x0  }
0x4b: {  	[sflag:s16] =	ssyncadd.s32 $0xFFFFF000  }
0x4c: {  	_ =	swait.ge [sflag:s16], $0x1000  }
0x4d: {  	[sflag:s16] =	ssyncset.done $0x0  }
0x4e: {  	[sflag:s16] =	ssyncadd.s32 $0xFFFFF000  }
0x4f: {  	_ =	swait.ge [sflag:s16], $0x1000  }
0x50: {  	[sflag:s16] =	ssyncset.done $0x0  }
0x51: {  	[sflag:s16] =	ssyncadd.s32 $0xFFFFF000  }
0x52: {  	_ =	swait.ge [sflag:s16], $0x1000  }
0x53: {  	[sflag:s16] =	ssyncset.done $0x0  }
0x54: {  	[sflag:s16] =	ssyncadd.s32 $0xFFFFF000  }
0x55: {  	_ =	swait.ge [sflag:s16], $0x1000  }
0x56: {  	[sflag:s16] =	ssyncset.done $0x0  }
0x57: {  	[sflag:s16] =	ssyncadd.s32 $0xFFFFF000  }
0x58: {  	_ =	swait.ge [sflag:s16], $0x1000  }
0x59: {  	[sflag:s16] =	ssyncset.done $0x0  }
0x5a: {  	s23 =	simm.s32 $0x6480;
	[sflag:s16] =	ssyncadd.s32 $0xFFFFF000  }
0x5b: {  	v2 =	vld [tilespmem:s23+$0xFFFFFFB0]  }
0x5c: {  	v22 =	vld [tilespmem:s23+$0xFFFFFF90]  }
0x5d: {  	v33 =	vld [tilespmem:s23+$0xFFFFFF80]  }
0x5e: {  	v1 =	vld [tilespmem:s23+$0xFFFFFFA0]  }
0x5f: {  	v54 =	vld [tilespmem:s23+$0x20]  }
0x60: {  	v55 =	vld [tilespmem:s23+$0x0]  }
0x61: {  	v58 =	vld [tilespmem:s23+$0x30]  }
0x62: {  	v59 =	vld [tilespmem:s23+$0x10];
	_ =	sdelay $0x1  }
0x63: {  	v3 =	vmul.f32 v2, v2;
	v4 =	vmul.f32 v22, v22  }
0x64: {  	v5 =	vmul.f32 v33, v33;
	v6 =	vmul.f32 v54, v54  }
0x65: {  	v7 =	vmul.f32 v55, v55;
	v8 =	vmul.f32 v1, v1  }
0x66: {  	v9 =	vmul.f32 v58, v58;
	v10 =	vmul.f32 v59, v59  }
0x67: {  	v13 =	vld [tilespmem:s23+$0x40];
	v4 =	vadd.f32 v4, v5;
	v3 =	vadd.f32 v3, v8  }
0x68: {  	v16 =	vld [tilespmem:s23+$0xFFFFFFD0];
	v5 =	vadd.f32 v9, v6;
	v6 =	vadd.f32 v10, v7  }
0x69: {  	v11 =	vld [tilespmem:s23+$0xFFFFFFC0];
	v7 =	vperm.xlane v4, v0;
	v8 =	vperm.xlane v3, v0  }
0x6a: {  	v20 =	vld [tilespmem:s23+$0x50];
	v9 =	vperm.xlane v5, v0;
	v10 =	vperm.xlane v6, v0  }
0x6b: {  	v12 =	vld [tilespmem:s23+$0xFFFFFFE0];
	v4 =	vadd.f32 v7, v4;
	v3 =	vadd.f32 v8, v3  }
0x6c: {  	v21 =	vld [tilespmem:s23+$0x70];
	v5 =	vadd.f32 v9, v5;
	v6 =	vadd.f32 v10, v6  }
0x6d: {  	v3 =	vsel vm0, v4, v3  }
0x6e: {  	v17 =	vld [tilespmem:s23+$0x60];
	[tilespmem:$0x1FE50] =	vst v16;
	v8 =	vmul.f32 v11, v11;
	v4 =	vsel vm0, v6, v5;
	v5 =	vperm.xlane v3, v14  }
0x6f: {  	v6 =	vmul.f32 v16, v16;
	v16 =	vld [tilespmem:s23+$0xFFFFFFF0];
	[tilespmem:$0x1FE60] =	vst v11;
	v7 =	vperm.xlane v4, v14  }
0x70: {  	v9 =	vmul.f32 v13, v13;
	v10 =	vmul.f32 v12, v12;
	[tilespmem:$0x1FE70] =	vst v13;
	v3 =	vadd.f32 v3, v5  }
0x71: {  	[tilespmem:$0x1FE80] =	vst v20;
	v6 =	vadd.f32 v6, v8;
	v8 =	vmul.f32 v21, v21;
	v4 =	vadd.f32 v4, v7  }
0x72: {  	[tilespmem:$0x1FE90] =	vst v12;
	v5 =	vmul.f32 v20, v20;
	v11 =	vperm.xlane v3, v18  }
0x73: {  	[tilespmem:$0x1FEA0] =	vst v17;
	v7 =	vmul.f32 v17, v17;
	v12 =	vperm.xlane v4, v18  }
0x74: {  	[tilespmem:$0x1FEB0] =	vst v21;
	v5 =	vadd.f32 v5, v9;
	v9 =	vmul.f32 v16, v16;
	v3 =	vadd.f32 v3, v11  }
0x75: {  	s24 =	simm.s32 $0x6580;
	[tilespmem:$0x1FEC0] =	vst v16;
	v7 =	vadd.f32 v8, v7;
	v4 =	vadd.f32 v4, v12  }
0x76: {  	v17 =	vld [tilespmem:s24+$0xFFFFFF90];
	v8 =	vperm.xlane v5, v0;
	v9 =	vadd.f32 v9, v10;
	v10 =	vperm.xlane v3, v15  }
0x77: {  	v39 =	vld [tilespmem:s24+$0xFFFFFFA0];
	v11 =	vperm.xlane v6, v0;
	v12 =	vperm.xlane v4, v15  }
0x78: {  	v60 =	vld [tilespmem:s24+$0xFFFFFFB0];
	v5 =	vadd.f32 v8, v5;
	v8 =	vperm.xlane v9, v0;
	v10 =	vadd.f32 v3, v10  }
0x79: {  	v20 =	vld [tilespmem:s24+$0xFFFFFF80];
	v6 =	vadd.f32 v11, v6;
	v11 =	vperm.xlane v7, v0;
	v3 =	vadd.f32 v4, v12  }
0x7a: {  	v24 =	vld [tilespmem:s24+$0x20];
	v4 =	vadd.f32 v8, v9;
	v8 =	vshra.s32 v10, $0x1;
	v9 =	vmul.f32 $5.000000000e-01, v10  }
0x7b: {  	v25 =	vld [tilespmem:s24+$0x30];
	v7 =	vadd.f32 v11, v7;
	[tilespmem:$0x1FED0] =	vst v17;
	v17 =	vmul.f32 v17, v17;
	v8 =	vsub.s32 $0x5F3759DF, v8  }
0x7c: {  	v21 =	vmul.f32 v39, v39;
	v26 =	vld [tilespmem:s24+$0x0];
	v6 =	vsel vm0, v6, v4;
	v13 =	vmul.f32 v8, v9  }
0x7d: {  	v11 =	vshra.s32 v3, $0x1;
	v12 =	vmul.f32 $5.000000000e-01, v3;
	v16 =	vperm.xlane v6, v14  }
0x7e: {  	[tilespmem:$0x1FEE0] =	vst v20;
	v4 =	vsel vm0, v5, v7;
	v11 =	vsub.s32 $0x5F3759DF, v11;
	v13 =	vmul.f32 v8, v13  }
0x7f: {  	v43 =	vld [tilespmem:s24+$0x10];
	[tilespmem:$0x1FEF0] =	vst v24;
	v7 =	vmul.f32 v11, v12;
	v6 =	vadd.f32 v6, v16;
	v16 =	vmul.f32 v60, v60  }
0x80: {  	v20 =	vmul.f32 v20, v20;
	[tilespmem:$0x1FF00] =	vst v25;
	v5 =	vperm.xlane v4, v14;
	v13 =	vsub.f32 $1.500000000e+00, v13  }
0x81: {  	v31 =	vld [tilespmem:s24+$0xFFFFFFD0];
	v7 =	vmul.f32 v11, v7;
	[tilespmem:$0x1FF10] =	vst v26;
	v23 =	vperm.xlane v6, v18;
	v16 =	vadd.f32 v16, v21  }
0x82: {  	v28 =	vld [tilespmem:s24+$0xFFFFFFC0];
	v8 =	vmul.f32 v8, v13;
	v13 =	vadd.f32 v17, v20;
	v17 =	vmul.f32 v24, v24  }
0x83: {  	v20 =	vmul.f32 v25, v25;
	v24 =	vperm.xlane v16, v0  }
0x84: {  	v7 =	vsub.f32 $1.500000000e+00, v7;
	v25 =	vmul.f32 v26, v26;
	v26 =	vmul.f32 v43, v43  }
0x85: {  	v21 =	vld [tilespmem:s24+$0x40];
	v6 =	vadd.f32 v6, v23;
	v23 =	vperm.xlane v13, v0;
	v20 =	vadd.f32 v20, v17  }
0x86: {  	v7 =	vmul.f32 v11, v7;
	v16 =	vadd.f32 v24, v16;
	v24 =	vadd.f32 v26, v25;
	v25 =	vld [tilespmem:s24+$0x50]  }
0x87: {  	v9 =	vmul.f32 v8, v9;
	v17 =	vld [tilespmem:s24+$0xFFFFFFE0];
	[tilespmem:$0x1FF20] =	vst v28;
	v28 =	vmul.f32 v28, v28;
	v13 =	vadd.f32 v23, v13  }
0x88: {  	v12 =	vmul.f32 v7, v12;
	v23 =	vperm.xlane v6, v15  }
0x89: {  	v9 =	vmul.f32 v9, v8;
	v26 =	vperm.xlane v20, v0;
	v13 =	vsel vm0, v13, v16  }
0x8a: {  	v41 =	vadd.f32 v6, v23;
	v6 =	vperm.xlane v24, v0;
	v16 =	vperm.xlane v13, v14  }
0x8b: {  	v12 =	vmul.f32 v12, v7;
	v9 =	vsub.f32 $1.500000000e+00, v9;
	v26 =	vadd.f32 v26, v20  }
0x8c: {  	v23 =	vmul.f32 v31, v31;
	v6 =	vadd.f32 v6, v24;
	v13 =	vadd.f32 v13, v16  }
0x8d: {  	vm1 =	vgt.f32 v10, $9.000000000e+00;
	v20 =	vld [tilespmem:s24+$0x60];
	[tilespmem:$0x1FF30] =	vst v21;
	v29 =	vmul.f32 v25, v25;
	v8 =	vmul.f32 v9, v8  }
0x8e: {  	v9 =	vadd.f32 v23, v28;
	v16 =	vld [tilespmem:s24+$0xFFFFFFF0];
	v6 =	vsel vm0, v6, v26;
	v23 =	vperm.xlane v13, v18  }
0x8f: {  	v11 =	vshra.s32 v41, $0x1;
	v46 =	vmul.f32 $5.000000000e-01, v41;
	v28 =	vperm.xlane v6, v14  }
0x90: {  	v11 =	vsub.s32 $0x5F3759DF, v11;
	v26 =	vmul.f32 v21, v21;
	v21 =	vld [tilespmem:s24+$0x70];
	v13 =	vadd.f32 v13, v23  }
0x91: {  	v30 =	vperm.xlane v9, v0;
	v8 =	vmul.f32 $3.000000000e+00, v8;
	v6 =	vadd.f32 v6, v28  }
0x92: {  	[tilespmem:$0x1FF40] =	vst v25;
	v26 =	vadd.f32 v29, v26;
	v23 =	vmul.f32 v17, v17;
	v29 =	vperm.xlane v13, v15  }
0x93: {  	[tilespmem:$0x1FF50] =	vst v17;
	v9 =	vadd.f32 v30, v9;
	v10 =	vmul.f32 v16, v16;
	v30 =	vperm.xlane v6, v18  }
0x94: {  	[tilespmem:$0x1FF60] =	vst v20;
	v28 =	vmul.f32 v20, v20;
	v34 =	vperm.xlane v26, v0;
	v13 =	vadd.f32 v13, v29  }
0x95: {  	[tilespmem:$0x1FF70] =	vst v16;
	v32 =	vmul.f32 v21, v21;
	v10 =	vadd.f32 v10, v23;
	v6 =	vadd.f32 v6, v30  }
0x96: {  	s25 =	simm.s32 $0x6680;
	[tilespmem:$0x1FF80] =	vst v21;
	v29 =	vmul.f32 v11, v46;
	v23 =	vshra.s32 v13, $0x1;
	v30 =	vmul.f32 $5.000000000e-01, v13  }
0x97: {  	v49 =	vld [tilespmem:s25+$0xFFFFFFB0];
	v28 =	vadd.f32 v32, v28;
	v16 =	vperm.xlane v6, v15;
	v36 =	vsub.s32 $0x5F3759DF, v23  }
0x98: {  	v8 =	vnsel vm1, $0x3F800000, v8;
	v48 =	vld [tilespmem:s25+$0xFFFFFFA0];
	v23 =	vperm.xlane v10, v0;
	v37 =	vmul.f32 v36, v30  }
0x99: {  	v26 =	vadd.f32 v34, v26;
	v29 =	vmul.f32 v11, v29;
	v32 =	vperm.xlane v28, v0  }
0x9a: {  	v47 =	vadd.f32 v6, v16;
	v10 =	vadd.f32 v23, v10;
	v23 =	vmul.f32 v36, v37  }
0x9b: {  	v6 =	vperm.xlane v8, v27;
	v29 =	vsub.f32 $1.500000000e+00, v29;
	v28 =	vadd.f32 v32, v28  }
0x9c: {  	v63 =	vmul.f32 v49, v49;
	v9 =	vsel vm0, v9, v10;
	v10 =	vsub.f32 $1.500000000e+00, v23  }
0x9d: {  	v45 =	vmul.f32 v48, v48;
	v16 =	vshra.s32 v47, $0x1;
	v50 =	vmul.f32 $5.000000000e-01, v47  }
0x9e: {  	v42 =	vld [tilespmem:s25+$0xFFFFFF80];
	v24 =	vmul.f32 v6, v2;
	v16 =	vsub.s32 $0x5F3759DF, v16;
	v10 =	vmul.f32 v36, v10  }
0x9f: {  	v20 =	vld [tilespmem:s25+$0x0];
	v51 =	vmul.f32 v11, v29;
	v53 =	vmul.f32 v16, v50  }
0xa0: {  	v61 =	vsel vm0, v26, v28;
	v2 =	vld [tilespmem:s25+$0x20];
	v56 =	vperm.xlane v9, v14;
	v26 =	vmul.f32 v10, v30  }
0xa1: {  	v21 =	vld [tilespmem:s25+$0x10];
	v25 =	vmul.f32 v6, v1;
	v6 =	vsub.f32 $1.500000000e+00, v12;
	v57 =	vmul.f32 v16, v53  }
0xa2: {  	v17 =	vld [tilespmem:s25+$0x30];
	v45 =	vadd.f32 v63, v45;
	v9 =	vadd.f32 v9, v56;
	v40 =	vmul.f32 v26, v10  }
0xa3: {  	v1 =	vld [tilespmem:s25+$0xFFFFFFD0];
	v38 =	vperm.xlane v61, v14;
	v6 =	vmul.f32 v6, v7;
	v32 =	vsub.f32 $1.500000000e+00, v57  }
0xa4: {  	v23 =	vld [tilespmem:s25+$0xFFFFFF90];
	v56 =	vperm.xlane v45, v0;
	v62 =	vperm.xlane v9, v18;
	v11 =	vsub.f32 $1.500000000e+00, v40  }
0xa5: {  	v4 =	vadd.f32 v4, v5;
	v5 =	vmul.f32 v2, v2;
	v53 =	vmul.f32 v16, v32;
	v16 =	vld [tilespmem:s25+$0xFFFFFFC0]  }
0xa6: {  	v9 =	vadd.f32 v9, v62;
	[tilespmem:$0x1FF90] =	vst v2;
	v2 =	vmul.f32 v21, v21;
	v7 =	vmul.f32 v11, v10  }
0xa7: {  	[tilespmem:$0x1FFA0] =	vst v17;
	v10 =	vmul.f32 v17, v17;
	v11 =	vmul.f32 v20, v20  }
0xa8: {  	vm2 =	vgt.f32 v3, $9.000000000e+00;
	v32 =	vmul.f32 v42, v42;
	v12 =	vperm.xlane v9, v15;
	v17 =	vld [tilespmem:s25+$0x40];
	[tilespmem:$0x1FFB0] =	vst v1  }
0xa9: {  	v5 =	vadd.f32 v10, v5;
	v10 =	vmul.f32 v1, v1;
	v11 =	vadd.f32 v2, v11;
	v1 =	vld [tilespmem:s25+$0x50]  }
0xaa: {  	v36 =	vmovc v20;
	v20 =	vmul.f32 v23, v23;
	v44 =	vadd.f32 v9, v12;
	v9 =	vmul.f32 v16, v16  }
0xab: {  	v52 =	vadd.f32 v61, v38;
	v12 =	vperm.xlane v5, v0;
	v34 =	vperm.xlane v11, v0  }
0xac: {  	v6 =	vmul.f32 $3.000000000e+00, v6;
	[tilespmem:$0x1FFC0] =	vst v16;
	v38 =	vadd.f32 v20, v32;
	v9 =	vadd.f32 v10, v9  }
0xad: {  	v16 =	vld [tilespmem:s25+$0x60];
	[tilespmem:$0x1FFD0] =	vst v17;
	v10 =	vmul.f32 v17, v17;
	v5 =	vadd.f32 v12, v5;
	v11 =	vadd.f32 v34, v11  }
0xae: {  	v6 =	vnsel vm2, $0x3F800000, v6;
	v40 =	vld [tilespmem:s25+$0x70];
	v12 =	vperm.xlane v38, v0;
	v3 =	vmul.f32 v1, v1  }
0xaf: {  	v56 =	vadd.f32 v56, v45;
	v62 =	vperm.xlane v6, v19;
	v45 =	vld [tilespmem:s25+$0xFFFFFFE0];
	v5 =	vsel vm0, v11, v5  }
0xb0: {  	v34 =	vmovc v1;
	v12 =	vadd.f32 v12, v38;
	v1 =	vld [tilespmem:s25+$0xFFFFFFF0];
	v3 =	vadd.f32 v3, v10;
	v10 =	vperm.xlane v5, v14  }
0xb1: {  	vm1 =	vgt.f32 v13, $9.000000000e+00;
	v17 =	vmul.f32 v62, v59;
	v61 =	vperm.xlane v9, v0  }
0xb2: {  	v11 =	vsel vm0, v12, v56;
	v12 =	vperm.xlane v4, v18;
	v5 =	vadd.f32 v5, v10  }
0xb3: {  	v2 =	vadd.f32 v61, v9;
	v35 =	vmul.f32 v16, v16;
	v57 =	vperm.xlane v11, v14  }
0xb4: {  	v10 =	vmul.f32 v40, v40;
	v4 =	vadd.f32 v4, v12;
	v12 =	vperm.xlane v5, v18  }
0xb5: {  	v13 =	vmul.f32 v45, v45;
	v11 =	vadd.f32 v11, v57;
	v32 =	vmul.f32 v1, v1  }
0xb6: {  	v10 =	vadd.f32 v10, v35;
	v5 =	vadd.f32 v5, v12;
	v12 =	vperm.xlane v3, v0  }
0xb7: {  	v13 =	vadd.f32 v32, v13;
	v32 =	vperm.xlane v4, v15;
	v63 =	vperm.xlane v11, v18  }
0xb8: {  	v35 =	vmovc v1;
	v3 =	vadd.f32 v12, v3;
	v12 =	vperm.xlane v10, v0;
	v1 =	vperm.xlane v5, v15  }
0xb9: {  	v61 =	vadd.f32 v4, v32;
	v4 =	vadd.f32 v11, v63;
	v11 =	vperm.xlane v13, v0  }
0xba: {  	v62 =	vmul.f32 v62, v55;
	v55 =	vperm.xlane v8, v19;
	v10 =	vadd.f32 v12, v10  }
0xbb: {  	v56 =	vadd.f32 v5, v1;
	v1 =	vadd.f32 v11, v13;
	v5 =	vperm.xlane v6, v27  }
0xbc: {  	v6 =	vperm.xlane v4, v15;
	v12 =	vmul.f32 v55, v33;
	v8 =	vshra.s32 v61, $0x1  }
0xbd: {  	v13 =	vmul.f32 $5.000000000e-01, v61;
	v15 =	vsel vm0, v3, v10;
	v3 =	vmul.f32 $3.000000000e+00, v7  }
0xbe: {  	v38 =	vmovc v16;
	v59 =	vadd.f32 v4, v6;
	v16 =	vmul.f32 v5, v54;
	v7 =	vshra.s32 v44, $0x1  }
0xbf: {  	v54 =	vmul.f32 $5.000000000e-01, v44;
	v63 =	vnsel vm1, $0x3F800000, v3;
	v3 =	vshra.s32 v56, $0x1  }
0xc0: {  	v4 =	vsub.s32 $0x5F3759DF, v8;
	v33 =	vsub.s32 $0x5F3759DF, v3;
	v3 =	vmul.f32 $5.000000000e-01, v56  }
0xc1: {  	v19 =	vmul.f32 v5, v58;
	v9 =	vsub.s32 $0x5F3759DF, v7;
	v7 =	vmul.f32 v4, v13  }
0xc2: {  	v5 =	vmul.f32 v9, v54;
	v8 =	vmul.f32 v33, v3  }
0xc3: {  	[tilespmem:s23+$0xFFFFFFB0] =	vst v24;
	v6 =	vsel vm0, v2, v1;
	v1 =	vmul.f32 $5.000000000e-01, v59;
	v11 =	vperm.xlane v63, v27  }
0xc4: {  	[tilespmem:s23+$0xFFFFFF80] =	vst v12;
	v2 =	vshra.s32 v59, $0x1;
	v12 =	vmul.f32 v9, v5;
	v8 =	vmul.f32 v33, v8  }
0xc5: {  	[tilespmem:s23+$0xFFFFFFA0] =	vst v25;
	v5 =	vsub.s32 $0x5F3759DF, v2;
	v2 =	vmul.f32 v4, v7;
	v7 =	vperm.xlane v15, v14  }
0xc6: {  	[tilespmem:s23+$0x10] =	vst v17;
	v32 =	vmul.f32 v5, v1;
	v57 =	vsub.f32 $1.500000000e+00, v8;
	v8 =	vperm.xlane v6, v14  }
0xc7: {  	[tilespmem:s23+$0x0] =	vst v62;
	v60 =	vmul.f32 v11, v60;
	v12 =	vsub.f32 $1.500000000e+00, v12;
	v10 =	vsub.f32 $1.500000000e+00, v2  }
0xc8: {  	[tilespmem:s23+$0x30] =	vst v19;
	v8 =	vadd.f32 v6, v8;
	v2 =	vmul.f32 v33, v57;
	v33 =	vmul.f32 v5, v32  }
0xc9: {  	[tilespmem:s24+$0xFFFFFFB0] =	vst v60;
	v60 =	vadd.f32 v15, v7;
	v58 =	vmul.f32 v9, v12;
	v6 =	vmul.f32 v4, v10  }
0xca: {  	s28 =	simm.s32 $0x6780;
	s26 =	simm.s32 $0x10;
	v37 =	vmovc v21;
	[tilespmem:s23+$0x20] =	vst v16;
	v57 =	vperm.xlane v52, v18;
	v7 =	vsub.f32 $1.500000000e+00, v33;
	v9 =	vperm.xlane v8, v18  }
.LBB2_3:
0xcb: {  	v10 =	vmul.f32 v53, v50  }
0xcc: {  	v4 =	vld [tilespmem:s28+$0xFFFFFFB0];
	v7 =	vmul.f32 v5, v7;
	v5 =	vmul.f32 v6, v13  }
0xcd: {  	v12 =	vld [tilespmem:s28+$0xFFFFFF90];
	v8 =	vadd.f32 v8, v9;
	v9 =	vmul.f32 v11, v39;
	v10 =	vmul.f32 v10, v53  }
0xce: {  	v20 =	vld [tilespmem:$0x1FEE0];
	v39 =	vmov v48;
	v13 =	vmul.f32 v7, v1;
	v48 =	vmul.f32 v5, v6  }
0xcf: {  	v15 =	vmul.f32 v51, v46;
	v32 =	vmov v31;
	v31 =	vimm.s32 $0x0;
	v11 =	vld [tilespmem:s28+$0xFFFFFF80]  }
0xd0: {  	v46 =	vmovc v54;
	v1 =	vld [tilespmem:s28+$0xFFFFFFD0];
	[tilespmem:s24+$0xFFFFFFA0] =	vst v9;
	v9 =	vsub.f32 $1.500000000e+00, v10;
	v10 =	vmul.f32 v13, v7;
	v54 =	vsub.f32 $1.500000000e+00, v48  }
0xd1: {  	v17 =	vld [tilespmem:$0x1FED0];
	v13 =	vperm.xlane v63, v31  }
0xd2: {  	v5 =	vld [tilespmem:s28+$0xFFFFFFC0];
	v10 =	vsub.f32 $1.500000000e+00, v10;
	v6 =	vmul.f32 v54, v6  }
0xd3: {  	v21 =	vmul.f32 v55, v22;
	v48 =	vld [tilespmem:s28+$0xFFFFFFA0];
	v22 =	vmul.f32 v13, v20  }
0xd4: {  	v55 =	vmov v13;
	v6 =	vmul.f32 $3.000000000e+00, v6;
	v13 =	vmul.f32 v10, v7;
	v7 =	vld [tilespmem:$0x1FEB0]  }
0xd5: {  	vm1 =	vgt.f32 v61, $9.000000000e+00;
	[tilespmem:s23+$0xFFFFFF90] =	vst v21;
	v9 =	vmul.f32 v9, v53;
	v53 =	vmov v2;
	v2 =	vld [tilespmem:s28+$0x20]  }
0xd6: {  	[tilespmem:s24+$0xFFFFFF80] =	vst v22;
	v22 =	vnsel vm1, $0x3F800000, v6;
	v6 =	vld [tilespmem:s28+$0x30]  }
0xd7: {  	v50 =	vmov v3;
	v3 =	vld [tilespmem:s28+$0x40];
	v24 =	vperm.xlane v22, v27  }
0xd8: {  	v30 =	vld [tilespmem:$0x1FFE0];
	v19 =	vmov v23  }
0xd9: {  	v14 =	vperm.xlane v60, v18;
	[tilespmem:$0x1FED0] =	vst v19;
	v19 =	vld [tilespmem:s28+$0x50];
	v25 =	vmul.f32 v24, v7  }
0xda: {  	v33 =	vmov v17;
	v17 =	vld [tilespmem:s28+$0x60];
	v27 =	vadd.f32 v52, v57  }
0xdb: {  	v20 =	vld [tilespmem:s28+$0x70];
	v57 =	vmov v14;
	[tilespmem:s23+$0x70] =	vst v25;
	v25 =	vmul.f32 v2, v2;
	v14 =	vmul.f32 v6, v6;
	_ =	sdelay $0x1  }
0xdc: {  	v62 =	vperm.xlane v8, v30;
	v14 =	vadd.f32 v14, v25;
	v25 =	vld [tilespmem:$0x1FEA0];
	_ =	sdelay $0x1  }
0xdd: {  	v26 =	vld [tilespmem:$0x1FF80];
	v16 =	vadd.f32 v8, v62  }
0xde: {  	v28 =	vmov v18;
	v23 =	vmov v12;
	v21 =	vmul.f32 $3.000000000e+00, v9;
	v9 =	vld [tilespmem:s28+$0x0]  }
0xdf: {  	v18 =	vmul.f32 v12, v23;
	v54 =	vmul.f32 v1, v1;
	v12 =	vshra.s32 v16, $0x1;
	v52 =	vmovc v60;
	v60 =	vld [tilespmem:$0x1FF60];
	v7 =	vmovc v40  }
0xe0: {  	v62 =	vsub.s32 $0x5F3759DF, v12;
	v12 =	vmul.f32 v5, v5;
	[tilespmem:$0x1FF80] =	vst v7;
	v7 =	vld [tilespmem:s28+$0x10];
	v24 =	vmul.f32 v24, v25  }
0xe1: {  	vm3 =	vgt.f32 v41, $9.000000000e+00;
	v41 =	vmovc v44;
	vm2 =	vgt.f32 v59, $9.000000000e+00;
	v61 =	vmul.f32 v3, v3  }
0xe2: {  	v8 =	vmovc v42;
	v42 =	vmov v11;
	v12 =	vadd.f32 v54, v12;
	v54 =	vmul.f32 v19, v19;
	[tilespmem:s23+$0x60] =	vst v24;
	v24 =	vld [tilespmem:$0x1FF40]  }
0xe3: {  	v63 =	vmul.f32 v4, v4;
	v11 =	vmul.f32 v11, v42;
	v44 =	vmovc v16;
	vm1 =	vgt.f32 v47, $9.000000000e+00;
	v47 =	vmovc v56  }
0xe4: {  	v56 =	vperm.xlane v12, v0;
	v61 =	vadd.f32 v54, v61;
	v54 =	vmul.f32 $5.000000000e-01, v16;
	v25 =	vmovc v60;
	v60 =	vmovc v38  }
0xe5: {  	v11 =	vadd.f32 v18, v11;
	v16 =	vmul.f32 v9, v9;
	v18 =	vmul.f32 v7, v7;
	[tilespmem:$0x1FF60] =	vst v60;
	v60 =	vld [tilespmem:$0x1FF30]  }
0xe6: {  	v12 =	vadd.f32 v56, v12;
	v59 =	vperm.xlane v14, v0;
	[tilespmem:$0x1FEA0] =	vst v25;
	v25 =	vmul.f32 v48, v48  }
0xe7: {  	v56 =	vmul.f32 v17, v17;
	v16 =	vadd.f32 v18, v16;
	v18 =	vld [tilespmem:$0x1FE80];
	v38 =	vmovc v17;
	v17 =	vmov v24  }
0xe8: {  	[tilespmem:$0x1FE80] =	vst v17;
	v17 =	vadd.f32 v63, v25;
	v25 =	vld [tilespmem:$0x1FE70];
	_ =	sdelay $0x1  }
0xe9: {  	v15 =	vmul.f32 v15, v51;
	v22 =	vperm.xlane v22, v31;
	v14 =	vadd.f32 v59, v14;
	v59 =	vmovc v60;
	v60 =	vld [tilespmem:$0x1FFD0]  }
0xea: {  	v13 =	vmul.f32 $3.000000000e+00, v13  }
0xeb: {  	v15 =	vsub.f32 $1.500000000e+00, v15;
	v18 =	vmul.f32 v22, v18;
	v63 =	vperm.xlane v16, v0  }
0xec: {  	v22 =	vmul.f32 v22, v25;
	v25 =	vmul.f32 v62, v54  }
0xed: {  	v15 =	vmul.f32 v15, v51  }
0xee: {  	v16 =	vadd.f32 v63, v16;
	v63 =	vnsel vm2, $0x3F800000, v13;
	v60 =	vmovc v60;
	v13 =	vmul.f32 v62, v25  }
0xef: {  	v24 =	vmov v3;
	[tilespmem:$0x1FF30] =	vst v60;
	v60 =	vld [tilespmem:$0x1FFF0]  }
0xf0: {  	v15 =	vmul.f32 $3.000000000e+00, v15;
	[tilespmem:$0x1FFD0] =	vst v24;
	v24 =	vsub.f32 $1.500000000e+00, v13;
	v13 =	vld [tilespmem:$0x1FE90]  }
0xf1: {  	v29 =	vimm.s32 $0x8;
	[tilespmem:s23+$0x50] =	vst v18  }
0xf2: {  	v15 =	vnsel vm3, $0x3F800000, v15;
	v18 =	vperm.xlane v11, v0;
	[tilespmem:$0x1FE70] =	vst v59;
	v59 =	vperm.xlane v17, v0  }
0xf3: {  	[tilespmem:s23+$0x40] =	vst v22;
	v22 =	vperm.xlane v15, v31;
	v15 =	vperm.xlane v15, v29  }
0xf4: {  	[tilespmem:$0x1FEE0] =	vst v8;
	v8 =	vld [tilespmem:s28+$0xFFFFFFE0];
	v11 =	vadd.f32 v18, v11;
	v17 =	vadd.f32 v59, v17;
	v14 =	vsel vm0, v16, v14  }
0xf5: {  	v10 =	vld [tilespmem:s28+$0xFFFFFFF0];
	v16 =	vmov v34;
	v3 =	vperm.xlane v14, v60;
	v13 =	vmul.f32 v15, v13  }
0xf6: {  	[tilespmem:$0x1FF40] =	vst v16;
	v16 =	vsel vm0, v11, v17;
	v11 =	vperm.xlane v63, v29;
	v29 =	vld [tilespmem:$0x1FF50]  }
0xf7: {  	v34 =	vmovc v19;
	v19 =	vperm.xlane v16, v60;
	v25 =	vmov v45;
	v3 =	vadd.f32 v14, v3;
	[tilespmem:s23+$0xFFFFFFE0] =	vst v13;
	v13 =	vld [tilespmem:$0x1FEC0]  }
0xf8: {  	[tilespmem:$0x1FF50] =	vst v25;
	v25 =	vld [tilespmem:$0x1FE60]  }
0xf9: {  	v16 =	vadd.f32 v16, v19;
	v19 =	vperm.xlane v3, v28  }
0xfa: {  	v26 =	vmov v26;
	v18 =	vperm.xlane v61, v0  }
0xfb: {  	[tilespmem:$0x1FEB0] =	vst v26;
	v40 =	vmov v20;
	v3 =	vadd.f32 v3, v19;
	v19 =	vld [tilespmem:$0x1FE50]  }
0xfc: {  	v20 =	vmul.f32 v20, v40;
	v17 =	vadd.f32 v18, v61;
	v61 =	vmovc v29;
	v13 =	vmul.f32 v15, v13  }
0xfd: {  	v14 =	vperm.xlane v27, v30;
	[tilespmem:$0x1FE90] =	vst v61;
	v25 =	vmul.f32 v22, v25  }
0xfe: {  	v51 =	vmovc v58;
	v21 =	vnsel vm1, $0x3F800000, v21;
	v20 =	vadd.f32 v20, v56;
	[tilespmem:s23+$0xFFFFFFF0] =	vst v13;
	v13 =	vperm.xlane v3, v30  }
0xff: {  	v26 =	vmul.f32 v8, v8;
	v58 =	vmul.f32 v10, v10;
	v61 =	vadd.f32 v27, v14;
	[tilespmem:s23+$0xFFFFFFC0] =	vst v25  }
0x100: {  	v25 =	vperm.xlane v20, v0;
	v19 =	vmul.f32 v22, v19;
	v56 =	vadd.f32 v3, v13;
	v3 =	vmovc v32  }
0x101: {  	v18 =	vperm.xlane v21, v31;
	v22 =	vadd.f32 v58, v26;
	v15 =	vperm.xlane v16, v28;
	[tilespmem:$0x1FE50] =	vst v3;
	v3 =	vld [tilespmem:$0x1FF10]  }
0x102: {  	[tilespmem:s23+$0xFFFFFFD0] =	vst v19;
	v19 =	vadd.f32 v25, v20;
	v20 =	vshra.s32 v61, $0x1  }
0x103: {  	v14 =	vadd.f32 v16, v15;
	v15 =	vmul.f32 v18, v43;
	v16 =	vperm.xlane v22, v0  }
0x104: {  	s23 =	smov.u32 s24  }
0x105: {  	[tilespmem:s23+$0x10] =	vst v15;
	v15 =	vadd.f32 v16, v22  }
0x106: {  	v16 =	vsel vm0, v17, v19;
	v19 =	vsub.s32 $0x5F3759DF, v20;
	v20 =	vmovc v1;
	v17 =	vmul.f32 v18, v3;
	v3 =	vld [tilespmem:$0x1FFB0]  }
0x107: {  	[tilespmem:$0x1FFB0] =	vst v20;
	v20 =	vld [tilespmem:$0x1FFC0]  }
0x108: {  	v59 =	vmul.f32 v11, v49;
	v49 =	vmov v4;
	v4 =	vperm.xlane v14, v30  }
0x109: {  	v31 =	vld [tilespmem:$0x1FF20];
	s24 =	smov.u32 s25;
	v18 =	vshra.s32 v56, $0x1  }
0x10a: {  	[tilespmem:s24+$0xFFFFFFB0] =	vst v59;
	v59 =	vadd.f32 v14, v4;
	v4 =	vsub.s32 $0x5F3759DF, v18;
	v18 =	vld [tilespmem:$0x1FF70];
	_ =	sdelay $0x1  }
0x10b: {  	v13 =	vmul.f32 $5.000000000e-01, v61;
	v20 =	vmov v20;
	_ =	sdelay $0x1  }
0x10c: {  	v45 =	vmov v8;
	v8 =	vmul.f32 v19, v13;
	[tilespmem:s23+$0x0] =	vst v17;
	v17 =	vperm.xlane v16, v60  }
0x10d: {  	v29 =	vmovc v31;
	v12 =	vsel vm0, v12, v15;
	v31 =	vmovc v3;
	v3 =	vmul.f32 $5.000000000e-01, v56;
	[tilespmem:$0x1FF20] =	vst v20;
	v20 =	vmov v18  }
0x10e: {  	[tilespmem:$0x1FEC0] =	vst v20;
	v20 =	vperm.xlane v12, v60;
	v60 =	vadd.f32 v16, v17;
	v16 =	vmul.f32 v19, v8;
	v8 =	vld [tilespmem:$0x1FEF0]  }
0x10f: {  	v15 =	vmul.f32 v4, v3  }
0x110: {  	v27 =	vimm.s32 $0x8  }
0x111: {  	v14 =	vperm.xlane v21, v27;
	v15 =	vmul.f32 v4, v15  }
0x112: {  	v18 =	vmov v35  }
0x113: {  	v35 =	vmovc v10;
	v10 =	vmovc v36;
	v36 =	vmov v9;
	v9 =	vsub.f32 $1.500000000e+00, v15;
	v15 =	vmul.f32 v14, v8;
	v8 =	vld [tilespmem:$0x1FF00];
	_ =	sdelay $0x1  }
0x114: {  	v17 =	vld [tilespmem:$0x1FF90]  }
0x115: {  	[tilespmem:$0x1FE60] =	vst v29;
	v1 =	vmov v5  }
0x116: {  	[tilespmem:$0x1FFC0] =	vst v1  }
0x117: {  	v5 =	vshra.s32 v59, $0x1;
	[tilespmem:$0x1FF70] =	vst v18;
	v14 =	vmul.f32 v14, v8;
	v8 =	vmov v2  }
0x118: {  	s26 =	sadd.s32 $0x8, s26;
	v1 =	vmul.f32 $5.000000000e-01, v59;
	[tilespmem:$0x1FF90] =	vst v8;
	v8 =	vadd.f32 v12, v20;
	v12 =	vsub.f32 $1.500000000e+00, v16;
	v16 =	vld [tilespmem:$0x1FFA0]  }
0x119: {  	p0 =	slt.u32 s26, $0x4F8;
	v5 =	vsub.s32 $0x5F3759DF, v5;
	[tilespmem:$0x1FF10] =	vst v10;
	v17 =	vmov v17  }
.Ltmp0:
0x11a: {  	v10 =	vmul.f32 v5, v1;
	[tilespmem:$0x1FEF0] =	vst v17;
	(pc) =	sbr.rel @p0 .LBB2_3-.Ltmp0, $4  }
0x11b: {  	[tilespmem:s23+$0x20] =	vst v15;
	v2 =	vmov v6  }
0x11c: {  	v58 =	vmul.f32 v62, v24;
	v10 =	vmul.f32 v5, v10;
	[tilespmem:$0x1FFA0] =	vst v2  }
0x11d: {  	v43 =	vmovc v37;
	v37 =	vmovc v7;
	v22 =	vmov v33;
	v2 =	vmul.f32 v4, v9;
	[tilespmem:s23+$0x30] =	vst v14;
	v16 =	vmov v16  }
0x11e: {  	s25 =	smov.u32 s28;
	s28 =	sadd.s32 $0x100, s28;
	v18 =	vmovc v28;
	v7 =	vsub.f32 $1.500000000e+00, v10;
	v9 =	vperm.xlane v8, v28;
	v6 =	vmul.f32 v19, v12;
	[tilespmem:$0x1FF00] =	vst v16  }
0x11f: {  	_ = 	snop  }
0x120: {  	v4 =	vmul.f32 v6, v13;
	_ =	sdelay $0x1  }
0x121: {  	v4 =	vmul.f32 v4, v6  }
0x122: {  	v5 =	vmul.f32 v5, v7  }
0x123: {  	v7 =	vadd.f32 v8, v9;
	v9 =	vmul.f32 v53, v50;
	v4 =	vsub.f32 $1.500000000e+00, v4  }
0x124: {  	v10 =	vmul.f32 v5, v1  }
0x125: {  	v4 =	vmul.f32 v4, v6;
	v6 =	vmul.f32 v9, v53  }
0x126: {  	v50 =	vld [tilespmem:$0x1FFE0];
	v9 =	vmul.f32 v10, v5;
	v10 =	vmul.f32 v51, v46  }
0x127: {  	v30 =	vimm.s32 $0x0;
	vm1 =	vgt.f32 v61, $9.000000000e+00;
	v17 =	vld [tilespmem:$0x1FEB0]  }
0x128: {  	v20 =	vld [tilespmem:$0x1FEA0];
	v9 =	vsub.f32 $1.500000000e+00, v9;
	v4 =	vmul.f32 $3.000000000e+00, v4;
	v10 =	vmul.f32 v10, v51  }
0x129: {  	v14 =	vadd.f32 v52, v57;
	v8 =	vmul.f32 v11, v39;
	v11 =	vperm.xlane v63, v30  }
0x12a: {  	v4 =	vnsel vm1, $0x3F800000, v4;
	v5 =	vmul.f32 v9, v5;
	v9 =	vsub.f32 $1.500000000e+00, v10  }
0x12b: {  	v10 =	vperm.xlane v14, v50;
	v16 =	vperm.xlane v4, v27  }
0x12c: {  	vm2 =	vgt.f32 v41, $9.000000000e+00;
	v21 =	vld [tilespmem:$0x1FE70];
	v1 =	vperm.xlane v7, v50;
	v9 =	vmul.f32 v9, v51  }
0x12d: {  	v10 =	vadd.f32 v14, v10;
	v17 =	vmul.f32 v16, v17;
	v16 =	vmul.f32 v16, v20;
	v20 =	vld [tilespmem:$0x1FE80]  }
0x12e: {  	v1 =	vadd.f32 v7, v1;
	v7 =	vperm.xlane v60, v18;
	v9 =	vmul.f32 $3.000000000e+00, v9  }
0x12f: {  	v4 =	vperm.xlane v4, v30;
	v5 =	vmul.f32 $3.000000000e+00, v5;
	v18 =	vshra.s32 v10, $0x1  }
0x130: {  	v15 =	vld [tilespmem:$0x1FEE0];
	v19 =	vmul.f32 $5.000000000e-01, v10;
	v18 =	vsub.s32 $0x5F3759DF, v18;
	v9 =	vnsel vm2, $0x3F800000, v9  }
0x131: {  	vm2 =	vgt.f32 v59, $9.000000000e+00;
	v24 =	vperm.xlane v9, v30;
	v9 =	vperm.xlane v9, v27  }
0x132: {  	v32 =	vld [tilespmem:$0x1FE60];
	v5 =	vnsel vm2, $0x3F800000, v5;
	v20 =	vmul.f32 v4, v20;
	v4 =	vmul.f32 v4, v21  }
0x133: {  	v21 =	vmul.f32 v18, v19;
	v25 =	vperm.xlane v5, v27;
	v27 =	vld [tilespmem:$0x1FE90];
	[tilespmem:s24+$0xFFFFFFA0] =	vst v8  }
0x134: {  	v12 =	vmul.f32 v55, v22;
	v3 =	vmul.f32 v2, v3;
	v8 =	vld [tilespmem:$0x1FEC0]  }
0x135: {  	v15 =	vmul.f32 v11, v15;
	v6 =	vsub.f32 $1.500000000e+00, v6;
	v21 =	vmul.f32 v18, v21  }
0x136: {  	v3 =	vmul.f32 v3, v2;
	v13 =	vshra.s32 v1, $0x1;
	v14 =	vmul.f32 $5.000000000e-01, v1;
	[tilespmem:s23+$0xFFFFFF90] =	vst v12  }
0x137: {  	v6 =	vmul.f32 v6, v53;
	v13 =	vsub.s32 $0x5F3759DF, v13;
	v12 =	vld [tilespmem:$0x1FE50];
	[tilespmem:s24+$0xFFFFFF80] =	vst v15;
	v21 =	vsub.f32 $1.500000000e+00, v21  }
0x138: {  	v22 =	vmul.f32 v13, v14;
	[tilespmem:s23+$0x70] =	vst v17;
	v27 =	vmul.f32 v9, v27  }
0x139: {  	v29 =	vimm.s32 $0x8;
	v17 =	vld [tilespmem:$0x1FF10];
	[tilespmem:s23+$0x60] =	vst v16;
	v8 =	vmul.f32 v9, v8;
	v9 =	vmul.f32 v18, v21  }
0x13a: {  	v7 =	vadd.f32 v60, v7;
	v6 =	vmul.f32 $3.000000000e+00, v6;
	v22 =	vmul.f32 v13, v22;
	v21 =	vld [tilespmem:$0x1FEF0];
	[tilespmem:s23+$0x50] =	vst v20  }
0x13b: {  	vm1 =	vgt.f32 v47, $9.000000000e+00;
	v33 =	vmul.f32 v24, v32;
	v20 =	vld [tilespmem:$0x1FF00];
	[tilespmem:s23+$0x40] =	vst v4;
	v15 =	vmul.f32 v9, v19  }
0x13c: {  	v6 =	vnsel vm1, $0x3F800000, v6;
	v32 =	vmul.f32 v25, v49;
	[tilespmem:s23+$0xFFFFFFE0] =	vst v27;
	v19 =	vperm.xlane v7, v50  }
0x13d: {  	v26 =	vperm.xlane v6, v30;
	v16 =	vsub.f32 $1.500000000e+00, v22;
	[tilespmem:s23+$0xFFFFFFC0] =	vst v33;
	v15 =	vmul.f32 v15, v9  }
0x13e: {  	v6 =	vperm.xlane v6, v29;
	v12 =	vmul.f32 v24, v12;
	[tilespmem:s25+$0xFFFFFFB0] =	vst v32;
	v7 =	vadd.f32 v7, v19  }
0x13f: {  	v18 =	vmul.f32 v26, v43;
	v4 =	vmul.f32 v13, v16;
	[tilespmem:s23+$0xFFFFFFF0] =	vst v8;
	v15 =	vsub.f32 $1.500000000e+00, v15  }
0x140: {  	[tilespmem:s23+$0xFFFFFFD0] =	vst v12;
	v21 =	vmul.f32 v6, v21;
	v6 =	vmul.f32 v6, v20;
	v16 =	vshra.s32 v7, $0x1  }
0x141: {  	v20 =	vmul.f32 v58, v54;
	v9 =	vmul.f32 v15, v9;
	v15 =	vsub.s32 $0x5F3759DF, v16;
	v16 =	vld [tilespmem:$0x1FED0]  }
0x142: {  	v3 =	vsub.f32 $1.500000000e+00, v3;
	v17 =	vmul.f32 v26, v17  }
0x143: {  	v12 =	vmul.f32 v20, v58;
	[tilespmem:s24+$0x10] =	vst v18;
	v9 =	vmul.f32 $3.000000000e+00, v9  }
0x144: {  	v2 =	vmul.f32 v3, v2;
	vm1 =	vgt.f32 v10, $9.000000000e+00;
	v5 =	vperm.xlane v5, v30;
	[tilespmem:s24+$0x0] =	vst v17  }
0x145: {  	v13 =	vmul.f32 v25, v48;
	[tilespmem:s24+$0x30] =	vst v6;
	v3 =	vnsel vm1, $0x3F800000, v9;
	v9 =	vsub.f32 $1.500000000e+00, v12  }
0x146: {  	[tilespmem:s24+$0x20] =	vst v21;
	v11 =	vmul.f32 v11, v16  }
0x147: {  	v10 =	vmul.f32 v5, v42;
	v6 =	vmul.f32 v9, v58;
	v9 =	vld [tilespmem:$0x1FF80];
	[tilespmem:s25+$0xFFFFFFA0] =	vst v13  }
0x148: {  	[tilespmem:s24+$0xFFFFFF90] =	vst v11  }
0x149: {  	v11 =	vld [tilespmem:$0x1FF60];
	[tilespmem:s25+$0xFFFFFF80] =	vst v10  }
0x14a: {  	v27 =	vimm.s32 $0x8;
	v10 =	vld [tilespmem:$0x1FF40]  }
0x14b: {  	v12 =	vperm.xlane v3, v27;
	v13 =	vld [tilespmem:$0x1FF30];
	_ =	sdelay $0x1  }
0x14c: {  	v3 =	vperm.xlane v3, v30;
	v9 =	vmul.f32 v12, v9  }
0x14d: {  	v19 =	vmul.f32 $5.000000000e-01, v7;
	v11 =	vmul.f32 v12, v11  }
0x14e: {  	[tilespmem:s24+$0x70] =	vst v9;
	v10 =	vmul.f32 v3, v10  }
0x14f: {  	v8 =	vmul.f32 v15, v19;
	v3 =	vmul.f32 v3, v13;
	[tilespmem:s24+$0x60] =	vst v11  }
0x150: {  	[tilespmem:s24+$0x50] =	vst v10  }
0x151: {  	v8 =	vmul.f32 v15, v8;
	v6 =	vmul.f32 $3.000000000e+00, v6;
	v10 =	vld [tilespmem:$0x1FF50];
	[tilespmem:s24+$0x40] =	vst v3  }
0x152: {  	vm2 =	vgt.f32 v44, $9.000000000e+00;
	v3 =	vld [tilespmem:$0x1FF20]  }
0x153: {  	v8 =	vsub.f32 $1.500000000e+00, v8;
	v6 =	vnsel vm2, $0x3F800000, v6;
	v13 =	vmul.f32 v4, v14;
	v14 =	vld [tilespmem:$0x1FF70]  }
0x154: {  	v2 =	vmul.f32 $3.000000000e+00, v2;
	v9 =	vperm.xlane v6, v27  }
0x155: {  	v8 =	vmul.f32 v15, v8;
	v6 =	vperm.xlane v6, v30  }
0x156: {  	vm1 =	vgt.f32 v56, $9.000000000e+00;
	v10 =	vmul.f32 v9, v10  }
0x157: {  	v2 =	vnsel vm1, $0x3F800000, v2;
	v12 =	vmul.f32 v8, v19;
	v3 =	vmul.f32 v6, v3  }
0x158: {  	v11 =	vperm.xlane v2, v30;
	v9 =	vmul.f32 v9, v14;
	[tilespmem:s24+$0xFFFFFFE0] =	vst v10  }
0x159: {  	[tilespmem:s24+$0xFFFFFFC0] =	vst v3;
	v3 =	vmul.f32 v6, v31  }
0x15a: {  	v12 =	vmul.f32 v12, v8;
	v6 =	vmul.f32 v11, v37;
	[tilespmem:s24+$0xFFFFFFF0] =	vst v9  }
0x15b: {  	[tilespmem:s24+$0xFFFFFFD0] =	vst v3;
	v3 =	vmul.f32 v11, v36  }
0x15c: {  	v12 =	vsub.f32 $1.500000000e+00, v12;
	[tilespmem:s25+$0x10] =	vst v6  }
0x15d: {  	v6 =	vld [tilespmem:$0x1FFA0];
	[tilespmem:s25+$0x0] =	vst v3  }
0x15e: {  	v8 =	vmul.f32 v12, v8;
	v3 =	vld [tilespmem:$0x1FF90];
	_ =	sdelay $0x1  }
0x15f: {  	v2 =	vperm.xlane v2, v27;
	v8 =	vmul.f32 $3.000000000e+00, v8  }
0x160: {  	vm1 =	vgt.f32 v7, $9.000000000e+00  }
0x161: {  	v5 =	vmul.f32 v5, v23;
	v7 =	vnsel vm1, $0x3F800000, v8;
	v6 =	vmul.f32 v2, v6  }
0x162: {  	v2 =	vmul.f32 v2, v3;
	v3 =	vperm.xlane v7, v27  }
0x163: {  	[tilespmem:s25+$0xFFFFFF90] =	vst v5  }
0x164: {  	[tilespmem:s25+$0x20] =	vst v2;
	v2 =	vmul.f32 v3, v40  }
0x165: {  	[tilespmem:s25+$0x30] =	vst v6;
	v3 =	vmul.f32 v3, v38  }
0x166: {  	[tilespmem:s25+$0x70] =	vst v2  }
0x167: {  	[tilespmem:s25+$0x60] =	vst v3  }
0x168: {  	v3 =	vld [tilespmem:$0x1FFD0]  }
0x169: {  	v10 =	vmul.f32 v13, v4  }
0x16a: {  	vm1 =	vgt.f32 v1, $9.000000000e+00;
	v1 =	vperm.xlane v7, v30  }
0x16b: {  	v9 =	vsub.f32 $1.500000000e+00, v10  }
0x16c: {  	v2 =	vmul.f32 v1, v34  }
0x16d: {  	v4 =	vmul.f32 v9, v4;
	v1 =	vmul.f32 v1, v3  }
0x16e: {  	[tilespmem:s25+$0x50] =	vst v2  }
0x16f: {  	v4 =	vmul.f32 $3.000000000e+00, v4;
	[tilespmem:s25+$0x40] =	vst v1  }
0x170: {  	v1 =	vld [tilespmem:$0x1FFC0]  }
0x171: {  	v4 =	vnsel vm1, $0x3F800000, v4  }
0x172: {  	v5 =	vperm.xlane v4, v27  }
0x173: {  	v3 =	vperm.xlane v4, v30  }
0x174: {  	v2 =	vmul.f32 v5, v45  }
0x175: {  	v1 =	vmul.f32 v3, v1  }
0x176: {  	[tilespmem:s25+$0xFFFFFFE0] =	vst v2  }
0x177: {  	[tilespmem:s25+$0xFFFFFFC0] =	vst v1  }
0x178: {  	v1 =	vld [tilespmem:$0x1FFB0];
	_ =	sdelay $0x2  }
0x179: {  	s26 =	smul.u32 $0xA00, s21  }
0x17a: {  	v2 =	vmul.f32 v5, v35  }
0x17b: {  	s23 =	sadd.s32 s5, s26;
	v1 =	vmul.f32 v3, v1  }
0x17c: {  	s23 =	sshll.u32 s23, $0x2;
	[tilespmem:s25+$0xFFFFFFF0] =	vst v2  }
0x17d: {  	p0 =	seq.s32 s21, $0x9;
	s23 =	sadd.s32 s2, s23;
	[tilespmem:s25+$0xFFFFFFD0] =	vst v1  }
0x17e: {  	[hbm4b:s23+s3] =	stream.linear.scatter [tilespmem:s9], [sflag:$0x3], $0xA000, $0x38;
	[tilespmem:$0x1A400] =	vst v63  }
0x17f: {  	s23 =	simm.s32 @!p0 $0x3  }
0x180: {  	s24 =	smul.u32 @!p0 $0x2800, s21;
	_ =	swait.ge @!p0 [sflag:s23], $0xA000  }
0x181: {  	[sflag:s23] =	ssyncset.done @!p0 $0x0  }
0x182: {  	[sflag:s23] =	ssyncadd.s32 @!p0 $0xFFFF6000;
	s23 =	sshra.s32 @!p0 s24, $0x2  }
0x183: {  	s26 =	simm.s32 @!p0 $0x6400;
	s25 =	simm.s32 @!p0 $0x80;
	s24 =	sadd.s32 @!p0 $0xA00, s23  }
0x184: {  	[tilespmem:s26], [sflag:$0x1] =	stream.indirect.gather @!p0 [hbm4b:s4+s25], $0x20, s24, s25, $0xb8;
	[tilespmem:$0x1A400] =	vst v63  }
0x185: {  	s24 =	sadd.s32 @!p0 $0xA80, s23;
	s26 =	simm.s32 @!p0 $0x7400  }
0x186: {  	[tilespmem:s26], [sflag:$0x1] =	stream.indirect.gather @!p0 [hbm4b:s4+s25], $0x20, s24, s25, $0xb8;
	[tilespmem:$0x1A400] =	vst v63  }
0x187: {  	s24 =	sadd.s32 @!p0 $0xB00, s23;
	s26 =	simm.s32 @!p0 $0x8400  }
0x188: {  	[tilespmem:s26], [sflag:$0x1] =	stream.indirect.gather @!p0 [hbm4b:s4+s25], $0x20, s24, s25, $0xb8;
	[tilespmem:$0x1A400] =	vst v63  }
0x189: {  	s24 =	sadd.s32 @!p0 $0xB80, s23;
	s26 =	simm.s32 @!p0 $0x9400  }
0x18a: {  	[tilespmem:s26], [sflag:$0x1] =	stream.indirect.gather @!p0 [hbm4b:s4+s25], $0x20, s24, s25, $0xb8;
	[tilespmem:$0x1A400] =	vst v63  }
0x18b: {  	s24 =	sadd.s32 @!p0 $0xC00, s23;
	s26 =	simm.s32 @!p0 $0xA400  }
0x18c: {  	[tilespmem:s26], [sflag:$0x1] =	stream.indirect.gather @!p0 [hbm4b:s4+s25], $0x20, s24, s25, $0xb8;
	[tilespmem:$0x1A400] =	vst v63  }
0x18d: {  	s24 =	sadd.s32 @!p0 $0xC80, s23;
	s26 =	simm.s32 @!p0 $0xB400  }
0x18e: {  	[tilespmem:s26], [sflag:$0x1] =	stream.indirect.gather @!p0 [hbm4b:s4+s25], $0x20, s24, s25, $0xb8;
	[tilespmem:$0x1A400] =	vst v63  }
0x18f: {  	s24 =	sadd.s32 @!p0 $0xD00, s23;
	s26 =	simm.s32 @!p0 $0xC400  }
0x190: {  	[tilespmem:s26], [sflag:$0x1] =	stream.indirect.gather @!p0 [hbm4b:s4+s25], $0x20, s24, s25, $0xb8;
	[tilespmem:$0x1A400] =	vst v63  }
0x191: {  	s24 =	sadd.s32 @!p0 $0xD80, s23;
	s26 =	simm.s32 @!p0 $0xD400  }
0x192: {  	[tilespmem:s26], [sflag:$0x1] =	stream.indirect.gather @!p0 [hbm4b:s4+s25], $0x20, s24, s25, $0xb8;
	[tilespmem:$0x1A400] =	vst v63  }
0x193: {  	s24 =	sadd.s32 @!p0 $0xE00, s23;
	s26 =	simm.s32 @!p0 $0xE400  }
0x194: {  	[tilespmem:s26], [sflag:$0x1] =	stream.indirect.gather @!p0 [hbm4b:s4+s25], $0x20, s24, s25, $0xb8;
	[tilespmem:$0x1A400] =	vst v63  }
0x195: {  	s23 =	sadd.s32 @!p0 $0xE80, s23;
	s24 =	simm.s32 @!p0 $0xF400  }
0x196: {  	[tilespmem:s24], [sflag:$0x1] =	stream.indirect.gather @!p0 [hbm4b:s4+s25], $0x20, s23, s25, $0xb8;
	[tilespmem:$0x1A400] =	vst v63  }
0x197: {  	_ =	swait.ge [sflag:s17], $0x1000  }
0x198: {  	[sflag:s17] =	ssyncset.done $0x0  }
0x199: {  	[sflag:s17] =	ssyncadd.s32 $0xFFFFF000  }
0x19a: {  	_ =	swait.ge [sflag:s17], $0x1000  }
0x19b: {  	[sflag:s17] =	ssyncset.done $0x0  }
0x19c: {  	[sflag:s17] =	ssyncadd.s32 $0xFFFFF000  }
0x19d: {  	_ =	swait.ge [sflag:s17], $0x1000  }
0x19e: {  	[sflag:s17] =	ssyncset.done $0x0  }
0x19f: {  	[sflag:s17] =	ssyncadd.s32 $0xFFFFF000  }
0x1a0: {  	_ =	swait.ge [sflag:s17], $0x1000  }
0x1a1: {  	[sflag:s17] =	ssyncset.done $0x0  }
0x1a2: {  	[sflag:s17] =	ssyncadd.s32 $0xFFFFF000  }
0x1a3: {  	_ =	swait.ge [sflag:s17], $0x1000  }
0x1a4: {  	[sflag:s17] =	ssyncset.done $0x0  }
0x1a5: {  	[sflag:s17] =	ssyncadd.s32 $0xFFFFF000  }
0x1a6: {  	_ =	swait.ge [sflag:s17], $0x1000  }
0x1a7: {  	[sflag:s17] =	ssyncset.done $0x0  }
0x1a8: {  	[sflag:s17] =	ssyncadd.s32 $0xFFFFF000  }
0x1a9: {  	_ =	swait.ge [sflag:s17], $0x1000  }
0x1aa: {  	[sflag:s17] =	ssyncset.done $0x0  }
0x1ab: {  	[sflag:s17] =	ssyncadd.s32 $0xFFFFF000  }
0x1ac: {  	_ =	swait.ge [sflag:s17], $0x1000  }
0x1ad: {  	[sflag:s17] =	ssyncset.done $0x0  }
0x1ae: {  	[sflag:s17] =	ssyncadd.s32 $0xFFFFF000  }
0x1af: {  	_ =	swait.ge [sflag:s17], $0x1000  }
0x1b0: {  	[sflag:s17] =	ssyncset.done $0x0  }
0x1b1: {  	[sflag:s17] =	ssyncadd.s32 $0xFFFFF000  }
0x1b2: {  	_ =	swait.ge [sflag:s17], $0x1000  }
0x1b3: {  	[sflag:s17] =	ssyncset.done $0x0  }
0x1b4: {  	s23 =	simm.s32 $0x10480;
	[sflag:s17] =	ssyncadd.s32 $0xFFFFF000  }
0x1b5: {  	v5 =	vld [tilespmem:s23+$0xFFFFFF80];
	_ =	sdelay $0x3  }
0x1b6: {  	v2 =	vld [tilespmem:s23+$0xFFFFFFB0]  }
0x1b7: {  	v20 =	vld [tilespmem:s23+$0xFFFFFF90];
	[tilespmem:$0x1FE40] =	vst v5  }
0x1b8: {  	v1 =	vld [tilespmem:s23+$0xFFFFFFA0]  }
0x1b9: {  	v55 =	vld [tilespmem:s23+$0x20]  }
0x1ba: {  	v56 =	vld [tilespmem:s23+$0x0]  }
0x1bb: {  	v58 =	vld [tilespmem:s23+$0x30]  }
0x1bc: {  	v59 =	vld [tilespmem:s23+$0x10];
	_ =	sdelay $0x1  }
0x1bd: {  	v3 =	vmul.f32 v2, v2;
	v4 =	vmul.f32 v20, v20  }
0x1be: {  	v5 =	vmul.f32 v5, v5;
	v6 =	vmul.f32 v55, v55  }
0x1bf: {  	v7 =	vmul.f32 v56, v56;
	v8 =	vmul.f32 v1, v1  }
0x1c0: {  	v15 =	vld [tilespmem:$0x1FFF0];
	v9 =	vmul.f32 v58, v58;
	v10 =	vmul.f32 v59, v59  }
0x1c1: {  	v13 =	vld [tilespmem:s23+$0x40];
	v4 =	vadd.f32 v4, v5;
	v3 =	vadd.f32 v3, v8  }
0x1c2: {  	v14 =	vld [tilespmem:s23+$0xFFFFFFD0];
	v5 =	vadd.f32 v9, v6;
	v6 =	vadd.f32 v10, v7  }
0x1c3: {  	v11 =	vld [tilespmem:s23+$0xFFFFFFC0];
	v7 =	vperm.xlane v4, v0;
	v8 =	vperm.xlane v3, v0  }
0x1c4: {  	v17 =	vld [tilespmem:s23+$0x50];
	v9 =	vperm.xlane v5, v0;
	v10 =	vperm.xlane v6, v0  }
0x1c5: {  	v12 =	vld [tilespmem:s23+$0xFFFFFFE0];
	v4 =	vadd.f32 v7, v4;
	v3 =	vadd.f32 v8, v3  }
0x1c6: {  	v16 =	vld [tilespmem:s23+$0x60];
	v5 =	vadd.f32 v9, v5;
	v6 =	vadd.f32 v10, v6  }
0x1c7: {  	v19 =	vld [tilespmem:s23+$0x70];
	[tilespmem:$0x1FCC0] =	vst v14  }
0x1c8: {  	v3 =	vsel vm0, v4, v3;
	v4 =	vsel vm0, v6, v5;
	v6 =	vmul.f32 v14, v14;
	v14 =	vld [tilespmem:s23+$0xFFFFFFF0];
	[tilespmem:$0x1FCD0] =	vst v11  }
0x1c9: {  	[tilespmem:$0x1FCE0] =	vst v13  }
0x1ca: {  	v8 =	vmul.f32 v11, v11;
	[tilespmem:$0x1FCF0] =	vst v17;
	v5 =	vperm.xlane v3, v15  }
0x1cb: {  	v9 =	vmul.f32 v13, v13;
	[tilespmem:$0x1FD00] =	vst v12;
	v7 =	vperm.xlane v4, v15  }
0x1cc: {  	v10 =	vmul.f32 v12, v12;
	[tilespmem:$0x1FD10] =	vst v16;
	v6 =	vadd.f32 v6, v8;
	v3 =	vadd.f32 v3, v5  }
0x1cd: {  	[tilespmem:$0x1FD20] =	vst v19;
	v8 =	vmul.f32 v19, v19;
	v5 =	vmul.f32 v17, v17;
	v4 =	vadd.f32 v4, v7  }
0x1ce: {  	s24 =	simm.s32 $0x10580;
	v7 =	vmul.f32 v16, v16;
	v11 =	vperm.xlane v3, v28;
	[tilespmem:$0x1FD30] =	vst v14  }
0x1cf: {  	v12 =	vperm.xlane v4, v28;
	v5 =	vadd.f32 v5, v9;
	v9 =	vmul.f32 v14, v14;
	v14 =	vld [tilespmem:s24+$0xFFFFFF90]  }
0x1d0: {  	v7 =	vadd.f32 v8, v7;
	v19 =	vld [tilespmem:s24+$0xFFFFFF80];
	v3 =	vadd.f32 v3, v11;
	v11 =	vperm.xlane v6, v0  }
0x1d1: {  	v39 =	vld [tilespmem:s24+$0xFFFFFFA0];
	v4 =	vadd.f32 v4, v12;
	v8 =	vperm.xlane v5, v0;
	v9 =	vadd.f32 v9, v10  }
0x1d2: {  	v10 =	vperm.xlane v3, v50;
	v6 =	vadd.f32 v11, v6;
	v11 =	vperm.xlane v7, v0  }
0x1d3: {  	v60 =	vld [tilespmem:s24+$0xFFFFFFB0];
	v12 =	vperm.xlane v4, v50;
	v5 =	vadd.f32 v8, v5;
	v8 =	vperm.xlane v9, v0  }
0x1d4: {  	v21 =	vld [tilespmem:s24+$0x20];
	v10 =	vadd.f32 v3, v10;
	v7 =	vadd.f32 v11, v7  }
0x1d5: {  	v23 =	vld [tilespmem:s24+$0x30];
	v3 =	vadd.f32 v4, v12;
	v4 =	vadd.f32 v8, v9;
	[tilespmem:$0x1FD40] =	vst v14;
	v17 =	vmul.f32 v14, v14  }
0x1d6: {  	v22 =	vmul.f32 v39, v39;
	v25 =	vld [tilespmem:s24+$0x0];
	[tilespmem:$0x1FD50] =	vst v19;
	v19 =	vmul.f32 v19, v19;
	v8 =	vshra.s32 v10, $0x1  }
0x1d7: {  	v9 =	vmul.f32 $5.000000000e-01, v10;
	v11 =	vshra.s32 v3, $0x1;
	v6 =	vsel vm0, v6, v4  }
0x1d8: {  	v12 =	vmul.f32 $5.000000000e-01, v3;
	v8 =	vsub.s32 $0x5F3759DF, v8;
	v16 =	vperm.xlane v6, v15  }
0x1d9: {  	v4 =	vsel vm0, v5, v7;
	v43 =	vld [tilespmem:s24+$0x10];
	v11 =	vsub.s32 $0x5F3759DF, v11;
	v13 =	vmul.f32 v8, v9  }
0x1da: {  	v5 =	vperm.xlane v4, v15;
	v7 =	vmul.f32 v11, v12;
	v6 =	vadd.f32 v6, v16  }
0x1db: {  	[tilespmem:$0x1FD60] =	vst v21;
	v16 =	vmul.f32 v60, v60;
	v13 =	vmul.f32 v8, v13  }
0x1dc: {  	[tilespmem:$0x1FD70] =	vst v23;
	v7 =	vmul.f32 v11, v7;
	v24 =	vperm.xlane v6, v28  }
0x1dd: {  	v14 =	vld [tilespmem:s24+$0xFFFFFFD0];
	[tilespmem:$0x1FD80] =	vst v25;
	v25 =	vmul.f32 v25, v25;
	v16 =	vadd.f32 v16, v22;
	v13 =	vsub.f32 $1.500000000e+00, v13  }
0x1de: {  	v26 =	vmul.f32 v43, v43;
	v7 =	vsub.f32 $1.500000000e+00, v7;
	v6 =	vadd.f32 v6, v24  }
0x1df: {  	v24 =	vperm.xlane v16, v0;
	v8 =	vmul.f32 v8, v13;
	v13 =	vadd.f32 v17, v19  }
0x1e0: {  	vm1 =	vgt.f32 v10, $9.000000000e+00;
	v17 =	vmul.f32 v21, v21;
	v19 =	vmul.f32 v23, v23  }
0x1e1: {  	v7 =	vmul.f32 v11, v7;
	v16 =	vadd.f32 v24, v16;
	v22 =	vperm.xlane v13, v0  }
0x1e2: {  	v21 =	vld [tilespmem:s24+$0xFFFFFFC0];
	v24 =	vadd.f32 v26, v25;
	v26 =	vmul.f32 v14, v14;
	v9 =	vmul.f32 v8, v9  }
0x1e3: {  	v23 =	vld [tilespmem:s24+$0x50];
	v17 =	vadd.f32 v19, v17;
	v12 =	vmul.f32 v7, v12;
	v13 =	vadd.f32 v22, v13  }
0x1e4: {  	v4 =	vadd.f32 v4, v5;
	v19 =	vld [tilespmem:s24+$0x40];
	v22 =	vperm.xlane v6, v50;
	v9 =	vmul.f32 v9, v8  }
0x1e5: {  	v25 =	vperm.xlane v17, v0;
	v12 =	vmul.f32 v12, v7;
	v13 =	vsel vm0, v13, v16  }
0x1e6: {  	v38 =	vadd.f32 v6, v22;
	v6 =	vperm.xlane v24, v0;
	v22 =	vperm.xlane v13, v15  }
0x1e7: {  	[tilespmem:$0x1FD90] =	vst v14;
	v9 =	vsub.f32 $1.500000000e+00, v9;
	v17 =	vadd.f32 v25, v17;
	v25 =	vmul.f32 v21, v21  }
0x1e8: {  	v29 =	vmul.f32 v23, v23;
	v16 =	vld [tilespmem:s24+$0xFFFFFFE0];
	[tilespmem:$0x1FDA0] =	vst v21;
	v6 =	vadd.f32 v6, v24;
	v13 =	vadd.f32 v13, v22  }
0x1e9: {  	v21 =	vld [tilespmem:s24+$0x60];
	[tilespmem:$0x1FDB0] =	vst v19;
	v8 =	vmul.f32 v9, v8;
	v9 =	vadd.f32 v26, v25;
	v25 =	vmul.f32 v19, v19  }
0x1ea: {  	v11 =	vshra.s32 v38, $0x1;
	v19 =	vld [tilespmem:s24+$0x70];
	v6 =	vsel vm0, v6, v17;
	v24 =	vperm.xlane v13, v28  }
0x1eb: {  	v48 =	vmul.f32 $5.000000000e-01, v38;
	v17 =	vld [tilespmem:s24+$0xFFFFFFF0];
	v25 =	vadd.f32 v29, v25;
	v14 =	vperm.xlane v6, v15  }
0x1ec: {  	v11 =	vsub.s32 $0x5F3759DF, v11;
	v31 =	vperm.xlane v9, v0;
	v13 =	vadd.f32 v13, v24  }
0x1ed: {  	[tilespmem:$0x1FDC0] =	vst v23;
	v8 =	vmul.f32 $3.000000000e+00, v8;
	v41 =	vperm.xlane v25, v0;
	v6 =	vadd.f32 v6, v14  }
0x1ee: {  	[tilespmem:$0x1FDD0] =	vst v16;
	v9 =	vadd.f32 v31, v9;
	v14 =	vmul.f32 v21, v21;
	v29 =	vperm.xlane v13, v50  }
0x1ef: {  	[tilespmem:$0x1FDE0] =	vst v21;
	v8 =	vnsel vm1, $0x3F800000, v8;
	v40 =	vmul.f32 v19, v19;
	v31 =	vperm.xlane v6, v28  }
0x1f0: {  	v24 =	vmul.f32 v16, v16;
	[tilespmem:$0x1FE00] =	vst v19;
	v10 =	vmul.f32 v17, v17;
	v13 =	vadd.f32 v13, v29  }
0x1f1: {  	s25 =	simm.s32 $0x10680;
	[tilespmem:$0x1FDF0] =	vst v17;
	v14 =	vadd.f32 v40, v14;
	v29 =	vmul.f32 v11, v48;
	v6 =	vadd.f32 v6, v31  }
0x1f2: {  	v46 =	vld [tilespmem:s25+$0xFFFFFFB0];
	v10 =	vadd.f32 v10, v24;
	v24 =	vshra.s32 v13, $0x1;
	v31 =	vmul.f32 $5.000000000e-01, v13  }
0x1f3: {  	v33 =	vld [tilespmem:s25+$0x20];
	v32 =	vperm.xlane v14, v0;
	v52 =	vperm.xlane v6, v50;
	v16 =	vsub.s32 $0x5F3759DF, v24  }
0x1f4: {  	v25 =	vadd.f32 v41, v25;
	v24 =	vperm.xlane v10, v0;
	v53 =	vmul.f32 v16, v31  }
0x1f5: {  	v29 =	vmul.f32 v11, v29;
	v14 =	vadd.f32 v32, v14;
	v45 =	vadd.f32 v6, v52  }
0x1f6: {  	v6 =	vperm.xlane v8, v27;
	v10 =	vadd.f32 v24, v10;
	v24 =	vmul.f32 v16, v53  }
0x1f7: {  	v29 =	vsub.f32 $1.500000000e+00, v29;
	v63 =	vsel vm0, v25, v14;
	v40 =	vmul.f32 v46, v46  }
0x1f8: {  	v5 =	vmul.f32 v33, v33;
	v9 =	vsel vm0, v9, v10;
	v10 =	vsub.f32 $1.500000000e+00, v24  }
0x1f9: {  	v57 =	vmovc v50;
	v44 =	vperm.xlane v63, v15;
	v35 =	vshra.s32 v45, $0x1;
	v50 =	vmul.f32 $5.000000000e-01, v45  }
0x1fa: {  	v49 =	vld [tilespmem:s25+$0xFFFFFFA0];
	v17 =	vmul.f32 v6, v2;
	v35 =	vsub.s32 $0x5F3759DF, v35;
	v10 =	vmul.f32 v16, v10  }
0x1fb: {  	v41 =	vld [tilespmem:s25+$0xFFFFFF80];
	v51 =	vmul.f32 v11, v29;
	v54 =	vmul.f32 v35, v50  }
0x1fc: {  	v36 =	vld [tilespmem:s25+$0x10];
	v61 =	vperm.xlane v9, v15;
	v25 =	vmul.f32 v10, v31  }
0x1fd: {  	v34 =	vld [tilespmem:s25+$0x30];
	v19 =	vmul.f32 v6, v1;
	v62 =	vmul.f32 v35, v54  }
0x1fe: {  	v14 =	vld [tilespmem:s25+$0x0];
	v6 =	vsub.f32 $1.500000000e+00, v12;
	v9 =	vadd.f32 v9, v61;
	v47 =	vmul.f32 v25, v10  }
0x1ff: {  	v52 =	vadd.f32 v63, v44;
	v63 =	vmul.f32 v49, v49;
	v24 =	vld [tilespmem:s25+$0xFFFFFF90];
	v32 =	vsub.f32 $1.500000000e+00, v62  }
0x200: {  	v6 =	vmul.f32 v6, v7;
	v2 =	vperm.xlane v9, v28;
	v31 =	vld [tilespmem:s25+$0xFFFFFFD0];
	v11 =	vsub.f32 $1.500000000e+00, v47  }
0x201: {  	v61 =	vmul.f32 v36, v36;
	v53 =	vmul.f32 v35, v32;
	v32 =	vld [tilespmem:s25+$0xFFFFFFC0]  }
0x202: {  	v6 =	vmul.f32 $3.000000000e+00, v6;
	v9 =	vadd.f32 v9, v2;
	v7 =	vmul.f32 v11, v10  }
0x203: {  	vm2 =	vgt.f32 v3, $9.000000000e+00;
	v1 =	vld [tilespmem:s25+$0x40];
	[tilespmem:$0x1FE10] =	vst v14;
	v10 =	vmul.f32 v34, v34;
	v11 =	vmul.f32 v14, v14  }
0x204: {  	v62 =	vmul.f32 v41, v41;
	v12 =	vperm.xlane v9, v57;
	v47 =	vadd.f32 v40, v63;
	v14 =	vld [tilespmem:s25+$0x50]  }
0x205: {  	v2 =	vmul.f32 v24, v24;
	v5 =	vadd.f32 v10, v5;
	v11 =	vadd.f32 v61, v11  }
0x206: {  	v44 =	vadd.f32 v9, v12;
	v9 =	vmul.f32 v32, v32;
	v10 =	vmul.f32 v31, v31  }
0x207: {  	v2 =	vadd.f32 v2, v62;
	v12 =	vperm.xlane v5, v0;
	v35 =	vperm.xlane v11, v0  }
0x208: {  	v37 =	vperm.xlane v47, v0;
	v9 =	vadd.f32 v10, v9;
	v10 =	vmul.f32 v1, v1  }
0x209: {  	v16 =	vld [tilespmem:s25+$0x60];
	[tilespmem:$0x1FE20] =	vst v1;
	v3 =	vmul.f32 v14, v14;
	v5 =	vadd.f32 v12, v5;
	v11 =	vadd.f32 v35, v11  }
0x20a: {  	v42 =	vmovc v38;
	v6 =	vnsel vm2, $0x3F800000, v6;
	v40 =	vld [tilespmem:s25+$0x70];
	[tilespmem:$0x1FE30] =	vst v14;
	v12 =	vperm.xlane v2, v0;
	v38 =	vperm.xlane v9, v0  }
0x20b: {  	v54 =	vadd.f32 v37, v47;
	v47 =	vld [tilespmem:s25+$0xFFFFFFE0];
	v3 =	vadd.f32 v3, v10;
	v5 =	vsel vm0, v11, v5  }
0x20c: {  	v12 =	vadd.f32 v12, v2;
	v2 =	vadd.f32 v38, v9;
	v38 =	vld [tilespmem:s25+$0xFFFFFFF0];
	v10 =	vperm.xlane v5, v15  }
0x20d: {  	v62 =	vperm.xlane v6, v30  }
0x20e: {  	v11 =	vsel vm0, v12, v54;
	v12 =	vperm.xlane v4, v28;
	v5 =	vadd.f32 v5, v10  }
0x20f: {  	vm1 =	vgt.f32 v13, $9.000000000e+00;
	v54 =	vmul.f32 v16, v16;
	v35 =	vperm.xlane v11, v15  }
0x210: {  	v10 =	vmul.f32 v40, v40;
	v4 =	vadd.f32 v4, v12;
	v12 =	vperm.xlane v5, v28  }
0x211: {  	v13 =	vmul.f32 v47, v47;
	v11 =	vadd.f32 v11, v35;
	v35 =	vmul.f32 v38, v38  }
0x212: {  	v10 =	vadd.f32 v10, v54;
	v5 =	vadd.f32 v5, v12;
	v12 =	vperm.xlane v3, v0  }
0x213: {  	v54 =	vperm.xlane v4, v57;
	v13 =	vadd.f32 v35, v13;
	v35 =	vperm.xlane v11, v28  }
0x214: {  	v22 =	vmul.f32 v62, v56;
	v3 =	vadd.f32 v12, v3;
	v12 =	vperm.xlane v10, v0  }
0x215: {  	v61 =	vadd.f32 v4, v54;
	v1 =	vperm.xlane v5, v57;
	v4 =	vadd.f32 v11, v35  }
0x216: {  	v56 =	vperm.xlane v8, v30;
	v11 =	vperm.xlane v13, v0;
	v10 =	vadd.f32 v12, v10  }
0x217: {  	v54 =	vadd.f32 v5, v1;
	v5 =	vperm.xlane v6, v27;
	v6 =	vperm.xlane v4, v57  }
0x218: {  	v37 =	vmovc v16;
	v16 =	vmul.f32 v62, v59;
	v1 =	vadd.f32 v11, v13;
	v13 =	vmul.f32 $5.000000000e-01, v61  }
0x219: {  	v63 =	vsel vm0, v3, v10;
	v59 =	vadd.f32 v4, v6;
	v3 =	vmul.f32 $3.000000000e+00, v7;
	v4 =	vld [tilespmem:$0x1FE40]  }
0x21a: {  	v14 =	vmul.f32 v5, v55;
	v21 =	vmul.f32 v5, v58;
	v7 =	vshra.s32 v44, $0x1  }
0x21b: {  	v55 =	vmul.f32 $5.000000000e-01, v44;
	v62 =	vnsel vm1, $0x3F800000, v3;
	v3 =	vshra.s32 v54, $0x1  }
0x21c: {  	v9 =	vsub.s32 $0x5F3759DF, v7;
	v58 =	vsub.s32 $0x5F3759DF, v3;
	v3 =	vmul.f32 $5.000000000e-01, v54  }
0x21d: {  	v8 =	vshra.s32 v61, $0x1;
	v5 =	vmul.f32 v9, v55;
	v11 =	vperm.xlane v62, v27  }
0x21e: {  	v12 =	vmul.f32 v56, v4;
	v4 =	vsub.s32 $0x5F3759DF, v8;
	v8 =	vmul.f32 v58, v3  }
0x21f: {  	[tilespmem:s23+$0xFFFFFFB0] =	vst v17;
	v6 =	vsel vm0, v2, v1;
	v1 =	vmul.f32 $5.000000000e-01, v59;
	v7 =	vmul.f32 v4, v13  }
0x220: {  	[tilespmem:s23+$0xFFFFFFA0] =	vst v19;
	v2 =	vshra.s32 v59, $0x1;
	v60 =	vmul.f32 v11, v60;
	v8 =	vmul.f32 v58, v8  }
0x221: {  	[tilespmem:s23+$0xFFFFFF80] =	vst v12;
	v12 =	vmul.f32 v9, v5;
	v5 =	vsub.s32 $0x5F3759DF, v2;
	v2 =	vmul.f32 v4, v7  }
0x222: {  	[tilespmem:s23+$0x10] =	vst v16;
	v35 =	vmul.f32 v5, v1;
	v57 =	vsub.f32 $1.500000000e+00, v8;
	v8 =	vperm.xlane v6, v15  }
0x223: {  	[tilespmem:s23+$0x0] =	vst v22;
	v7 =	vperm.xlane v63, v15;
	v12 =	vsub.f32 $1.500000000e+00, v12;
	v10 =	vsub.f32 $1.500000000e+00, v2  }
0x224: {  	[tilespmem:s23+$0x30] =	vst v21;
	v35 =	vmul.f32 v5, v35;
	v8 =	vadd.f32 v6, v8;
	v2 =	vmul.f32 v58, v57  }
0x225: {  	[tilespmem:s24+$0xFFFFFFB0] =	vst v60;
	v60 =	vadd.f32 v63, v7;
	v58 =	vmul.f32 v9, v12;
	v57 =	vperm.xlane v52, v28  }
0x226: {  	s28 =	simm.s32 $0x10780;
	v18 =	vmovc v28;
	s26 =	simm.s32 $0x10;
	[tilespmem:s23+$0x20] =	vst v14;
	v6 =	vmul.f32 v4, v10;
	v9 =	vsub.f32 $1.500000000e+00, v35;
	v7 =	vperm.xlane v8, v28  }
.LBB2_5:
0x227: {  	_ =	sdelay $0x2  }
0x228: {  	v10 =	vmul.f32 v53, v50;
	v12 =	vld [tilespmem:s28+$0xFFFFFF90];
	v9 =	vmul.f32 v5, v9  }
0x229: {  	v4 =	vld [tilespmem:s28+$0xFFFFFFB0];
	v7 =	vadd.f32 v8, v7;
	v5 =	vmul.f32 v6, v13;
	v8 =	vmul.f32 v11, v39  }
0x22a: {  	v30 =	vld [tilespmem:$0x1FFE0];
	v10 =	vmul.f32 v10, v53;
	v11 =	vmov v49  }
0x22b: {  	v49 =	vmul.f32 v5, v6;
	v5 =	vld [tilespmem:s28+$0xFFFFFFD0];
	[tilespmem:$0x1FCB0] =	vst v11  }
0x22c: {  	v14 =	vperm.xlane v60, v18;
	v19 =	vsub.f32 $1.500000000e+00, v10;
	v11 =	vld [tilespmem:s28+$0xFFFFFF80];
	[tilespmem:s24+$0xFFFFFFA0] =	vst v8  }
0x22d: {  	v15 =	vmul.f32 v51, v48;
	v13 =	vmul.f32 v9, v1;
	v1 =	vld [tilespmem:s28+$0xFFFFFFC0];
	v8 =	vmovc v24;
	v24 =	vmov v12  }
0x22e: {  	v18 =	vmul.f32 v19, v53;
	v19 =	vmul.f32 v12, v24;
	v12 =	vld [tilespmem:$0x1FD50]  }
0x22f: {  	v50 =	vmovc v3;
	v48 =	vmovc v55;
	v21 =	vmul.f32 v56, v20;
	v39 =	vmov v36;
	v63 =	vperm.xlane v7, v30  }
0x230: {  	v36 =	vmovc v34;
	v34 =	vmovc v33;
	v33 =	vmov v31;
	v31 =	vimm.s32 $0x0;
	v55 =	vsub.f32 $1.500000000e+00, v49  }
0x231: {  	v3 =	vld [tilespmem:s28+$0x40];
	v10 =	vmul.f32 v13, v9;
	v13 =	vperm.xlane v62, v31;
	v16 =	vadd.f32 v7, v63;
	v7 =	vmovc v41  }
0x232: {  	v20 =	vld [tilespmem:s28+$0x50];
	v6 =	vmul.f32 v55, v6;
	[tilespmem:$0x1FD50] =	vst v7;
	v7 =	vmul.f32 v5, v5  }
0x233: {  	v17 =	vld [tilespmem:$0x1FD40];
	v56 =	vmov v13;
	v12 =	vmul.f32 v13, v12;
	v13 =	vmul.f32 v1, v1  }
0x234: {  	v53 =	vmov v2;
	v2 =	vld [tilespmem:s28+$0x20]  }
0x235: {  	v6 =	vmul.f32 $3.000000000e+00, v6;
	v13 =	vadd.f32 v7, v13;
	v7 =	vld [tilespmem:$0x1FD20]  }
0x236: {  	vm1 =	vgt.f32 v61, $9.000000000e+00;
	v49 =	vld [tilespmem:s28+$0xFFFFFFA0]  }
0x237: {  	v23 =	vmul.f32 v20, v20;
	[tilespmem:s23+$0xFFFFFF90] =	vst v21;
	v61 =	vnsel vm1, $0x3F800000, v6;
	v6 =	vld [tilespmem:s28+$0x30]  }
0x238: {  	v22 =	vperm.xlane v61, v27;
	[tilespmem:s24+$0xFFFFFF80] =	vst v12;
	v12 =	vmul.f32 v3, v3  }
0x239: {  	vm1 =	vgt.f32 v45, $9.000000000e+00;
	v45 =	vmov v54;
	v54 =	vperm.xlane v13, v0  }
0x23a: {  	v23 =	vadd.f32 v23, v12;
	v25 =	vmul.f32 v22, v7  }
0x23b: {  	v35 =	vmov v17;
	v17 =	vld [tilespmem:s28+$0x60];
	v12 =	vadd.f32 v54, v13;
	v54 =	vadd.f32 v52, v57  }
0x23c: {  	v21 =	vld [tilespmem:s28+$0x70];
	v57 =	vmov v14;
	v14 =	vmul.f32 v6, v6;
	[tilespmem:s23+$0x70] =	vst v25;
	v25 =	vmul.f32 v2, v2;
	_ =	sdelay $0x1  }
0x23d: {  	v14 =	vadd.f32 v14, v25;
	v25 =	vld [tilespmem:$0x1FD10]  }
0x23e: {  	v10 =	vsub.f32 $1.500000000e+00, v10  }
0x23f: {  	v26 =	vld [tilespmem:$0x1FE00]  }
0x240: {  	v55 =	vmul.f32 v10, v9;
	v9 =	vld [tilespmem:s28+$0x0]  }
0x241: {  	v52 =	vmov v60;
	v60 =	vld [tilespmem:$0x1FDE0];
	v7 =	vmov v40  }
0x242: {  	[tilespmem:$0x1FE00] =	vst v7;
	v7 =	vld [tilespmem:s28+$0x10];
	v22 =	vmul.f32 v22, v25;
	_ =	sdelay $0x1  }
0x243: {  	vm3 =	vgt.f32 v42, $9.000000000e+00;
	v62 =	vmul.f32 v4, v4;
	v41 =	vmov v11;
	[tilespmem:s23+$0x60] =	vst v22;
	v22 =	vld [tilespmem:$0x1FDC0]  }
0x244: {  	vm2 =	vgt.f32 v59, $9.000000000e+00;
	v11 =	vmul.f32 v11, v41;
	v27 =	vmul.f32 $3.000000000e+00, v55  }
0x245: {  	v42 =	vmovc v44;
	[tilespmem:$0x1FD40] =	vst v8;
	v8 =	vshra.s32 v16, $0x1;
	v44 =	vmovc v16;
	v55 =	vmul.f32 $5.000000000e-01, v16;
	v59 =	vperm.xlane v61, v31  }
0x246: {  	v11 =	vadd.f32 v19, v11;
	v16 =	vmul.f32 v9, v9;
	v19 =	vmul.f32 v7, v7;
	v25 =	vmovc v60  }
0x247: {  	v61 =	vld [tilespmem:$0x1FDB0];
	v13 =	vmul.f32 v17, v17;
	v60 =	vmov v37;
	[tilespmem:$0x1FD10] =	vst v25;
	v25 =	vmul.f32 v49, v49  }
0x248: {  	v16 =	vadd.f32 v19, v16;
	v19 =	vld [tilespmem:$0x1FCF0];
	v37 =	vmovc v17;
	[tilespmem:$0x1FDE0] =	vst v60;
	v60 =	vperm.xlane v14, v0;
	v17 =	vmov v22  }
0x249: {  	v15 =	vmul.f32 v15, v51;
	[tilespmem:$0x1FCF0] =	vst v17;
	v17 =	vadd.f32 v62, v25;
	v25 =	vld [tilespmem:$0x1FCE0];
	_ =	sdelay $0x1  }
0x24a: {  	v15 =	vsub.f32 $1.500000000e+00, v15  }
0x24b: {  	v14 =	vadd.f32 v60, v14;
	v60 =	vmov v61  }
0x24c: {  	v15 =	vmul.f32 v15, v51;
	[tilespmem:$0x1FCE0] =	vst v60;
	v60 =	vperm.xlane v17, v0  }
0x24d: {  	v22 =	vperm.xlane v16, v0;
	v25 =	vmul.f32 v59, v25  }
0x24e: {  	v19 =	vmul.f32 v59, v19;
	v17 =	vadd.f32 v60, v17;
	v60 =	vld [tilespmem:$0x1FFF0]  }
0x24f: {  	v15 =	vmul.f32 $3.000000000e+00, v15;
	v62 =	vadd.f32 v22, v16  }
0x250: {  	v29 =	vimm.s32 $0x8;
	v18 =	vmul.f32 $3.000000000e+00, v18;
	v61 =	vld [tilespmem:$0x1FE20];
	[tilespmem:s23+$0x50] =	vst v19;
	v19 =	vperm.xlane v11, v0  }
0x251: {  	v15 =	vnsel vm3, $0x3F800000, v15;
	v14 =	vsel vm0, v62, v14;
	v62 =	vnsel vm2, $0x3F800000, v27;
	v27 =	vld [tilespmem:$0x1FE30];
	[tilespmem:s23+$0x40] =	vst v25;
	v25 =	vmovc v20  }
0x252: {  	v11 =	vadd.f32 v19, v11;
	v19 =	vperm.xlane v23, v0;
	v22 =	vperm.xlane v15, v31;
	[tilespmem:$0x1FE30] =	vst v25;
	v25 =	vld [tilespmem:$0x1FD00]  }
0x253: {  	v18 =	vnsel vm1, $0x3F800000, v18;
	v15 =	vperm.xlane v15, v29;
	v16 =	vmovc v3;
	v3 =	vperm.xlane v14, v60  }
0x254: {  	v19 =	vadd.f32 v19, v23;
	v17 =	vsel vm0, v11, v17;
	v11 =	vperm.xlane v62, v29;
	v29 =	vld [tilespmem:$0x1FDD0]  }
0x255: {  	v20 =	vperm.xlane v18, v31;
	v23 =	vperm.xlane v17, v60;
	v31 =	vld [tilespmem:$0x1FDA0];
	v3 =	vadd.f32 v14, v3  }
0x256: {  	v61 =	vmov v61;
	v27 =	vmov v27  }
0x257: {  	v10 =	vld [tilespmem:s28+$0xFFFFFFF0];
	[tilespmem:$0x1FDB0] =	vst v61;
	v17 =	vadd.f32 v17, v23;
	v23 =	vperm.xlane v3, v28;
	v25 =	vmul.f32 v15, v25  }
0x258: {  	v63 =	vsub.s32 $0x5F3759DF, v8;
	v8 =	vld [tilespmem:s28+$0xFFFFFFE0];
	[tilespmem:$0x1FDC0] =	vst v27  }
0x259: {  	v27 =	vmov v47;
	v3 =	vadd.f32 v3, v23;
	[tilespmem:s23+$0xFFFFFFE0] =	vst v25;
	v25 =	vld [tilespmem:$0x1FD30]  }
0x25a: {  	v61 =	vmov v29;
	[tilespmem:$0x1FDD0] =	vst v27;
	v29 =	vmov v31  }
0x25b: {  	v14 =	vperm.xlane v54, v30;
	v27 =	vld [tilespmem:$0x1FCD0];
	[tilespmem:$0x1FCD0] =	vst v29;
	v29 =	vperm.xlane v3, v30  }
0x25c: {  	v23 =	vld [tilespmem:$0x1FCC0]  }
0x25d: {  	[tilespmem:$0x1FD00] =	vst v61;
	v61 =	vadd.f32 v54, v14;
	v54 =	vadd.f32 v3, v29;
	v3 =	vld [tilespmem:$0x1FD90]  }
0x25e: {  	v40 =	vmov v21;
	v15 =	vmul.f32 v15, v25  }
0x25f: {  	v21 =	vmul.f32 v21, v40  }
0x260: {  	v26 =	vmov v26;
	v51 =	vmov v58  }
0x261: {  	v58 =	vmul.f32 v10, v10;
	[tilespmem:$0x1FD20] =	vst v26;
	v26 =	vmul.f32 v8, v8;
	v13 =	vadd.f32 v21, v13  }
0x262: {  	v27 =	vmul.f32 v22, v27;
	v22 =	vmul.f32 v22, v23;
	[tilespmem:s23+$0xFFFFFFF0] =	vst v15;
	v15 =	vmov v3;
	v3 =	vld [tilespmem:$0x1FD80]  }
0x263: {  	v23 =	vadd.f32 v58, v26;
	v26 =	vperm.xlane v13, v0;
	v25 =	vperm.xlane v17, v28;
	_ =	sdelay $0x1  }
0x264: {  	[tilespmem:s23+$0xFFFFFFC0] =	vst v27;
	v14 =	vadd.f32 v17, v25;
	v17 =	vmul.f32 v20, v43;
	v25 =	vadd.f32 v26, v13  }
0x265: {  	[tilespmem:s23+$0xFFFFFFD0] =	vst v22;
	s23 =	smov.u32 s24  }
0x266: {  	[tilespmem:s23+$0x10] =	vst v17;
	v17 =	vsel vm0, v19, v25;
	v19 =	vmul.f32 v20, v3;
	_ =	sdelay $0x1  }
0x267: {  	v22 =	vperm.xlane v23, v0;
	[tilespmem:s23+$0x0] =	vst v19;
	v19 =	vld [tilespmem:$0x1FDF0];
	_ =	sdelay $0x1  }
0x268: {  	v59 =	vmul.f32 v63, v55;
	[tilespmem:$0x1FCC0] =	vst v15;
	v15 =	vadd.f32 v22, v23;
	v22 =	vshra.s32 v54, $0x1  }
0x269: {  	v21 =	vmul.f32 v11, v46;
	v46 =	vmov v4;
	v4 =	vperm.xlane v14, v30  }
0x26a: {  	[tilespmem:$0x1FE20] =	vst v16;
	v3 =	vmov v33  }
0x26b: {  	v16 =	vmul.f32 v63, v59;
	v59 =	vadd.f32 v14, v4;
	v4 =	vsub.s32 $0x5F3759DF, v22;
	[tilespmem:$0x1FD90] =	vst v3;
	v22 =	vmovc v19  }
0x26c: {  	v47 =	vmov v8;
	v8 =	vmov v9;
	v3 =	vmul.f32 $5.000000000e-01, v54;
	[tilespmem:$0x1FD30] =	vst v22;
	v22 =	vld [tilespmem:$0x1FE10]  }
0x26d: {  	[tilespmem:$0x1FE10] =	vst v8;
	v8 =	vld [tilespmem:$0x1FD60]  }
0x26e: {  	v12 =	vsel vm0, v12, v15;
	v15 =	vmul.f32 v4, v3  }
0x26f: {  	v27 =	vimm.s32 $0x8  }
0x270: {  	v14 =	vperm.xlane v18, v27;
	v15 =	vmul.f32 v4, v15  }
0x271: {  	v16 =	vsub.f32 $1.500000000e+00, v16;
	s24 =	smov.u32 s25;
	v13 =	vmul.f32 $5.000000000e-01, v61  }
0x272: {  	v31 =	vmovc v5;
	v5 =	vmovc v32;
	[tilespmem:s24+$0xFFFFFFB0] =	vst v21;
	v21 =	vshra.s32 v61, $0x1;
	v9 =	vsub.f32 $1.500000000e+00, v15;
	v15 =	vmul.f32 v14, v8;
	v8 =	vld [tilespmem:$0x1FD70]  }
0x273: {  	[tilespmem:$0x1FDA0] =	vst v5;
	v21 =	vsub.s32 $0x5F3759DF, v21;
	v23 =	vperm.xlane v17, v60;
	v5 =	vshra.s32 v59, $0x1  }
0x274: {  	s26 =	sadd.s32 $0x8, s26;
	v32 =	vmovc v1;
	v25 =	vmul.f32 v21, v13;
	v1 =	vmul.f32 $5.000000000e-01, v59;
	v5 =	vsub.s32 $0x5F3759DF, v5;
	v19 =	vmovc v38  }
0x275: {  	p0 =	slt.u32 s26, $0x4F8;
	v33 =	vmovc v2;
	v2 =	vmovc v36;
	v38 =	vmov v10;
	[tilespmem:$0x1FDF0] =	vst v19;
	v19 =	vperm.xlane v12, v60;
	v10 =	vmov v22  }
.Ltmp1:
0x276: {  	v60 =	vadd.f32 v17, v23;
	v17 =	vmul.f32 v21, v25;
	[tilespmem:$0x1FD80] =	vst v10;
	v10 =	vmul.f32 v5, v1;
	(pc) =	sbr.rel @p0 .LBB2_5-.Ltmp1, $4  }
0x277: {  	v58 =	vmul.f32 v63, v16;
	[tilespmem:$0x1FD70] =	vst v2;
	v14 =	vmul.f32 v14, v8;
	v8 =	vmov v34  }
0x278: {  	v10 =	vmul.f32 v5, v10;
	[tilespmem:$0x1FD60] =	vst v8;
	v8 =	vadd.f32 v12, v19;
	v12 =	vsub.f32 $1.500000000e+00, v17  }
0x279: {  	v43 =	vmovc v39;
	v18 =	vmovc v28;
	v20 =	vmov v35;
	v36 =	vmov v7;
	v2 =	vmul.f32 v4, v9;
	[tilespmem:s23+$0x20] =	vst v15  }
0x27a: {  	s25 =	smov.u32 s28;
	v39 =	vld [tilespmem:$0x1FCB0];
	s28 =	sadd.s32 $0x100, s28;
	v34 =	vmovc v6;
	v9 =	vsub.f32 $1.500000000e+00, v10;
	[tilespmem:s23+$0x30] =	vst v14;
	v7 =	vperm.xlane v8, v28;
	v6 =	vmul.f32 v21, v12  }
0x27b: {  	_ =	sdelay $0x1  }
0x27c: {  	v10 =	vmul.f32 v53, v50  }
0x27d: {  	v4 =	vmul.f32 v6, v13  }
0x27e: {  	v50 =	vmul.f32 v10, v53;
	v63 =	vmul.f32 v11, v39;
	v39 =	vld [tilespmem:$0x1FFE0]  }
0x27f: {  	v5 =	vmul.f32 v5, v9;
	v4 =	vmul.f32 v4, v6  }
0x280: {  	v9 =	vsub.f32 $1.500000000e+00, v50  }
0x281: {  	v12 =	vadd.f32 v52, v57;
	v1 =	vmul.f32 v5, v1;
	v4 =	vsub.f32 $1.500000000e+00, v4  }
0x282: {  	v50 =	vmul.f32 v51, v48;
	v9 =	vmul.f32 v9, v53  }
0x283: {  	v4 =	vmul.f32 v4, v6;
	v53 =	vperm.xlane v12, v39  }
0x284: {  	v16 =	vld [tilespmem:$0x1FD20];
	v7 =	vadd.f32 v8, v7;
	v1 =	vmul.f32 v1, v5  }
0x285: {  	v6 =	vmul.f32 v50, v51;
	v4 =	vmul.f32 $3.000000000e+00, v4;
	v8 =	vadd.f32 v12, v53;
	v12 =	vld [tilespmem:$0x1FD10]  }
0x286: {  	vm1 =	vgt.f32 v61, $9.000000000e+00;
	v1 =	vsub.f32 $1.500000000e+00, v1  }
0x287: {  	v6 =	vsub.f32 $1.500000000e+00, v6;
	v4 =	vnsel vm1, $0x3F800000, v4  }
0x288: {  	v5 =	vmul.f32 v1, v5;
	v1 =	vperm.xlane v4, v27  }
0x289: {  	v6 =	vmul.f32 v6, v51  }
0x28a: {  	v16 =	vmul.f32 v1, v16;
	v12 =	vmul.f32 v1, v12;
	v1 =	vld [tilespmem:$0x1FCF0]  }
0x28b: {  	v35 =	vmul.f32 v56, v20;
	v19 =	vld [tilespmem:$0x1FCE0]  }
0x28c: {  	v30 =	vimm.s32 $0x0;
	v13 =	vperm.xlane v60, v18;
	v6 =	vmul.f32 $3.000000000e+00, v6  }
0x28d: {  	v15 =	vperm.xlane v62, v30;
	vm1 =	vgt.f32 v42, $9.000000000e+00;
	v4 =	vperm.xlane v4, v30  }
0x28e: {  	v23 =	vld [tilespmem:$0x1FCD0];
	v14 =	vperm.xlane v7, v39;
	v18 =	vmul.f32 $5.000000000e-01, v8;
	v6 =	vnsel vm1, $0x3F800000, v6  }
0x28f: {  	v25 =	vld [tilespmem:$0x1FCC0];
	v20 =	vperm.xlane v6, v27;
	v17 =	vmul.f32 v4, v1;
	v1 =	vshra.s32 v8, $0x1  }
0x290: {  	v57 =	vld [tilespmem:$0x1FD00];
	v4 =	vmul.f32 v4, v19;
	v19 =	vsub.s32 $0x5F3759DF, v1;
	v1 =	vadd.f32 v7, v14  }
0x291: {  	v26 =	vld [tilespmem:$0x1FD50];
	v6 =	vperm.xlane v6, v30;
	v21 =	vmul.f32 v19, v18  }
0x292: {  	v22 =	vld [tilespmem:$0x1FD30];
	v56 =	vmul.f32 $3.000000000e+00, v9;
	[tilespmem:s24+$0xFFFFFFA0] =	vst v63;
	v61 =	vshra.s32 v1, $0x1;
	v62 =	vmul.f32 $5.000000000e-01, v1  }
0x293: {  	[tilespmem:s23+$0xFFFFFF90] =	vst v35;
	v23 =	vmul.f32 v6, v23;
	v14 =	vmul.f32 v19, v21;
	v21 =	vsub.s32 $0x5F3759DF, v61  }
0x294: {  	v11 =	vld [tilespmem:$0x1FD80];
	v6 =	vmul.f32 v6, v25;
	v25 =	vmul.f32 v21, v62  }
0x295: {  	vm1 =	vgt.f32 v45, $9.000000000e+00;
	v14 =	vsub.f32 $1.500000000e+00, v14  }
0x296: {  	v26 =	vmul.f32 v15, v26;
	v7 =	vnsel vm1, $0x3F800000, v56;
	v25 =	vmul.f32 v21, v25  }
0x297: {  	v14 =	vmul.f32 v19, v14;
	v19 =	vperm.xlane v7, v30  }
0x298: {  	[tilespmem:s24+$0xFFFFFF80] =	vst v26  }
0x299: {  	v27 =	vmul.f32 v19, v43;
	v11 =	vmul.f32 v19, v11;
	v19 =	vsub.f32 $1.500000000e+00, v25;
	v25 =	vld [tilespmem:$0x1FD60];
	[tilespmem:s23+$0x70] =	vst v16  }
0x29a: {  	v5 =	vmul.f32 $3.000000000e+00, v5;
	v16 =	vld [tilespmem:$0x1FD70]  }
0x29b: {  	v29 =	vimm.s32 $0x8;
	v9 =	vmul.f32 v20, v57;
	vm1 =	vgt.f32 v59, $9.000000000e+00  }
0x29c: {  	v5 =	vnsel vm1, $0x3F800000, v5;
	v7 =	vperm.xlane v7, v29;
	v63 =	vmul.f32 v14, v18;
	[tilespmem:s23+$0x60] =	vst v12  }
0x29d: {  	v13 =	vadd.f32 v60, v13;
	v20 =	vmul.f32 v20, v22;
	v18 =	vperm.xlane v5, v29;
	[tilespmem:s23+$0x50] =	vst v17  }
0x29e: {  	[tilespmem:s23+$0x40] =	vst v4;
	v10 =	vmul.f32 v63, v14;
	v25 =	vmul.f32 v7, v25  }
0x29f: {  	[tilespmem:s23+$0xFFFFFFE0] =	vst v9;
	v7 =	vmul.f32 v7, v16;
	v16 =	vperm.xlane v13, v39  }
0x2a0: {  	[tilespmem:s23+$0xFFFFFFC0] =	vst v23;
	v12 =	vmul.f32 v21, v19  }
0x2a1: {  	[tilespmem:s23+$0xFFFFFFF0] =	vst v20;
	v19 =	vmul.f32 v18, v46;
	v10 =	vsub.f32 $1.500000000e+00, v10;
	v13 =	vadd.f32 v13, v16  }
0x2a2: {  	v16 =	vld [tilespmem:$0x1FD40];
	[tilespmem:s23+$0xFFFFFFD0] =	vst v6  }
0x2a3: {  	v10 =	vmul.f32 v10, v14;
	[tilespmem:s25+$0xFFFFFFB0] =	vst v19;
	v35 =	vshra.s32 v13, $0x1;
	v14 =	vmul.f32 $5.000000000e-01, v13  }
0x2a4: {  	v45 =	vperm.xlane v5, v30;
	[tilespmem:s24+$0x10] =	vst v27;
	v9 =	vsub.s32 $0x5F3759DF, v35  }
0x2a5: {  	v3 =	vmul.f32 v2, v3;
	[tilespmem:s24+$0x0] =	vst v11;
	v42 =	vmul.f32 v9, v14  }
0x2a6: {  	v48 =	vmul.f32 v45, v41;
	v17 =	vmul.f32 v18, v49;
	v46 =	vld [tilespmem:$0x1FE00];
	[tilespmem:s24+$0x30] =	vst v7  }
0x2a7: {  	vm1 =	vgt.f32 v8, $9.000000000e+00;
	v21 =	vmul.f32 v58, v55;
	[tilespmem:s24+$0x20] =	vst v25;
	v8 =	vmul.f32 v9, v42  }
0x2a8: {  	v10 =	vmul.f32 $3.000000000e+00, v10;
	v7 =	vld [tilespmem:$0x1FDE0];
	[tilespmem:s25+$0xFFFFFFA0] =	vst v17;
	v15 =	vmul.f32 v15, v16  }
0x2a9: {  	v49 =	vld [tilespmem:$0x1FDC0];
	[tilespmem:s25+$0xFFFFFF80] =	vst v48;
	v8 =	vsub.f32 $1.500000000e+00, v8  }
0x2aa: {  	v3 =	vmul.f32 v3, v2;
	v4 =	vmul.f32 v21, v58;
	v43 =	vnsel vm1, $0x3F800000, v10;
	[tilespmem:s24+$0xFFFFFF90] =	vst v15  }
0x2ab: {  	v10 =	vperm.xlane v43, v29;
	v8 =	vmul.f32 v9, v8;
	v9 =	vld [tilespmem:$0x1FDB0]  }
0x2ac: {  	v3 =	vsub.f32 $1.500000000e+00, v3  }
0x2ad: {  	v4 =	vsub.f32 $1.500000000e+00, v4;
	v6 =	vperm.xlane v43, v30;
	v5 =	vmul.f32 v10, v46  }
0x2ae: {  	v2 =	vmul.f32 v3, v2;
	v7 =	vmul.f32 v10, v7  }
0x2af: {  	v3 =	vmul.f32 v4, v58;
	v10 =	vmul.f32 v6, v49;
	[tilespmem:s24+$0x70] =	vst v5  }
0x2b0: {  	v5 =	vld [tilespmem:$0x1FDD0];
	[tilespmem:s24+$0x60] =	vst v7;
	v6 =	vmul.f32 v6, v9  }
0x2b1: {  	v3 =	vmul.f32 $3.000000000e+00, v3;
	v7 =	vld [tilespmem:$0x1FDF0];
	[tilespmem:s24+$0x50] =	vst v10  }
0x2b2: {  	vm1 =	vgt.f32 v44, $9.000000000e+00;
	[tilespmem:s24+$0x40] =	vst v6  }
0x2b3: {  	v3 =	vnsel vm1, $0x3F800000, v3;
	vm1 =	vgt.f32 v54, $9.000000000e+00;
	v54 =	vld [tilespmem:$0x1FDA0]  }
0x2b4: {  	v27 =	vimm.s32 $0x8  }
0x2b5: {  	v50 =	vperm.xlane v3, v27  }
0x2b6: {  	v3 =	vperm.xlane v3, v30  }
0x2b7: {  	v5 =	vmul.f32 v50, v5  }
0x2b8: {  	v11 =	vmul.f32 v3, v54  }
0x2b9: {  	[tilespmem:s24+$0xFFFFFFE0] =	vst v5  }
0x2ba: {  	[tilespmem:s24+$0xFFFFFFC0] =	vst v11  }
0x2bb: {  	v57 =	vld [tilespmem:$0x1FD90];
	_ =	sdelay $0x3  }
0x2bc: {  	v14 =	vmul.f32 v8, v14;
	v7 =	vmul.f32 v50, v7  }
0x2bd: {  	v3 =	vmul.f32 v3, v57  }
0x2be: {  	v51 =	vmul.f32 v14, v8;
	[tilespmem:s24+$0xFFFFFFF0] =	vst v7  }
0x2bf: {  	v2 =	vmul.f32 $3.000000000e+00, v2;
	[tilespmem:s24+$0xFFFFFFD0] =	vst v3  }
0x2c0: {  	v9 =	vsub.f32 $1.500000000e+00, v51;
	v3 =	vld [tilespmem:$0x1FE10]  }
0x2c1: {  	v2 =	vnsel vm1, $0x3F800000, v2  }
0x2c2: {  	v53 =	vperm.xlane v2, v30;
	v55 =	vmul.f32 v9, v8  }
0x2c3: {  	v2 =	vperm.xlane v2, v27  }
0x2c4: {  	v58 =	vmul.f32 v53, v36;
	v5 =	vmul.f32 $3.000000000e+00, v55  }
0x2c5: {  	vm1 =	vgt.f32 v13, $9.000000000e+00;
	v3 =	vmul.f32 v53, v3  }
0x2c6: {  	v52 =	vmul.f32 v12, v62;
	v61 =	vmul.f32 v2, v34;
	v5 =	vnsel vm1, $0x3F800000, v5;
	[tilespmem:s25+$0x10] =	vst v58  }
0x2c7: {  	v2 =	vmul.f32 v2, v33;
	[tilespmem:s25+$0x0] =	vst v3;
	v3 =	vperm.xlane v5, v27  }
0x2c8: {  	v56 =	vmul.f32 v52, v12;
	v4 =	vmul.f32 v45, v24;
	[tilespmem:s25+$0x30] =	vst v61  }
0x2c9: {  	vm1 =	vgt.f32 v1, $9.000000000e+00;
	[tilespmem:s25+$0x20] =	vst v2;
	v1 =	vmul.f32 v3, v40  }
0x2ca: {  	v59 =	vsub.f32 $1.500000000e+00, v56;
	[tilespmem:s25+$0xFFFFFF90] =	vst v4;
	v3 =	vmul.f32 v3, v37  }
0x2cb: {  	[tilespmem:s25+$0x70] =	vst v1  }
0x2cc: {  	v60 =	vmul.f32 v59, v12;
	v1 =	vld [tilespmem:$0x1FE30];
	[tilespmem:s25+$0x60] =	vst v3  }
0x2cd: {  	v3 =	vld [tilespmem:$0x1FE20]  }
0x2ce: {  	v6 =	vmul.f32 $3.000000000e+00, v60  }
0x2cf: {  	v2 =	vperm.xlane v5, v30  }
0x2d0: {  	v62 =	vnsel vm1, $0x3F800000, v6  }
0x2d1: {  	v63 =	vperm.xlane v62, v27;
	v1 =	vmul.f32 v2, v1  }
0x2d2: {  	v2 =	vmul.f32 v2, v3;
	v3 =	vperm.xlane v62, v30  }
0x2d3: {  	s22 =	smul.u32 $0x500, s22;
	s21 =	sadd.s32 $0x1, s21;
	[tilespmem:s25+$0x50] =	vst v1;
	v1 =	vmul.f32 v63, v47  }
0x2d4: {  	p0 =	sne.s32 s21, $0xA;
	[tilespmem:s25+$0x40] =	vst v2;
	v2 =	vmul.f32 v3, v32  }
.Ltmp2:
0x2d5: {  	s22 =	sadd.s32 s5, s22;
	[tilespmem:s25+$0xFFFFFFE0] =	vst v1;
	v1 =	vmul.f32 v63, v38;
	(pc) =	sbr.rel @p0 .LBB2_2-.Ltmp2, $4  }
0x2d6: {  	s22 =	sshll.u32 s22, $0x2;
	[tilespmem:s25+$0xFFFFFFC0] =	vst v2;
	v2 =	vmul.f32 v3, v31  }
0x2d7: {  	s22 =	sand.u32 $0x1FFFFC00, s22;
	[tilespmem:s25+$0xFFFFFFF0] =	vst v1  }
0x2d8: {  	s22 =	sadd.s32 s2, s22;
	[tilespmem:s25+$0xFFFFFFD0] =	vst v2  }
0x2d9: {  	v18 =	vmov v28;
	v19 =	vimm.s32 $0x0;
	v15 =	vmov v39;
	[hbm4b:s22+s3] =	stream.linear.scatter [tilespmem:s29], [sflag:$0x4], $0xA000, $0x38;
	v14 =	vld [tilespmem:$0x1FFF0]  }
0x2da: {  	s20 =	sadd.s32 $0x1, s20  }
0x2db: {  	_ =	swait.ge [sflag:s18], $0xA000;
	p0 =	sne.s32 s20, s7  }
.Ltmp3:
0x2dc: {  	[sflag:s18] =	ssyncset.done $0x0;
	(pc) =	sbr.rel @p0 .LBB2_1-.Ltmp3, $4  }
0x2dd: {  	[sflag:s18] =	ssyncadd.s32 $0xFFFF6000  }
0x2de: {  	_ =	swait.ge [sflag:s19], $0xA000  }
0x2df: {  	[sflag:s19] =	ssyncset.done $0x0  }
0x2e0: {  	[sflag:s19] =	ssyncadd.s32 $0xFFFF6000  }
0x2e1: {  	_ =	sfence.sel $0x180000  }
0x2e2: {  	[bflag:$0x0] =	sbarrier.arrive $0xFFFF  }
0x2e3: {  	_ =	strace $0x90000047  }
0x2e4: {  	s0 =	stileid.u32;
	[bflag:$0x2] =	sbarrier.arrive $0xFFFF  }
0x2e5: {  	p0 =	sne.s32 s0, $0x0;
	s0 =	rddreg [dreg:$0x2]  }
0x2e6: {  	s0 =	sadd.s32 @!p0 $0x100000, s0  }
0x2e7: {  	[sflag:s0] =	ssyncadd.tile.s32 @!p0 $0x1;
	_ =	shalt  }
.Lfunc_end2:
_tile_overlayer_lowered:
.L_overlay_start_2:
0x2e8: {  	(tag) =	ssettag $0x2  }
0x2e9: {  	s0 =	rddreg [dreg:$0x0];
	s2 =	stileid.u32  }
0x2ea: {  	s1 =	rddreg [dreg:$0x1];
	p0 =	sne.s32 s2, $0x0  }
0x2eb: {  	s3 =	rddreg [dreg:$0x2];
	[bflag:$0x3] =	sbarrier.arrive $0xFFFF;
	s2 =	simm.s32 @!p0 $0x1C05  }
0x2ec: {  	[timem:s3], [sflag:s2] =	dma.local @!p0 [hbm:s0], s1  }
0x2ed: {  	s0 =	simm.s32 @!p0 $0x5  }
0x2ee: {  	_ =	swait.ge @!p0 [sflag:s0], s1  }
0x2ef: {  	s1 =	ssub.s32 @!p0 $0x0, s1;
	[sflag:s0] =	ssyncset.done @!p0 $0x0  }
0x2f0: {  	[sflag:s0] =	ssyncadd.s32 @!p0 s1  }
0x2f1: {  	[bflag:$0x3] =	sbarrier.arrive $0xFFFF  }
0x2f2: {  	_ =	shalt  }

// kernel: sparse-core-data-format-call.1.cloned.1.call-start
scs
called_computation.1_lowered:
.L_overlay_start_0:
0x0: {  	s2 =	sld [smem:$0x3FD9]  }
0x1: {  	s3 =	sld [smem:$0x3FFE];
	_ =	sdelay $0x1  }
0x2: {  	s1 =	srdreg.scid  }
0x3: {  	s0 =	sand.u32 $0x1, s1  }
0x4: {  	s18 =	sshll.u32 s0, $0xA;
	s2 =	sadd.s32 s3, s2  }
0x5: {  	s2 =	sadd.s32 s2, s18  }
0x6: {  	[smem:$0x3FC6] =	sst s2  }
0x7: {  	_ = 	snop  }
0x8: {  	s2 =	sld [smem:$0x3FD0];
	(tm) =	ssettm $0x1  }
0x9: {  	s19 =	sld [smem:$0x3FFB];
	_ =	sdelay $0x3  }
0xa: {  	_ =	strace s19  }
0xb: {  	s3 =	sld [smem:$0x3FFC];
	_ =	sdelay $0x3  }
0xc: {  	_ =	strace s3  }
0xd: {  	s3 =	sld [smem:$0x3FFD];
	_ =	sdelay $0x3  }
0xe: {  	_ =	strace s3  }
0xf: {  	_ =	strace $0x8FFFFFFF  }
0x10: {  	s20 =	sld [smem:$0x3FDB];
	_ =	sdelay $0x1  }
0x11: {  	s4 =	simm.s32 $_scs_section_size  }
0x12: {  	s5 =	simm.s32 $_size__tile_overlayer_lowered;
	s6 =	simm.s32 $_tile_overlayer_lowered  }
0x13: {  	s23 =	simm.s32 $0x1BFF;
	s22 =	sshll.u32 s6, $0x1;
	s3 =	sadd.s32 s4, s20  }
0x14: {  	s7 =	simm.s32 $0x0;
	s21 =	sshll.u32 s5, $0x1;
	s5 =	sadd.s32 s22, s3  }
0x15: {  	[timem:s7], [sflag:s23] =	dma.local [hbm:s5], s21  }
0x16: {  	_ =	swait.ge [sflag:s23], s21  }
0x17: {  	s4 =	ssub.s32 $0x0, s21;
	[sflag:s23] =	ssyncset.done $0x0  }
0x18: {  	[sflag:s23] =	ssyncadd.s32 s4;
	_ =	sdelay $0x1  }
0x19: {  	s24 =	simm.s32 $0x1B8B  }
0x1a: {  	_ =	swait.ge [sflag:s24], $0x1  }
0x1b: {  	[sflag:s24] =	ssyncset.done $0x0  }
0x1c: {  	s26 =	simm.s32 $0x1B8E;
	s25 =	sld [smem:$0x3FFE];
	[sflag:s24] =	ssyncadd.s32 $0xFFFFFFFF  }
0x1d: {  	s27 =	simm.s32 $execute0_lowered;
	[smem:$0x3FD2] =	sst s26  }
0x1e: {  	s5 =	sshll.u32 s27, $0x1;
	_ =	strace $0x80000049;
	[dreg:$0x1] =	wrdreg $0xFFFFFFFF  }
0x1f: {  	s28 =	simm.s32 $_size_execute0_lowered;
	s3 =	sadd.s32 s3, s5;
	[dreg:$0x0] =	wrdreg $0x0  }
0x20: {  	s5 =	sshll.u32 s28, $0x1;
	[dreg:$0x2] =	wrdreg s3  }
0x21: {  	[dreg:$0x3] =	wrdreg s5  }
0x22: {  	[dreg:$0x4] =	wrdreg $0xC0  }
0x23: {  	_ =	task [dreg:s7], $0x5FFFF  }
0x24: {  	[dreg:$0x1] =	wrdreg $0xFFFFFFFF  }
0x25: {  	[dreg:$0x0] =	wrdreg $0x60  }
0x26: {  	[dreg:$0x2] =	wrdreg s25  }
0x27: {  	[dreg:$0x3] =	wrdreg s2  }
0x28: {  	[dreg:$0x4] =	wrdreg $0x9  }
0x29: {  	_ =	task.clear_ibuf [dreg:s7], $0x5FFFF;
	_ =	strace $0x90000049  }
0x2a: {  	s29 =	simm.s32 $0x9;
	_ =	strace $0x8000004B  }
0x2b: {  	_ =	swait.ge [sflag:s29], $0x1  }
0x2c: {  	[sflag:s29] =	ssyncadd.s32 $0xFFFFFFFF  }
0x2d: {  	_ =	strace $0x9000004B  }
0x2e: {  	_ =	sfence  }
0x2f: {  	s30 =	sld [smem:$0x0];
	_ =	sdelay $0x2  }
0x30: {  	s31 =	sshll.u32 s1, $0xD;
	s1 =	sshrl.u32 s1, $0x2  }
0x31: {  	s3 =	sand.u32 $0x4000, s31;
	s1 =	sadd.s32 s1, s30  }
0x32: {  	s0 =	sor.u32 s3, s0;
	s1 =	sshll.u32 s1, $0x11  }
0x33: {  	s0 =	sor.u32 s1, s0  }
0x34: {  	s0 =	sadd.s32 $0x8F2B, s0  }
0x35: {  	[sflag:s0] =	ssyncadd.remote.s32 $0x1  }
0x36: {  	_ =	sfence.sel $0xFFFF  }
0x37: {  	[dreg:$0x0] =	wrdreg $0xFFFFFFFF;
	(pc) =	sbr.abs _section_cstart, $3  }
0x38: {  	[dreg:$0x1] =	wrdreg $0xFFFFFFFF  }
0x39: {  	_ =	task.clear_ibuf [dreg:s7], $0x2FFFF;
	_ =	strace $0x9FFFFFFF  }
0x3a: {  	(tm) =	ssettm $0x7FFFFFFF  }
0x3b: {  	_ =	shalt  }
tec
execute0_lowered:
.L_overlay_start_1:
0x0: {  	(tag) =	ssettag $0x1  }
0x1: {  	s0 =	srdreg.scid  }
0x2: {  	s1 =	sshll.u32 s0, $0x4  }
0x3: {  	s4 =	rddreg [dreg:$0x0];
	s0 =	stileid.u32;
	s1 =	sand.u32 $0x10, s1  }
0x4: {  	s2 =	rddreg [dreg:$0x1];
	s7 =	simm.s32 $0x1;
	s1 =	sor.u32 s0, s1  }
0x5: {  	s8 =	simm.s32 $0x2;
	s11 =	simm.s32 $0x0;
	s3 =	sshll.u32 s1, $0x7  }
0x6: {  	s10 =	simm.s32 $0x0;
	s4 =	sadd.s32 $0xE00, s4;
	s6 =	ssub.s32 $0xC8000, s3  }
.Ltmp0:
0x7: {  	s1 =	rddreg [dreg:$0x2];
	s5 =	sand.u32 $0xF80, s6;
	(pc) =	sbr.rel .LBB1_1-.Ltmp0, $4  }
0x8: {  	_ =	strace $0x8000004A;
	s9 =	smov.u32 s3;
	p0 =	sne.s32 s5, $0x0  }
0x9: {  	s6 =	sshrl.u32 s6, $0xC;
	s5 =	simm.s32 $0x1;
	s7 =	simm.s32 @!p0 $0x0  }
0xa: {  	[sflag:s5] =	ssyncpa.u1 $0x0;
	p0 =	por $0x0, $0x0;
	s6 =	sadd.s32 s7, s6  }
0xb: {  	[sflag:s8] =	ssyncpa.u1 $0x0;
	s8 =	simm.s32 $0x640000;
	s7 =	sadd.s32 $0x1, s6  }
.LBB1_4:
0xc: {  	s14 =	sshll.u32 s11, $0x3  }
0xd: {  	s30 =	sand.u32 $0x7F, s11;
	s15 =	sand.u32 $0xFFFFFC00, s14  }
0xe: {  	s11 =	sor.u32 s30, s15  }
0xf: {  	s15 =	smulhi.u32 $0x51EB851F, s11  }
0x10: {  	s14 =	smulhi.u32 $0x51EB851F, s14  }
0x11: {  	s15 =	sshrl.u32 s15, $0x12  }
0x12: {  	s14 =	sshrl.u32 s14, $0x12;
	s15 =	smul.u32 $0xC8000, s15  }
0x13: {  	s14 =	sand.u32 $0x1F, s14  }
0x14: {  	s14 =	smul.u32 $0x19000, s14;
	s11 =	ssub.s32 s11, s15  }
0x15: {  	s15 =	sand.u32 $0x7, s11  }
0x16: {  	s14 =	sadd.s32 s2, s14;
	s11 =	sshrl.u32 s11, $0x3;
	s15 =	sshll.u32 s15, $0x12  }
0x17: {  	[tilespmem:s13+$0x0 ss:$0x81] =	vst.msk $0xffff, v0;
	s11 =	sadd.s32 s11, s14;
	s31 =	sor.u32 $0x400, s15  }
0x18: {  	[hbm4b:s11+s31] =	stream.strided.scatter [tilespmem:s12], [sflag:$0x2], $0x1000, s8, s31, $0x20;
	[tilespmem:$0x4040] =	vst v63  }
.LBB1_5:
0x19: {  	s13 =	sadd.s32 $0x1000, s9  }
0x1a: {  	p2 =	sgt.s32 s13, $0xC7FFF  }
0x1b: {  	s13 =	smov.u32 @p2 s3;
	p2 =	sne.s32 s10, s7  }
.Ltmp1:
0x1c: {  	p1 =	slt.u32 s10, $0x2;
	(pc) =	sbr.rel @!p2 .LBB1_6-.Ltmp1, $4  }
0x1d: {  	s12 =	simm.s32 @!p1 $0x2  }
0x1e: {  	s14 =	sadd.s32 $0x1, s10;
	_ =	swait.ge @!p1 [sflag:s12], $0x1000  }
0x1f: {  	s11 =	smov.u32 s9;
	p0 =	por !p0, !p0;
	[sflag:s12] =	ssyncset.done @!p1 $0x0  }
0x20: {  	s10 =	smov.u32 s14;
	s9 =	smov.u32 s13;
	[sflag:s12] =	ssyncadd.s32 @!p1 $0xFFFFF000  }
.LBB1_1:
0x21: {  	p1 =	sge.u32 s10, s6  }
0x22: {  	s12 =	sand.u32 @!p1 $0x1FFFFFF, s9  }
0x23: {  	s13 =	smulhi.u32 @!p1 $0x147AE15, s12;
	_ =	sdelay $0x1  }
0x24: {  	s13 =	sshrl.u32 @!p1 s13, $0xC  }
0x25: {  	s13 =	smul.u32 @!p1 $0xC8000, s13;
	_ =	sdelay $0x1  }
0x26: {  	s31 =	sadd.s32 $0xFFFFFFFF, s10;
	s14 =	sxor.u32 @!p1 $0xFFFFFFFF, s10;
	s12 =	ssub.s32 @!p1 s12, s13  }
0x27: {  	s15 =	simm.s32 @!p1 $0x80;
	s14 =	sshll.u32 @!p1 s14, $0xC;
	s12 =	sshll.u32 @!p1 s12, $0x4  }
0x28: {  	s13 =	sand.u32 @!p1 $0x1000, s14;
	s14 =	simm.s32 @!p1 $0x20;
	s12 =	sadd.s32 @!p1 s4, s12  }
0x29: {  	[tilespmem:s13], [sflag:$0x1] =	stream.strided.gather @!p1 [hbm4b:s12+s14], $0x1000, s15, s14, $0x38;
	[tilespmem:$0x4040] =	vst v63  }
0x2a: {  	p1 =	sge.u32 s31, s6  }
.Ltmp2:
0x2b: {  	_ = 	snop;
	(pc) =	sbr.rel @p1 .LBB1_5-.Ltmp2, $1  }
0x2c: {  	_ =	sdelay $0x3  }
0x2d: {  	s12 =	simm.s32 $0x1  }
0x2e: {  	_ =	swait.ge [sflag:s5], $0x1000;
	s12 =	simm.s32 @!p0 $0x0  }
0x2f: {  	[sflag:s5] =	ssyncset.done $0x0;
	s13 =	sshll.u32 s12, $0xC  }
0x30: {  	[sflag:s5] =	ssyncadd.s32 $0xFFFFF000;
	s16 =	sor.u32 $0x10, s13  }
0x31: {  	s12 =	smul.u32 $0x4080, s12;
	v1 =	vld [tilespmem:s16+$0x0]  }
0x32: {  	s30 =	sand.u32 $0x1, s10;
	v0 =	vld [tilespmem:s16+$0xFFFFFFF0]  }
0x33: {  	s13 =	smul.u32 $0x4080, s30;
	s12 =	sshrl.u32 s12, $0x2  }
0x34: {  	s14 =	sor.u32 $0x2000, s12  }
0x35: {  	s31 =	sshrl.u32 s13, $0x2;
	s13 =	sadd.s32 $0x0, s14  }
0x36: {  	s15 =	simm.s32 $0x4;
	s16 =	sadd.s32 $0x20, s16;
	s12 =	sor.u32 $0x2000, s31;
	[tilespmem:s13+$0x810 ss:$0x81] =	vst.msk $0xffff, v1  }
.LBB1_3:
0x37: {  	v1 =	vld [tilespmem:s16+$0x0];
	p1 =	sne.s32 s15, $0x1FC;
	[tilespmem:s13+$0x0 ss:$0x81] =	vst.msk $0xffff, v0;
	s13 =	smov.u32 s15;
	s15 =	sadd.s32 $0x4, s15  }
.Ltmp3:
0x38: {  	v0 =	vld [tilespmem:s16+$0xFFFFFFF0];
	(pc) =	sbr.rel @p1 .LBB1_3-.Ltmp3, $4  }
0x39: {  	_ = 	snop  }
0x3a: {  	s13 =	sshra.s32 s13, $0x2  }
0x3b: {  	s13 =	sadd.s32 s13, s14  }
0x3c: {  	s16 =	sadd.s32 $0x20, s16;
	[tilespmem:s13+$0x810 ss:$0x81] =	vst.msk $0xffff, v1  }
.Ltmp4:
0x3d: {  	_ = 	snop;
	(pc) =	sbr.rel .LBB1_4-.Ltmp4, $1  }
0x3e: {  	_ =	sdelay $0x3  }
.LBB1_6:
0x3f: {  	_ =	sfence.sel $0x180000  }
0x40: {  	s2 =	simm.s32 $0x1;
	[bflag:$0x0] =	sbarrier.arrive $0xFFFF  }
0x41: {  	s31 =	simm.s32 $0x2;
	[sflag:s2] =	ssyncpa.u1 $0x1  }
0x42: {  	[sflag:s31] =	ssyncpa.u1 $0x1  }
0x43: {  	p0 =	sne.s32 s0, $0x0;
	_ =	strace $0x9000004A  }
0x44: {  	s0 =	sadd.s32 @!p0 $0x100000, s1;
	[bflag:$0x2] =	sbarrier.arrive $0xFFFF  }
0x45: {  	[sflag:s0] =	ssyncadd.tile.s32 @!p0 $0x1;
	_ =	shalt  }
.Lfunc_end1:
_tile_overlayer_lowered:
.L_overlay_start_2:
0x46: {  	(tag) =	ssettag $0x2  }
0x47: {  	s0 =	rddreg [dreg:$0x0];
	s2 =	stileid.u32  }
0x48: {  	s1 =	rddreg [dreg:$0x1];
	p0 =	sne.s32 s2, $0x0  }
0x49: {  	s3 =	rddreg [dreg:$0x2];
	[bflag:$0x3] =	sbarrier.arrive $0xFFFF;
	s2 =	simm.s32 @!p0 $0x1C01  }
0x4a: {  	[timem:s3], [sflag:s2] =	dma.local @!p0 [hbm:s0], s1  }
0x4b: {  	s0 =	simm.s32 @!p0 $0x1  }
0x4c: {  	_ =	swait.ge @!p0 [sflag:s0], s1  }
0x4d: {  	s1 =	ssub.s32 @!p0 $0x0, s1;
	[sflag:s0] =	ssyncset.done @!p0 $0x0  }
0x4e: {  	[sflag:s0] =	ssyncadd.s32 @!p0 s1  }
0x4f: {  	[bflag:$0x3] =	sbarrier.arrive $0xFFFF  }
0x50: {  	_ =	shalt  }

// kernel: sparse-core-data-format-call.cloned.1.call-start
scs
called_computation_lowered:
.L_overlay_start_0:
0x0: {  	s2 =	sld [smem:$0x3FD9]  }
0x1: {  	s3 =	sld [smem:$0x3FFE];
	_ =	sdelay $0x1  }
0x2: {  	s1 =	srdreg.scid  }
0x3: {  	s0 =	sand.u32 $0x1, s1  }
0x4: {  	s18 =	sshll.u32 s0, $0xA;
	s2 =	sadd.s32 s3, s2  }
0x5: {  	s2 =	sadd.s32 s2, s18  }
0x6: {  	[smem:$0x3FC6] =	sst s2  }
0x7: {  	_ = 	snop  }
0x8: {  	s2 =	sld [smem:$0x3FD0];
	(tm) =	ssettm $0x1  }
0x9: {  	s19 =	sld [smem:$0x3FFB];
	_ =	sdelay $0x3  }
0xa: {  	_ =	strace s19  }
0xb: {  	s3 =	sld [smem:$0x3FFC];
	_ =	sdelay $0x3  }
0xc: {  	_ =	strace s3  }
0xd: {  	s3 =	sld [smem:$0x3FFD];
	_ =	sdelay $0x3  }
0xe: {  	_ =	strace s3  }
0xf: {  	_ =	strace $0x8FFFFFFF  }
0x10: {  	s20 =	sld [smem:$0x3FDB];
	_ =	sdelay $0x1  }
0x11: {  	s4 =	simm.s32 $_scs_section_size  }
0x12: {  	s5 =	simm.s32 $_size__tile_overlayer_lowered;
	s6 =	simm.s32 $_tile_overlayer_lowered  }
0x13: {  	s23 =	simm.s32 $0x1BFF;
	s22 =	sshll.u32 s6, $0x1;
	s3 =	sadd.s32 s4, s20  }
0x14: {  	s7 =	simm.s32 $0x0;
	s21 =	sshll.u32 s5, $0x1;
	s5 =	sadd.s32 s22, s3  }
0x15: {  	[timem:s7], [sflag:s23] =	dma.local [hbm:s5], s21  }
0x16: {  	_ =	swait.ge [sflag:s23], s21  }
0x17: {  	s4 =	ssub.s32 $0x0, s21;
	[sflag:s23] =	ssyncset.done $0x0  }
0x18: {  	[sflag:s23] =	ssyncadd.s32 s4;
	_ =	sdelay $0x1  }
0x19: {  	s24 =	simm.s32 $0x1B8B  }
0x1a: {  	_ =	swait.ge [sflag:s24], $0x1  }
0x1b: {  	[sflag:s24] =	ssyncset.done $0x0  }
0x1c: {  	s26 =	simm.s32 $0x1B8E;
	s25 =	sld [smem:$0x3FFE];
	[sflag:s24] =	ssyncadd.s32 $0xFFFFFFFF  }
0x1d: {  	s27 =	simm.s32 $execute0_lowered;
	[smem:$0x3FD2] =	sst s26  }
0x1e: {  	s5 =	sshll.u32 s27, $0x1;
	_ =	strace $0x8000004C;
	[dreg:$0x1] =	wrdreg $0xFFFFFFFF  }
0x1f: {  	s28 =	simm.s32 $_size_execute0_lowered;
	s3 =	sadd.s32 s3, s5;
	[dreg:$0x0] =	wrdreg $0x0  }
0x20: {  	s5 =	sshll.u32 s28, $0x1;
	[dreg:$0x2] =	wrdreg s3  }
0x21: {  	[dreg:$0x3] =	wrdreg s5  }
0x22: {  	[dreg:$0x4] =	wrdreg $0xC0  }
0x23: {  	_ =	task [dreg:s7], $0x5FFFF  }
0x24: {  	[dreg:$0x1] =	wrdreg $0xFFFFFFFF  }
0x25: {  	[dreg:$0x0] =	wrdreg $0x60  }
0x26: {  	[dreg:$0x2] =	wrdreg s25  }
0x27: {  	[dreg:$0x3] =	wrdreg s2  }
0x28: {  	[dreg:$0x4] =	wrdreg $0x9  }
0x29: {  	_ =	task.clear_ibuf [dreg:s7], $0x5FFFF;
	_ =	strace $0x9000004C  }
0x2a: {  	s29 =	simm.s32 $0x9;
	_ =	strace $0x8000004E  }
0x2b: {  	_ =	swait.ge [sflag:s29], $0x1  }
0x2c: {  	[sflag:s29] =	ssyncadd.s32 $0xFFFFFFFF  }
0x2d: {  	_ =	strace $0x9000004E  }
0x2e: {  	_ =	sfence  }
0x2f: {  	s30 =	sld [smem:$0x0];
	_ =	sdelay $0x2  }
0x30: {  	s31 =	sshll.u32 s1, $0xD;
	s1 =	sshrl.u32 s1, $0x2  }
0x31: {  	s3 =	sand.u32 $0x4000, s31;
	s1 =	sadd.s32 s1, s30  }
0x32: {  	s0 =	sor.u32 s3, s0;
	s1 =	sshll.u32 s1, $0x11  }
0x33: {  	s0 =	sor.u32 s1, s0  }
0x34: {  	s0 =	sadd.s32 $0x8F2B, s0  }
0x35: {  	[sflag:s0] =	ssyncadd.remote.s32 $0x1  }
0x36: {  	_ =	sfence.sel $0xFFFF  }
0x37: {  	[dreg:$0x0] =	wrdreg $0xFFFFFFFF;
	(pc) =	sbr.abs _section_cstart, $3  }
0x38: {  	[dreg:$0x1] =	wrdreg $0xFFFFFFFF  }
0x39: {  	_ =	task.clear_ibuf [dreg:s7], $0x2FFFF;
	_ =	strace $0x9FFFFFFF  }
0x3a: {  	(tm) =	ssettm $0x7FFFFFFF  }
0x3b: {  	_ =	shalt  }
tec
execute0_lowered:
.L_overlay_start_1:
0x0: {  	(tag) =	ssettag $0x1  }
0x1: {  	s8 =	rddreg [dreg:$0x0]  }
0x2: {  	s2 =	rddreg [dreg:$0x1];
	s1 =	stileid.u32  }
0x3: {  	s4 =	srdreg.scid;
	s0 =	rddreg [dreg:$0x2];
	_ =	strace $0x8000004D  }
0x4: {  	s9 =	simm.s32 $0x1;
	s31 =	simm.s32 $0x2;
	s16 =	simm.s32 $0x0  }
0x5: {  	s17 =	simm.s32 $0x0;
	s11 =	simm.s32 $0x0;
	s12 =	simm.s32 $0x0  }
0x6: {  	s15 =	simm.s32 $0x0;
	s3 =	sshll.u32 s1, $0x1;
	s4 =	sshll.u32 s4, $0x7  }
0x7: {  	s4 =	sand.u32 $0x80, s4;
	s5 =	ssub.s32 $0x20, s3;
	s14 =	smov.u32 s3  }
0x8: {  	s6 =	sshrl.u32 s5, $0x5;
	s5 =	sand.u32 $0x1E, s5;
	s7 =	ssub.s32 $0x4000, s4  }
0x9: {  	p0 =	sne.s32 s5, $0x0;
	s30 =	sshrl.u32 s7, $0x7;
	s7 =	sshrl.u32 s7, $0x8  }
.Ltmp0:
0xa: {  	s9 =	simm.s32 @!p0 $0x0;
	s10 =	sand.u32 $0x1, s30;
	(pc) =	sbr.rel .LBB1_1-.Ltmp0, $4  }
0xb: {  	s5 =	simm.s32 $0x1;
	s6 =	sadd.s32 s9, s6;
	s7 =	sadd.s32 s7, s10  }
0xc: {  	s13 =	smov.u32 s4;
	[sflag:s5] =	ssyncpa.u1 $0x0;
	s6 =	smul.u32 s6, s7  }
0xd: {  	p0 =	por $0x0, $0x0;
	[sflag:s31] =	ssyncpa.u1 $0x0;
	s10 =	simm.s32 $0x80000  }
0xe: {  	s7 =	sadd.s32 $0xE00, s8;
	s8 =	sadd.s32 $0x40E00, s8;
	s9 =	sadd.s32 $0x1, s6  }
.LBB1_7:
0xf: {  	p1 =	slt.u32 s15, $0x2  }
0x10: {  	s19 =	smov.u32 s17;
	p2 =	sgt.s32 @!p1 s17, $0x1E;
	s18 =	sshra.s32 @!p1 s17, $0x1F  }
0x11: {  	p3 =	sgt.s32 @!p1 s16, $0x3F80;
	s20 =	sshra.s32 @!p1 s16, $0x1F;
	p2 =	por !p2, p1  }
0x12: {  	s17 =	sand.u32 @!p1 s18, s17;
	p3 =	por !p3, p1;
	s18 =	smov.u32 s16  }
0x13: {  	s16 =	sand.u32 @!p1 s20, s16;
	s19 =	simm.s32 @p2 $0x1E;
	s18 =	simm.s32 @p3 $0x3F80  }
0x14: {  	s20 =	smov.u32 s14;
	s17 =	ssub.s32 @!p1 s19, s17;
	s16 =	ssub.s32 @!p1 s18, s16  }
0x15: {  	s18 =	sadd.s32 @!p1 $0xFFFFFFE2, s17;
	s17 =	ssub.s32 @!p1 $0x20, s17;
	s19 =	sadd.s32 @!p1 $0xFFFFC080, s16  }
0x16: {  	p2 =	sgt.s32 @!p1 s18, $0x1;
	s17 =	smul.u32 @!p1 $0x32, s17;
	p3 =	sgt.s32 @!p1 s19, $0x7F  }
0x17: {  	s16 =	ssub.s32 @!p1 $0x4000, s16;
	p2 =	por !p2, p1;
	p3 =	por !p3, p1  }
0x18: {  	s18 =	sadd.s32 $0x100, s13;
	s17 =	simm.s32 @!p2 $0x0;
	s16 =	simm.s32 @!p3 $0x0  }
0x19: {  	p2 =	sgt.s32 s18, $0x3FFF;
	s16 =	smul.u32 @!p1 s16, s17;
	s17 =	sadd.s32 $0x20, s14  }
0x1a: {  	s20 =	smov.u32 @p2 s17  }
0x1b: {  	s18 =	smov.u32 @p2 s4;
	p2 =	sgt.s32 s20, $0x1F  }
0x1c: {  	s20 =	smov.u32 @p2 s3;
	p2 =	sne.s32 s15, s9  }
.Ltmp1:
0x1d: {  	p0 =	por !p0, !p0;
	s19 =	simm.s32 @!p1 $0x2;
	(pc) =	sbr.rel @!p2 .LBB1_8-.Ltmp1, $4  }
0x1e: {  	s17 =	smov.u32 s12;
	s12 =	smov.u32 s14;
	s16 =	sand.u32 @!p1 $0x3FFFFFFE, s16  }
0x1f: {  	_ =	swait.ge @!p1 [sflag:s19], s16;
	s21 =	ssub.s32 @!p1 $0x0, s16;
	s16 =	smov.u32 s11  }
0x20: {  	s15 =	sadd.s32 $0x1, s15;
	s11 =	smov.u32 s13;
	[sflag:s19] =	ssyncset.done @!p1 $0x0  }
0x21: {  	s13 =	smov.u32 s18;
	s14 =	smov.u32 s20;
	[sflag:s19] =	ssyncadd.s32 @!p1 s21  }
.LBB1_1:
0x22: {  	p1 =	sge.u32 s15, s6  }
0x23: {  	s18 =	sxor.u32 @!p1 $0xFFFFFFFF, s15;
	s19 =	sshll.u32 @!p1 s14, $0x12  }
0x24: {  	s20 =	sshll.u32 @!p1 s13, $0x4;
	s22 =	simm.s32 @!p1 $0x40;
	s23 =	simm.s32 @!p1 $0x80  }
0x25: {  	s18 =	sshll.u32 @!p1 s18, $0xE;
	s20 =	sand.u32 @!p1 $0x3FFF0, s20;
	s21 =	sadd.s32 @!p1 s7, s19  }
0x26: {  	s19 =	sadd.s32 @!p1 s19, s8;
	s18 =	sand.u32 @!p1 $0x4000, s18;
	s21 =	sadd.s32 @!p1 s20, s21  }
0x27: {  	[tilespmem:s18], [sflag:$0x1] =	stream.strided.gather @!p1 [hbm4b:s21+s22], $0x2000, s23, s22, $0x38;
	[tilespmem:$0x10100] =	vst v63  }
0x28: {  	s31 =	sadd.s32 $0xFFFFFFFF, s15;
	s19 =	sadd.s32 @!p1 s20, s19;
	s18 =	sor.u32 @!p1 $0x2000, s18  }
0x29: {  	[tilespmem:s18], [sflag:$0x1] =	stream.strided.gather @!p1 [hbm4b:s19+s22], $0x2000, s23, s22, $0x38;
	[tilespmem:$0x10100] =	vst v63  }
0x2a: {  	p1 =	sge.u32 s31, s6  }
.Ltmp2:
0x2b: {  	_ = 	snop;
	(pc) =	sbr.rel @p1 .LBB1_7-.Ltmp2, $1  }
0x2c: {  	_ =	sdelay $0x3  }
0x2d: {  	s18 =	simm.s32 $0x1;
	s20 =	sand.u32 $0x1, s15  }
0x2e: {  	_ =	swait.ge [sflag:s5], $0x4000;
	s18 =	simm.s32 @!p0 $0x0;
	s20 =	smul.u32 $0x10200, s20  }
0x2f: {  	p2 =	por $0x1, $0x1;
	[sflag:s5] =	ssyncset.done $0x0;
	s19 =	smul.u32 $0x10200, s18  }
0x30: {  	s21 =	sshll.u32 s18, $0x10;
	[sflag:s5] =	ssyncadd.s32 $0xFFFFC000;
	s30 =	sshrl.u32 s20, $0x2  }
0x31: {  	s31 =	sshrl.u32 s21, $0x2;
	s21 =	simm.s32 $0x0;
	s19 =	sshrl.u32 s19, $0x2  }
0x32: {  	s18 =	sor.u32 $0x8000, s30;
	s20 =	sadd.s32 $0x20, s31;
	s19 =	sor.u32 $0x8000, s19  }
.LBB1_3:
0x33: {  	s22 =	sshll.u32 s21, $0xD  }
0x34: {  	s22 =	sand.u32 $0x3FFFE000, s22  }
0x35: {  	s24 =	sadd.s32 s22, s20  }
0x36: {  	s31 =	smul.u32 $0x204, s21;
	v3 =	vld [tilespmem:s24+$0x10]  }
0x37: {  	v1 =	vld [tilespmem:s24+$0xFFFFFFF0]  }
0x38: {  	s21 =	sshra.s32 s31, $0x2;
	v0 =	vld [tilespmem:s24+$0x0]  }
0x39: {  	s21 =	sadd.s32 s21, s19;
	v2 =	vld [tilespmem:s24+$0xFFFFFFE0]  }
0x3a: {  	s22 =	sadd.s32 $0x0, s21  }
0x3b: {  	p1 =	por p2, p2;
	s23 =	simm.s32 $0x4;
	s24 =	sadd.s32 $0x40, s24;
	[tilespmem:s22+$0x3060 ss:$0x102] =	vst.msk $0xffff, v3  }
.LBB1_4:
0x3c: {  	v3 =	vld [tilespmem:s24+$0x10];
	p2 =	sne.s32 s23, $0x1FC;
	[tilespmem:s22+$0x1020 ss:$0x102] =	vst.msk $0xffff, v1;
	s25 =	smov.u32 s23;
	s23 =	sadd.s32 $0x4, s23  }
.Ltmp3:
0x3d: {  	v1 =	vld [tilespmem:s24+$0xFFFFFFF0];
	[tilespmem:s22+$0x2040 ss:$0x102] =	vst.msk $0xffff, v0;
	(pc) =	sbr.rel @p2 .LBB1_4-.Ltmp3, $4  }
0x3e: {  	v0 =	vld [tilespmem:s24+$0x0];
	[tilespmem:s22+$0x0 ss:$0x102] =	vst.msk $0xffff, v2  }
0x3f: {  	s22 =	sshra.s32 s25, $0x2;
	v2 =	vld [tilespmem:s24+$0xFFFFFFE0]  }
0x40: {  	s22 =	sadd.s32 s22, s21  }
0x41: {  	s24 =	sadd.s32 $0x40, s24;
	[tilespmem:s22+$0x3060 ss:$0x102] =	vst.msk $0xffff, v3  }
.Ltmp4:
0x42: {  	(pc) =	sbr.rel @p1 .LBB1_3-.Ltmp4, $4  }
0x43: {  	_ = 	snop  }
0x44: {  	[tilespmem:s22+$0x1020 ss:$0x102] =	vst.msk $0xffff, v1  }
0x45: {  	[tilespmem:s22+$0x2040 ss:$0x102] =	vst.msk $0xffff, v0  }
0x46: {  	s21 =	simm.s32 $0x1;
	p2 =	por $0x0, $0x0;
	[tilespmem:s22+$0x0 ss:$0x102] =	vst.msk $0xffff, v2  }
0x47: {  	s19 =	sand.u32 $0x78, s11;
	p1 =	sgt.s32 s12, $0x1E;
	s20 =	smov.u32 s12  }
0x48: {  	s21 =	sshra.s32 s12, $0x1F;
	s22 =	sshll.u32 s12, $0xE;
	s23 =	sshll.u32 s11, $0x3  }
0x49: {  	s30 =	sshra.s32 s11, $0x1F;
	s25 =	sshll.u32 s12, $0x7;
	s20 =	simm.s32 @!p1 $0x1E  }
0x4a: {  	s21 =	sand.u32 s21, s12;
	s22 =	sand.u32 $0x60000, s22;
	p1 =	sgt.s32 s11, $0x3F80  }
0x4b: {  	s25 =	sand.u32 $0x380, s25;
	s20 =	ssub.s32 s20, s21;
	s21 =	smov.u32 s11  }
0x4c: {  	s22 =	sadd.s32 s22, s23;
	s24 =	sadd.s32 $0xFFFFFFE2, s20;
	s21 =	simm.s32 @!p1 $0x3F80  }
0x4d: {  	s20 =	ssub.s32 $0x20, s20;
	p1 =	sgt.s32 s24, $0x1;
	s24 =	sand.u32 s30, s11  }
0x4e: {  	s23 =	sand.u32 $0x3C00, s23;
	s20 =	smul.u32 $0x32, s20;
	s21 =	ssub.s32 s21, s24  }
0x4f: {  	s19 =	sor.u32 s25, s19;
	s22 =	sand.u32 $0x7C000, s22;
	s24 =	sadd.s32 $0xFFFFC080, s21  }
0x50: {  	s20 =	simm.s32 @p1 $0x0;
	s21 =	ssub.s32 $0x4000, s21;
	p1 =	sgt.s32 s24, $0x7F  }
.Ltmp5:
0x51: {  	s19 =	sor.u32 s23, s19;
	s21 =	simm.s32 @p1 $0x0;
	(pc) =	sbr.rel .LBB1_7-.Ltmp5, $4  }
0x52: {  	s31 =	sand.u32 $0x7, s11;
	s19 =	sor.u32 s22, s19;
	s20 =	smul.u32 s21, s20  }
0x53: {  	s19 =	sshrl.u32 s19, $0x3;
	s21 =	sshll.u32 s31, $0x12  }
0x54: {  	s19 =	sadd.s32 s2, s19;
	s21 =	sor.u32 $0x100, s21;
	s20 =	sand.u32 $0x3FFFFFFE, s20  }
0x55: {  	[hbm4b:s19+s21] =	stream.strided.scatter [tilespmem:s18], [sflag:$0x2], s20, s10, s21, $0x20;
	[tilespmem:$0x10100] =	vst v63  }
.LBB1_8:
0x56: {  	_ =	sfence.sel $0x180000  }
0x57: {  	s2 =	simm.s32 $0x1;
	[bflag:$0x0] =	sbarrier.arrive $0xFFFF  }
0x58: {  	s31 =	simm.s32 $0x2;
	[sflag:s2] =	ssyncpa.u1 $0x1  }
0x59: {  	[sflag:s31] =	ssyncpa.u1 $0x1  }
0x5a: {  	p0 =	sne.s32 s1, $0x0;
	_ =	strace $0x9000004D  }
0x5b: {  	s0 =	sadd.s32 @!p0 $0x100000, s0;
	[bflag:$0x2] =	sbarrier.arrive $0xFFFF  }
0x5c: {  	[sflag:s0] =	ssyncadd.tile.s32 @!p0 $0x1;
	_ =	shalt  }
.Lfunc_end1:
_tile_overlayer_lowered:
.L_overlay_start_2:
0x5d: {  	(tag) =	ssettag $0x2  }
0x5e: {  	s0 =	rddreg [dreg:$0x0];
	s2 =	stileid.u32  }
0x5f: {  	s1 =	rddreg [dreg:$0x1];
	p0 =	sne.s32 s2, $0x0  }
0x60: {  	s3 =	rddreg [dreg:$0x2];
	[bflag:$0x3] =	sbarrier.arrive $0xFFFF;
	s2 =	simm.s32 @!p0 $0x1C01  }
0x61: {  	[timem:s3], [sflag:s2] =	dma.local @!p0 [hbm:s0], s1  }
0x62: {  	s0 =	simm.s32 @!p0 $0x1  }
0x63: {  	_ =	swait.ge @!p0 [sflag:s0], s1  }
0x64: {  	s1 =	ssub.s32 @!p0 $0x0, s1;
	[sflag:s0] =	ssyncset.done @!p0 $0x0  }
0x65: {  	[sflag:s0] =	ssyncadd.s32 @!p0 s1  }
0x66: {  	[bflag:$0x3] =	sbarrier.arrive $0xFFFF  }
0x67: {  	_ =	shalt  }

</sc_bundles>
